<compile_context>
chip_gen: v7x
topology: tpu7x:2x2x1
jax: 0.10.2.dev20260603
libtpu: 0.0.44.dev20260713+nightly
codegen_flags: <defaults>
</compile_context>

<pallas_src>
import functools

import jax
import jax.numpy as jnp
from jax import lax
from jax.experimental import pallas as pl
from jax.experimental.pallas import tpu as pltpu
from jax.experimental.pallas import tpu_sc as plsc

N = 10000
F = 128
E = 320000
NC = 2
NS = 16
NW = NC * NS
CHUNK = 128
NROW = E // CHUNK
NROWP = 2512
NCHD = 80
NCHM = 160
NDEG = 10112
DEG_SL = NDEG // NS
NACC = 10240
ACC_SL = NACC // NS
HF = F // NC
KR = 2
BLK = 1024
GRID = (N + BLK - 1) // BLK

_mesh = plsc.VectorSubcoreMesh(
    core_axis_name="c", subcore_axis_name="s", num_cores=NC, num_subcores=NS)



def _deg_body(ei_hbm, ones_hbm, zeros_hbm, deg_out, src_out, dst_out,
              ev, src_v, dst_v, ones_v, zbuf_v, semd, semw, deg_sh):
    cid = lax.axis_index("c")
    sid = lax.axis_index("s")
    wid = sid * NC + cid
    is_last = wid == NW - 1
    nch = jnp.where(is_last, NROW - NCHD * (NW - 1), NCHD)
    ebase = wid * NCHD
    pltpu.sync_copy(zeros_hbm, zbuf_v)
    pltpu.sync_copy(zbuf_v, deg_sh.at[pl.ds(sid * DEG_SL, DEG_SL)])
    pltpu.sync_copy(ones_hbm, ones_v)

    @pl.when(jnp.logical_not(is_last))
    def _():
        pltpu.sync_copy(
            ei_hbm.at[pl.ds(0, 2), pl.ds(ebase * CHUNK, NCHD * CHUNK)],
            ev.at[pl.ds(0, 2), pl.ds(0, NCHD * CHUNK)])

    @pl.when(is_last)
    def _():
        pltpu.sync_copy(
            ei_hbm.at[pl.ds(0, 2), pl.ds(ebase * CHUNK, 20 * CHUNK)],
            ev.at[pl.ds(0, 2), pl.ds(0, 20 * CHUNK)])

    def vcopy(j, carry):
        for k in range(CHUNK // 16):
            sl = pl.ds(j * CHUNK + k * 16, 16)
            src_v[j, pl.ds(k * 16, 16)] = ev[0, sl]
            dst_v[j, pl.ds(k * 16, 16)] = ev[1, sl]
        return carry

    lax.fori_loop(0, nch, vcopy, 0)

    @pl.when(jnp.logical_not(is_last))
    def _():
        pltpu.async_copy(src_v.at[pl.ds(0, NCHD)],
                         src_out.at[pl.ds(ebase, NCHD)], semw)
        pltpu.async_copy(dst_v.at[pl.ds(0, NCHD)],
                         dst_out.at[pl.ds(ebase, NCHD)], semw)

    @pl.when(is_last)
    def _():
        pltpu.async_copy(src_v.at[pl.ds(0, 24)],
                         src_out.at[pl.ds(ebase, 24)], semw)
        pltpu.async_copy(dst_v.at[pl.ds(0, 24)],
                         dst_out.at[pl.ds(ebase, 24)], semw)

    def hbody(j, carry):
        pltpu.async_copy(ones_v, deg_sh.at[dst_v.at[j]], semd, add=True)

        @pl.when(j >= 1)
        def _():
            pltpu.make_async_copy(ones_v, deg_sh.at[dst_v.at[j - 1]],
                                  semd).wait()

        return carry

    lax.fori_loop(0, nch, hbody, 0)
    pltpu.make_async_copy(ones_v, deg_sh.at[dst_v.at[nch - 1]], semd).wait()

    @pl.when(jnp.logical_not(is_last))
    def _():
        pltpu.make_async_copy(src_v.at[pl.ds(0, NCHD)],
                              src_out.at[pl.ds(ebase, NCHD)], semw).wait()
        pltpu.make_async_copy(dst_v.at[pl.ds(0, NCHD)],
                              dst_out.at[pl.ds(ebase, NCHD)], semw).wait()

    @pl.when(is_last)
    def _():
        pltpu.make_async_copy(src_v.at[pl.ds(0, 24)],
                              src_out.at[pl.ds(ebase, 24)], semw).wait()
        pltpu.make_async_copy(dst_v.at[pl.ds(0, 24)],
                              dst_out.at[pl.ds(ebase, 24)], semw).wait()

    plsc.subcore_barrier()
    pltpu.sync_copy(deg_sh.at[pl.ds(sid * DEG_SL, DEG_SL)], zbuf_v)
    pltpu.sync_copy(zbuf_v,
                    deg_out.at[pl.ds(cid * NDEG + sid * DEG_SL, DEG_SL)])


_deg_call = functools.partial(
    pl.kernel,
    out_type=[
        jax.ShapeDtypeStruct((NC * NDEG,), jnp.float32),
        jax.ShapeDtypeStruct((NROWP, CHUNK), jnp.int32),
        jax.ShapeDtypeStruct((NROWP, CHUNK), jnp.int32),
    ],
    mesh=_mesh,
    scratch_types=[
        pltpu.VMEM((2, NCHD * CHUNK), jnp.int32),
        pltpu.VMEM((NCHD, CHUNK), jnp.int32),
        pltpu.VMEM((NCHD, CHUNK), jnp.int32),
        pltpu.VMEM((CHUNK,), jnp.float32),
        pltpu.VMEM((DEG_SL,), jnp.float32),
        pltpu.SemaphoreType.DMA,
        pltpu.SemaphoreType.DMA,
        pltpu.VMEM_SHARED((NDEG,), jnp.float32),
    ],
)(_deg_body)



def _msg_body(hpL_hbm, hpR_hbm, src_hbm, dst_hbm, zrows_hbm, out_hbm,
              src_v, dst_v, gbuf, sem, sem_s, acc_sh):
    cid = lax.axis_index("c")
    sid = lax.axis_index("s")
    pltpu.sync_copy(zrows_hbm, gbuf.at[0, 0])
    for k in range(ACC_SL // CHUNK):
        pltpu.sync_copy(gbuf.at[0, 0],
                        acc_sh.at[pl.ds(sid * ACC_SL + k * CHUNK, CHUNK)])
    rbase = jnp.where(sid < 8, sid * 160,
                      jnp.where(sid < 15, 1280 + (sid - 8) * 152, 2344))
    ngrp = jnp.where(sid < 8, 80, jnp.where(sid < 15, 76, 78))
    pltpu.sync_copy(src_hbm.at[pl.ds(rbase, NCHM)], src_v)
    pltpu.sync_copy(dst_hbm.at[pl.ds(rbase, NCHM)], dst_v)
    plsc.subcore_barrier()

    def run(hp_hbm):
        for g0 in range(2):
            for k in range(KR):
                pltpu.async_copy(hp_hbm.at[src_v.at[g0 * KR + k]],
                                 gbuf.at[g0, k], sem)

        def body(g, carry):
            gb = lax.rem(g, 3)
            base = g * KR
            for k in range(KR):
                pltpu.make_async_copy(
                    hp_hbm.at[src_v.at[base + k]],
                    gbuf.at[gb, k], sem).wait()

            @pl.when(g >= 1)
            def _():
                for k in range(KR):
                    pltpu.make_async_copy(
                        gbuf.at[lax.rem(g - 1, 3), k],
                        acc_sh.at[dst_v.at[(g - 1) * KR + k]], sem_s).wait()

            @pl.when(g + 2 < ngrp)
            def _():
                for k in range(KR):
                    pltpu.async_copy(
                        hp_hbm.at[src_v.at[(g + 2) * KR + k]],
                        gbuf.at[lax.rem(g + 2, 3), k], sem)

            for k in range(KR):
                pltpu.async_copy(gbuf.at[gb, k],
                                 acc_sh.at[dst_v.at[base + k]], sem_s,
                                 add=True)
            return carry

        lax.fori_loop(0, ngrp, body, 0)
        for k in range(KR):
            pltpu.make_async_copy(
                gbuf.at[(ngrp - 1) % 3, k],
                acc_sh.at[dst_v.at[(ngrp - 1) * KR + k]], sem_s).wait()

    @pl.when(cid == 0)
    def _():
        run(hpL_hbm)

    @pl.when(cid == 1)
    def _():
        run(hpR_hbm)

    plsc.subcore_barrier()
    for k in range(ACC_SL // CHUNK):
        kb = k % 2
        base = sid * ACC_SL + k * CHUNK
        if k >= 2:
            pbase = sid * ACC_SL + (k - 2) * CHUNK
            pltpu.make_async_copy(gbuf.at[0, kb],
                                  out_hbm.at[cid, pl.ds(pbase, CHUNK)],
                                  sem).wait()
        pltpu.sync_copy(acc_sh.at[pl.ds(base, CHUNK)], gbuf.at[0, kb])
        pltpu.async_copy(gbuf.at[0, kb], out_hbm.at[cid, pl.ds(base, CHUNK)],
                         sem)
    for k in range(ACC_SL // CHUNK - 2, ACC_SL // CHUNK):
        base = sid * ACC_SL + k * CHUNK
        pltpu.make_async_copy(gbuf.at[0, k % 2],
                              out_hbm.at[cid, pl.ds(base, CHUNK)],
                              sem).wait()


_msg_call = functools.partial(
    pl.kernel,
    out_type=jax.ShapeDtypeStruct((NC, NACC, HF), jnp.float32),
    mesh=_mesh,
    scratch_types=[
        pltpu.VMEM((NCHM, CHUNK), jnp.int32),
        pltpu.VMEM((NCHM, CHUNK), jnp.int32),
        pltpu.VMEM((3, KR, CHUNK, HF), jnp.float32),
        pltpu.SemaphoreType.DMA,
        pltpu.SemaphoreType.DMA,
        pltpu.VMEM_SHARED((NACC, HF), jnp.float32),
    ],
    compiler_params=pltpu.CompilerParams(use_tc_tiling_on_sc=False),
)(_msg_body)



def _mm_body(x_ref, w_ref, h_ref):
    h_ref[...] = jnp.dot(x_ref[...], w_ref[...],
                         preferred_element_type=jnp.float32)


def _mm_call(x, W_gc):
    return pl.pallas_call(
        _mm_body,
        grid=(GRID,),
        in_specs=[
            pl.BlockSpec((BLK, F), lambda i: (i, 0)),
            pl.BlockSpec((F, F), lambda i: (0, 0)),
        ],
        out_specs=pl.BlockSpec((BLK, F), lambda i: (i, 0)),
        out_shape=jax.ShapeDtypeStruct((N, F), jnp.float32),
    )(x, W_gc)



def _tc1_body(h_ref, degp_ref, hpL_ref, hpR_ref, dinv_ref):
    deg = degp_ref[0, :] + degp_ref[1, :] + 1.0
    dinv = lax.rsqrt(deg)
    hp = h_ref[...] * dinv[:, None]
    hpL_ref[...] = hp[:, :HF]
    hpR_ref[...] = hp[:, HF:]
    dinv_ref[...] = dinv[:, None]


def _tc1_call(h, degp):
    return pl.pallas_call(
        _tc1_body,
        grid=(GRID,),
        in_specs=[
            pl.BlockSpec((BLK, F), lambda i: (i, 0)),
            pl.BlockSpec((NC, BLK), lambda i: (0, i)),
        ],
        out_specs=[
            pl.BlockSpec((BLK, HF), lambda i: (i, 0)),
            pl.BlockSpec((BLK, HF), lambda i: (i, 0)),
            pl.BlockSpec((BLK, 1), lambda i: (i, 0)),
        ],
        out_shape=[
            jax.ShapeDtypeStruct((N, HF), jnp.float32),
            jax.ShapeDtypeStruct((N, HF), jnp.float32),
            jax.ShapeDtypeStruct((N, 1), jnp.float32),
        ],
    )(h, degp)



def _tc2_body(accp_ref, hpL_ref, hpR_ref, dinv_ref, t_ref, bgc_ref,
              w00_ref, b00_ref, w10_ref, b10_ref,
              w01t_ref, b01_ref, w11t_ref, b11_ref, wpst_ref, bps_ref,
              y_ref, dist_ref, ps_ref):
    acc = jnp.concatenate(
        [accp_ref[0] + hpL_ref[...], accp_ref[1] + hpR_ref[...]], axis=1)
    dist = jnp.maximum(acc * dinv_ref[...] + bgc_ref[...], 0.0)
    dist_ref[...] = dist
    y00 = jnp.maximum(
        jnp.dot(dist, w00_ref[...], preferred_element_type=jnp.float32)
        + b00_ref[...], 0.0)
    y0 = jnp.sum(y00 * w01t_ref[...], axis=1) + b01_ref[0, 0]
    y10 = jnp.maximum(
        jnp.dot(dist, w10_ref[...], preferred_element_type=jnp.float32)
        + b10_ref[...], 0.0)
    y1 = jnp.sum(y10 * w11t_ref[...], axis=1) + b11_ref[0, 0]
    y_ref[...] = jnp.where(t_ref[...] > 0, y1, y0)
    ps = jnp.sum(dist * wpst_ref[...], axis=1) + bps_ref[0, 0]
    ps_ref[...] = jax.nn.sigmoid(ps)


def _tc2_call(accp, hpL, hpR, dinv, t, bgc, w00, b00, w10, b10,
              w01t, b01, w11t, b11, wpst, bps):
    def full(shape):
        nd = len(shape)
        return pl.BlockSpec(shape, lambda i, _nd=nd: (0,) * _nd)
    return pl.pallas_call(
        _tc2_body,
        grid=(GRID,),
        in_specs=[
            pl.BlockSpec((NC, BLK, HF), lambda i: (0, i, 0)),
            pl.BlockSpec((BLK, HF), lambda i: (i, 0)),
            pl.BlockSpec((BLK, HF), lambda i: (i, 0)),
            pl.BlockSpec((BLK, 1), lambda i: (i, 0)),
            pl.BlockSpec((BLK,), lambda i: (i,)),
            full((1, F)),
            full((F, F)), full((1, F)),
            full((F, F)), full((1, F)),
            full((1, F)), full((1, 1)),
            full((1, F)), full((1, 1)),
            full((1, F)), full((1, 1)),
        ],
        out_specs=[
            pl.BlockSpec((BLK,), lambda i: (i,)),
            pl.BlockSpec((BLK, F), lambda i: (i, 0)),
            pl.BlockSpec((BLK,), lambda i: (i,)),
        ],
        out_shape=[
            jax.ShapeDtypeStruct((N,), jnp.float32),
            jax.ShapeDtypeStruct((N, F), jnp.float32),
            jax.ShapeDtypeStruct((N,), jnp.float32),
        ],
    )(accp, hpL, hpR, dinv, t, bgc, w00, b00, w10, b10,
      w01t, b01, w11t, b11, wpst, bps)



def kernel(x, edge_index, t, W_gc, b_gc, W_t00, b_t00, W_t10, b_t10,
           W_t01, b_t01, W_t11, b_t11, W_ps, b_ps):
    ones = jnp.ones((CHUNK,), jnp.float32)
    zeros1 = jnp.zeros((DEG_SL,), jnp.float32)
    zrows = jnp.zeros((CHUNK, HF), jnp.float32)

    h = _mm_call(x, W_gc)
    degp, src3, dst3 = _deg_call(edge_index, ones, zeros1)
    degp = degp.reshape(NC, NDEG)
    hpL, hpR, dinv = _tc1_call(h, degp)
    accp = _msg_call(hpL, hpR, src3, dst3, zrows)
    y, dist, ps = _tc2_call(
        accp, hpL, hpR, dinv, t,
        b_gc.reshape(1, F), W_t00, b_t00.reshape(1, F),
        W_t10, b_t10.reshape(1, F),
        W_t01.reshape(1, F), b_t01.reshape(1, 1),
        W_t11.reshape(1, F), b_t11.reshape(1, 1),
        W_ps.reshape(1, F), b_ps.reshape(1, 1))
    return (y, dist, ps)

# --- scband reference (transcript-rebuilt; emitter-appended) ---
"""Pipeline reference for scband-net-deconf-5592047420131 (READ-ONLY COPY).

The authoritative reference and input builder live on the scoring server;
editing this copy changes nothing except your own understanding.
"""

import jax, jax.numpy as jnp
import numpy as np

N = 10000
E = 320000
NFEAT = 128
NHID = 128


def setup_inputs(seed: int = 0) -> dict:
    key = jax.random.key(seed)
    ks = jax.random.split(key, 16)
    x = jax.random.normal(ks[0], (N, NFEAT), dtype=jnp.float32)
    edge_index = jax.random.randint(ks[1], (2, E), 0, N, dtype=jnp.int32)
    t = jax.random.randint(ks[2], (N,), 0, 2, dtype=jnp.int32)
    s_in = 1.0 / np.sqrt(NFEAT)
    s_h = 1.0 / np.sqrt(NHID)
    W_gc = jax.random.normal(ks[3], (NFEAT, NHID), dtype=jnp.float32) * s_in
    b_gc = jnp.zeros((NHID,), dtype=jnp.float32)
    W_t00 = jax.random.normal(ks[4], (NHID, NHID), dtype=jnp.float32) * s_h
    b_t00 = jnp.zeros((NHID,), dtype=jnp.float32)
    W_t10 = jax.random.normal(ks[5], (NHID, NHID), dtype=jnp.float32) * s_h
    b_t10 = jnp.zeros((NHID,), dtype=jnp.float32)
    W_t01 = jax.random.normal(ks[6], (NHID, 1), dtype=jnp.float32) * s_h
    b_t01 = jnp.zeros((1,), dtype=jnp.float32)
    W_t11 = jax.random.normal(ks[7], (NHID, 1), dtype=jnp.float32) * s_h
    b_t11 = jnp.zeros((1,), dtype=jnp.float32)
    W_ps = jax.random.normal(ks[8], (NHID, 1), dtype=jnp.float32) * s_h
    b_ps = jnp.zeros((1,), dtype=jnp.float32)
    return {"x": x, "edge_index": edge_index, "t": t, "W_gc": W_gc, "b_gc": b_gc,
            "W_t00": W_t00, "b_t00": b_t00, "W_t10": W_t10, "b_t10": b_t10,
            "W_t01": W_t01, "b_t01": b_t01, "W_t11": W_t11, "b_t11": b_t11,
            "W_ps": W_ps, "b_ps": b_ps}


def _gcn_conv(x, src, dst, W, b):
    n = x.shape[0]
    loop = jnp.arange(n, dtype=src.dtype)
    src2 = jnp.concatenate([src, loop])
    dst2 = jnp.concatenate([dst, loop])
    deg = jnp.zeros((n,), dtype=x.dtype).at[dst2].add(1.0)
    dinv = jnp.where(deg > 0, jax.lax.rsqrt(jnp.maximum(deg, 1e-12)), 0.0)
    norm = dinv[src2] * dinv[dst2]
    h = x @ W
    msgs = h[src2] * norm[:, None]
    out = jnp.zeros((n, W.shape[1]), dtype=x.dtype).at[dst2].add(msgs)
    return out + b


def reference(x, edge_index, t, W_gc, b_gc, W_t00, b_t00, W_t10, b_t10,
              W_t01, b_t01, W_t11, b_t11, W_ps, b_ps):
    src, dst = edge_index[0], edge_index[1]
    dist = jax.nn.relu(_gcn_conv(x, src, dst, W_gc, b_gc))
    # dropout is identity in eval mode
    y00 = jax.nn.relu(dist @ W_t00 + b_t00)
    y10 = jax.nn.relu(dist @ W_t10 + b_t10)
    y0 = (y00 @ W_t01 + b_t01).reshape(-1)
    y1 = (y10 @ W_t11 + b_t11).reshape(-1)
    y = jnp.where(t > 0, y1, y0)
    propensity_score = jax.nn.sigmoid((dist @ W_ps + b_ps).reshape(-1))
    return (y, dist, propensity_score)

if __name__ == "__main__":
    import jax
    _d = setup_inputs()
    print(jax.jit(kernel)(*tuple(_d.values())))

</pallas_src>

<mosaic_0001>
#map = affine_map<(d0, d1) -> (0, 0)>
#map1 = affine_map<(d0, d1) -> (0, 0, 0)>
module attributes {stable_mosaic.version = 14 : i64} {
  func.func @_msg_body(%arg0: i32, %arg1: i32, %arg2: memref<10000x64xf32, #tpu.memory_space<hbm>>, %arg3: memref<10000x64xf32, #tpu.memory_space<hbm>>, %arg4: memref<2512x128xi32, #tpu.memory_space<hbm>>, %arg5: memref<2512x128xi32, #tpu.memory_space<hbm>>, %arg6: memref<128x64xf32, #tpu.memory_space<hbm>>, %arg7: memref<2x10240x64xf32, #tpu.memory_space<hbm>>, %arg8: memref<160x128xi32, #tpu.memory_space<vmem>>, %arg9: memref<160x128xi32, #tpu.memory_space<vmem>>, %arg10: memref<3x2x128x64xf32, #tpu.memory_space<vmem>>, %arg11: memref<!tpu.dma_semaphore, #tpu.memory_space<semaphore_mem>>, %arg12: memref<!tpu.dma_semaphore, #tpu.memory_space<semaphore_mem>>, %arg13: memref<10240x64xf32, #tpu.memory_space<vmem_shared>>) attributes {dimension_semantics = [#tpu.dimension_semantics<core_parallel>, #tpu.dimension_semantics<subcore_parallel>], iteration_bounds = array<i64: 2, 16>, scalar_prefetch = 0 : i64, scratch_operands = 6 : i64, tpu.core_type = #tpu.core_type<sc_vector_subcore>, window_params = [{transform_indices = #map}, {transform_indices = #map}, {transform_indices = #map}, {transform_indices = #map}, {transform_indices = #map}, {transform_indices = #map1}]} {
    %run_scoped3A = arith.constant 0 : i32
    %run_scoped3A_0 = arith.constant 0 : i32
    "tpu.region"() ({
      %run_scoped3A_265 = tpu.sem_alloc : memref<!tpu.dma_semaphore, #tpu.memory_space<semaphore_mem>>
      %dma_start3A_266 = arith.constant 0 : i32
      %dma_start3A_267 = arith.constant 0 : i32
      %dma_start3A_268 = tpu.memref_slice %arg10[%run_scoped3A, %run_scoped3A_0, %dma_start3A_266, %dma_start3A_267] : memref<3x2x128x64xf32, #tpu.memory_space<vmem>> -> memref<1x1x128x64xf32, #tpu.memory_space<vmem>>
      %dma_start3A_269 = tpu.memref_squeeze %dma_start3A_268 : memref<1x1x128x64xf32, #tpu.memory_space<vmem>> -> memref<128x64xf32, #tpu.memory_space<vmem>>
      %dma_start3A_270 = arith.constant 0 : i32
      %dma_start3A_271 = arith.constant 0 : i32
      %dma_start3A_272 = tpu.memref_slice %arg10[%run_scoped3A, %run_scoped3A_0, %dma_start3A_270, %dma_start3A_271] : memref<3x2x128x64xf32, #tpu.memory_space<vmem>> -> memref<1x1x128x64xf32, #tpu.memory_space<vmem>>
      %dma_start3A_273 = tpu.memref_squeeze %dma_start3A_272 : memref<1x1x128x64xf32, #tpu.memory_space<vmem>> -> memref<128x64xf32, #tpu.memory_space<vmem>>
      tpu.enqueue_dma source(%arg6 : memref<128x64xf32, #tpu.memory_space<hbm>>) target(%dma_start3A_273 : memref<128x64xf32, #tpu.memory_space<vmem>>) target_semaphore(%run_scoped3A_265 : memref<!tpu.dma_semaphore, #tpu.memory_space<semaphore_mem>>)
      %dma_wait3A_274 = arith.constant 0 : i32
      %dma_wait3A_275 = arith.constant 0 : i32
      %dma_wait3A_276 = tpu.memref_slice %arg10[%run_scoped3A, %run_scoped3A_0, %dma_wait3A_274, %dma_wait3A_275] : memref<3x2x128x64xf32, #tpu.memory_space<vmem>> -> memref<1x1x128x64xf32, #tpu.memory_space<vmem>>
      %dma_wait3A_277 = tpu.memref_squeeze %dma_wait3A_276 : memref<1x1x128x64xf32, #tpu.memory_space<vmem>> -> memref<128x64xf32, #tpu.memory_space<vmem>>
      %dma_wait3A_278 = arith.constant 0 : i32
      %dma_wait3A_279 = arith.constant 0 : i32
      %dma_wait3A_280 = tpu.memref_slice %arg10[%run_scoped3A, %run_scoped3A_0, %dma_wait3A_278, %dma_wait3A_279] : memref<3x2x128x64xf32, #tpu.memory_space<vmem>> -> memref<1x1x128x64xf32, #tpu.memory_space<vmem>>
      %dma_wait3A_281 = tpu.memref_squeeze %dma_wait3A_280 : memref<1x1x128x64xf32, #tpu.memory_space<vmem>> -> memref<128x64xf32, #tpu.memory_space<vmem>>
      tpu.wait_dma2 semaphore(%run_scoped3A_265 : memref<!tpu.dma_semaphore, #tpu.memory_space<semaphore_mem>>) src(%arg6 : memref<128x64xf32, #tpu.memory_space<hbm>>) dst(%dma_wait3A_281 : memref<128x64xf32, #tpu.memory_space<vmem>>)
      tpu.yield
    }) : () -> ()
    %mul3A = arith.constant 640 : i32
    %mul3A_1 = arith.muli %arg1, %mul3A : i32
    %add3A = arith.constant 0 : i32
    %add3A_2 = arith.addi %mul3A_1, %add3A : i32
    %run_scoped3A_3 = arith.constant 0 : i32
    %run_scoped3A_4 = arith.constant 0 : i32
    "tpu.region"() ({
      %run_scoped3A_265 = tpu.sem_alloc : memref<!tpu.dma_semaphore, #tpu.memory_space<semaphore_mem>>
      %dma_start3A_266 = arith.constant 0 : i32
      %dma_start3A_267 = arith.constant 0 : i32
      %dma_start3A_268 = tpu.memref_slice %arg10[%run_scoped3A_3, %run_scoped3A_4, %dma_start3A_266, %dma_start3A_267] : memref<3x2x128x64xf32, #tpu.memory_space<vmem>> -> memref<1x1x128x64xf32, #tpu.memory_space<vmem>>
      %dma_start3A_269 = tpu.memref_squeeze %dma_start3A_268 : memref<1x1x128x64xf32, #tpu.memory_space<vmem>> -> memref<128x64xf32, #tpu.memory_space<vmem>>
      %dma_start3A_270 = arith.constant 0 : i32
      %dma_start3A_271 = tpu.memref_slice %arg13[%add3A_2, %dma_start3A_270] : memref<10240x64xf32, #tpu.memory_space<vmem_shared>> -> memref<128x64xf32, #tpu.memory_space<vmem_shared>>
      %dma_start3A_272 = arith.constant 0 : i32
      %dma_start3A_273 = tpu.memref_slice %arg13[%add3A_2, %dma_start3A_272] : memref<10240x64xf32, #tpu.memory_space<vmem_shared>> -> memref<128x64xf32, #tpu.memory_space<vmem_shared>>
      %dma_start3A_274 = arith.constant 0 : i32
      %dma_start3A_275 = arith.constant 0 : i32
      %dma_start3A_276 = tpu.memref_slice %arg10[%run_scoped3A_3, %run_scoped3A_4, %dma_start3A_274, %dma_start3A_275] : memref<3x2x128x64xf32, #tpu.memory_space<vmem>> -> memref<1x1x128x64xf32, #tpu.memory_space<vmem>>
      %dma_start3A_277 = tpu.memref_squeeze %dma_start3A_276 : memref<1x1x128x64xf32, #tpu.memory_space<vmem>> -> memref<128x64xf32, #tpu.memory_space<vmem>>
      tpu.enqueue_dma source(%dma_start3A_277 : memref<128x64xf32, #tpu.memory_space<vmem>>) target(%dma_start3A_273 : memref<128x64xf32, #tpu.memory_space<vmem_shared>>) target_semaphore(%run_scoped3A_265 : memref<!tpu.dma_semaphore, #tpu.memory_space<semaphore_mem>>)
      %dma_wait3A_278 = arith.constant 0 : i32
      %dma_wait3A_279 = arith.constant 0 : i32
      %dma_wait3A_280 = tpu.memref_slice %arg10[%run_scoped3A_3, %run_scoped3A_4, %dma_wait3A_278, %dma_wait3A_279] : memref<3x2x128x64xf32, #tpu.memory_space<vmem>> -> memref<1x1x128x64xf32, #tpu.memory_space<vmem>>
      %dma_wait3A_281 = tpu.memref_squeeze %dma_wait3A_280 : memref<1x1x128x64xf32, #tpu.memory_space<vmem>> -> memref<128x64xf32, #tpu.memory_space<vmem>>
      %dma_wait3A_282 = arith.constant 0 : i32
      %dma_wait3A_283 = tpu.memref_slice %arg13[%add3A_2, %dma_wait3A_282] : memref<10240x64xf32, #tpu.memory_space<vmem_shared>> -> memref<128x64xf32, #tpu.memory_space<vmem_shared>>
      %dma_wait3A_284 = arith.constant 0 : i32
      %dma_wait3A_285 = tpu.memref_slice %arg13[%add3A_2, %dma_wait3A_284] : memref<10240x64xf32, #tpu.memory_space<vmem_shared>> -> memref<128x64xf32, #tpu.memory_space<vmem_shared>>
      %dma_wait3A_286 = arith.constant 0 : i32
      %dma_wait3A_287 = arith.constant 0 : i32
      %dma_wait3A_288 = tpu.memref_slice %arg10[%run_scoped3A_3, %run_scoped3A_4, %dma_wait3A_286, %dma_wait3A_287] : memref<3x2x128x64xf32, #tpu.memory_space<vmem>> -> memref<1x1x128x64xf32, #tpu.memory_space<vmem>>
      %dma_wait3A_289 = tpu.memref_squeeze %dma_wait3A_288 : memref<1x1x128x64xf32, #tpu.memory_space<vmem>> -> memref<128x64xf32, #tpu.memory_space<vmem>>
      tpu.wait_dma2 semaphore(%run_scoped3A_265 : memref<!tpu.dma_semaphore, #tpu.memory_space<semaphore_mem>>) src(%dma_wait3A_289 : memref<128x64xf32, #tpu.memory_space<vmem>>) dst(%dma_wait3A_285 : memref<128x64xf32, #tpu.memory_space<vmem_shared>>)
      tpu.yield
    }) : () -> ()
    %mul3A_5 = arith.constant 640 : i32
    %mul3A_6 = arith.muli %arg1, %mul3A_5 : i32
    %add3A_7 = arith.constant 128 : i32
    %add3A_8 = arith.addi %mul3A_6, %add3A_7 : i32
    %run_scoped3A_9 = arith.constant 0 : i32
    %run_scoped3A_10 = arith.constant 0 : i32
    "tpu.region"() ({
      %run_scoped3A_265 = tpu.sem_alloc : memref<!tpu.dma_semaphore, #tpu.memory_space<semaphore_mem>>
      %dma_start3A_266 = arith.constant 0 : i32
      %dma_start3A_267 = arith.constant 0 : i32
      %dma_start3A_268 = tpu.memref_slice %arg10[%run_scoped3A_9, %run_scoped3A_10, %dma_start3A_266, %dma_start3A_267] : memref<3x2x128x64xf32, #tpu.memory_space<vmem>> -> memref<1x1x128x64xf32, #tpu.memory_space<vmem>>
      %dma_start3A_269 = tpu.memref_squeeze %dma_start3A_268 : memref<1x1x128x64xf32, #tpu.memory_space<vmem>> -> memref<128x64xf32, #tpu.memory_space<vmem>>
      %dma_start3A_270 = arith.constant 0 : i32
      %dma_start3A_271 = tpu.memref_slice %arg13[%add3A_8, %dma_start3A_270] : memref<10240x64xf32, #tpu.memory_space<vmem_shared>> -> memref<128x64xf32, #tpu.memory_space<vmem_shared>>
      %dma_start3A_272 = arith.constant 0 : i32
      %dma_start3A_273 = tpu.memref_slice %arg13[%add3A_8, %dma_start3A_272] : memref<10240x64xf32, #tpu.memory_space<vmem_shared>> -> memref<128x64xf32, #tpu.memory_space<vmem_shared>>
      %dma_start3A_274 = arith.constant 0 : i32
      %dma_start3A_275 = arith.constant 0 : i32
      %dma_start3A_276 = tpu.memref_slice %arg10[%run_scoped3A_9, %run_scoped3A_10, %dma_start3A_274, %dma_start3A_275] : memref<3x2x128x64xf32, #tpu.memory_space<vmem>> -> memref<1x1x128x64xf32, #tpu.memory_space<vmem>>
      %dma_start3A_277 = tpu.memref_squeeze %dma_start3A_276 : memref<1x1x128x64xf32, #tpu.memory_space<vmem>> -> memref<128x64xf32, #tpu.memory_space<vmem>>
      tpu.enqueue_dma source(%dma_start3A_277 : memref<128x64xf32, #tpu.memory_space<vmem>>) target(%dma_start3A_273 : memref<128x64xf32, #tpu.memory_space<vmem_shared>>) target_semaphore(%run_scoped3A_265 : memref<!tpu.dma_semaphore, #tpu.memory_space<semaphore_mem>>)
      %dma_wait3A_278 = arith.constant 0 : i32
      %dma_wait3A_279 = arith.constant 0 : i32
      %dma_wait3A_280 = tpu.memref_slice %arg10[%run_scoped3A_9, %run_scoped3A_10, %dma_wait3A_278, %dma_wait3A_279] : memref<3x2x128x64xf32, #tpu.memory_space<vmem>> -> memref<1x1x128x64xf32, #tpu.memory_space<vmem>>
      %dma_wait3A_281 = tpu.memref_squeeze %dma_wait3A_280 : memref<1x1x128x64xf32, #tpu.memory_space<vmem>> -> memref<128x64xf32, #tpu.memory_space<vmem>>
      %dma_wait3A_282 = arith.constant 0 : i32
      %dma_wait3A_283 = tpu.memref_slice %arg13[%add3A_8, %dma_wait3A_282] : memref<10240x64xf32, #tpu.memory_space<vmem_shared>> -> memref<128x64xf32, #tpu.memory_space<vmem_shared>>
      %dma_wait3A_284 = arith.constant 0 : i32
      %dma_wait3A_285 = tpu.memref_slice %arg13[%add3A_8, %dma_wait3A_284] : memref<10240x64xf32, #tpu.memory_space<vmem_shared>> -> memref<128x64xf32, #tpu.memory_space<vmem_shared>>
      %dma_wait3A_286 = arith.constant 0 : i32
      %dma_wait3A_287 = arith.constant 0 : i32
      %dma_wait3A_288 = tpu.memref_slice %arg10[%run_scoped3A_9, %run_scoped3A_10, %dma_wait3A_286, %dma_wait3A_287] : memref<3x2x128x64xf32, #tpu.memory_space<vmem>> -> memref<1x1x128x64xf32, #tpu.memory_space<vmem>>
      %dma_wait3A_289 = tpu.memref_squeeze %dma_wait3A_288 : memref<1x1x128x64xf32, #tpu.memory_space<vmem>> -> memref<128x64xf32, #tpu.memory_space<vmem>>
      tpu.wait_dma2 semaphore(%run_scoped3A_265 : memref<!tpu.dma_semaphore, #tpu.memory_space<semaphore_mem>>) src(%dma_wait3A_289 : memref<128x64xf32, #tpu.memory_space<vmem>>) dst(%dma_wait3A_285 : memref<128x64xf32, #tpu.memory_space<vmem_shared>>)
      tpu.yield
    }) : () -> ()
    %mul3A_11 = arith.constant 640 : i32
    %mul3A_12 = arith.muli %arg1, %mul3A_11 : i32
    %add3A_13 = arith.constant 256 : i32
    %add3A_14 = arith.addi %mul3A_12, %add3A_13 : i32
    %run_scoped3A_15 = arith.constant 0 : i32
    %run_scoped3A_16 = arith.constant 0 : i32
    "tpu.region"() ({
      %run_scoped3A_265 = tpu.sem_alloc : memref<!tpu.dma_semaphore, #tpu.memory_space<semaphore_mem>>
      %dma_start3A_266 = arith.constant 0 : i32
      %dma_start3A_267 = arith.constant 0 : i32
      %dma_start3A_268 = tpu.memref_slice %arg10[%run_scoped3A_15, %run_scoped3A_16, %dma_start3A_266, %dma_start3A_267] : memref<3x2x128x64xf32, #tpu.memory_space<vmem>> -> memref<1x1x128x64xf32, #tpu.memory_space<vmem>>
      %dma_start3A_269 = tpu.memref_squeeze %dma_start3A_268 : memref<1x1x128x64xf32, #tpu.memory_space<vmem>> -> memref<128x64xf32, #tpu.memory_space<vmem>>
      %dma_start3A_270 = arith.constant 0 : i32
      %dma_start3A_271 = tpu.memref_slice %arg13[%add3A_14, %dma_start3A_270] : memref<10240x64xf32, #tpu.memory_space<vmem_shared>> -> memref<128x64xf32, #tpu.memory_space<vmem_shared>>
      %dma_start3A_272 = arith.constant 0 : i32
      %dma_start3A_273 = tpu.memref_slice %arg13[%add3A_14, %dma_start3A_272] : memref<10240x64xf32, #tpu.memory_space<vmem_shared>> -> memref<128x64xf32, #tpu.memory_space<vmem_shared>>
      %dma_start3A_274 = arith.constant 0 : i32
      %dma_start3A_275 = arith.constant 0 : i32
      %dma_start3A_276 = tpu.memref_slice %arg10[%run_scoped3A_15, %run_scoped3A_16, %dma_start3A_274, %dma_start3A_275] : memref<3x2x128x64xf32, #tpu.memory_space<vmem>> -> memref<1x1x128x64xf32, #tpu.memory_space<vmem>>
      %dma_start3A_277 = tpu.memref_squeeze %dma_start3A_276 : memref<1x1x128x64xf32, #tpu.memory_space<vmem>> -> memref<128x64xf32, #tpu.memory_space<vmem>>
      tpu.enqueue_dma source(%dma_start3A_277 : memref<128x64xf32, #tpu.memory_space<vmem>>) target(%dma_start3A_273 : memref<128x64xf32, #tpu.memory_space<vmem_shared>>) target_semaphore(%run_scoped3A_265 : memref<!tpu.dma_semaphore, #tpu.memory_space<semaphore_mem>>)
      %dma_wait3A_278 = arith.constant 0 : i32
      %dma_wait3A_279 = arith.constant 0 : i32
      %dma_wait3A_280 = tpu.memref_slice %arg10[%run_scoped3A_15, %run_scoped3A_16, %dma_wait3A_278, %dma_wait3A_279] : memref<3x2x128x64xf32, #tpu.memory_space<vmem>> -> memref<1x1x128x64xf32, #tpu.memory_space<vmem>>
      %dma_wait3A_281 = tpu.memref_squeeze %dma_wait3A_280 : memref<1x1x128x64xf32, #tpu.memory_space<vmem>> -> memref<128x64xf32, #tpu.memory_space<vmem>>
      %dma_wait3A_282 = arith.constant 0 : i32
      %dma_wait3A_283 = tpu.memref_slice %arg13[%add3A_14, %dma_wait3A_282] : memref<10240x64xf32, #tpu.memory_space<vmem_shared>> -> memref<128x64xf32, #tpu.memory_space<vmem_shared>>
      %dma_wait3A_284 = arith.constant 0 : i32
      %dma_wait3A_285 = tpu.memref_slice %arg13[%add3A_14, %dma_wait3A_284] : memref<10240x64xf32, #tpu.memory_space<vmem_shared>> -> memref<128x64xf32, #tpu.memory_space<vmem_shared>>
      %dma_wait3A_286 = arith.constant 0 : i32
      %dma_wait3A_287 = arith.constant 0 : i32
      %dma_wait3A_288 = tpu.memref_slice %arg10[%run_scoped3A_15, %run_scoped3A_16, %dma_wait3A_286, %dma_wait3A_287] : memref<3x2x128x64xf32, #tpu.memory_space<vmem>> -> memref<1x1x128x64xf32, #tpu.memory_space<vmem>>
      %dma_wait3A_289 = tpu.memref_squeeze %dma_wait3A_288 : memref<1x1x128x64xf32, #tpu.memory_space<vmem>> -> memref<128x64xf32, #tpu.memory_space<vmem>>
      tpu.wait_dma2 semaphore(%run_scoped3A_265 : memref<!tpu.dma_semaphore, #tpu.memory_space<semaphore_mem>>) src(%dma_wait3A_289 : memref<128x64xf32, #tpu.memory_space<vmem>>) dst(%dma_wait3A_285 : memref<128x64xf32, #tpu.memory_space<vmem_shared>>)
      tpu.yield
    }) : () -> ()
    %mul3A_17 = arith.constant 640 : i32
    %mul3A_18 = arith.muli %arg1, %mul3A_17 : i32
    %add3A_19 = arith.constant 384 : i32
    %add3A_20 = arith.addi %mul3A_18, %add3A_19 : i32
    %run_scoped3A_21 = arith.constant 0 : i32
    %run_scoped3A_22 = arith.constant 0 : i32
    "tpu.region"() ({
      %run_scoped3A_265 = tpu.sem_alloc : memref<!tpu.dma_semaphore, #tpu.memory_space<semaphore_mem>>
      %dma_start3A_266 = arith.constant 0 : i32
      %dma_start3A_267 = arith.constant 0 : i32
      %dma_start3A_268 = tpu.memref_slice %arg10[%run_scoped3A_21, %run_scoped3A_22, %dma_start3A_266, %dma_start3A_267] : memref<3x2x128x64xf32, #tpu.memory_space<vmem>> -> memref<1x1x128x64xf32, #tpu.memory_space<vmem>>
      %dma_start3A_269 = tpu.memref_squeeze %dma_start3A_268 : memref<1x1x128x64xf32, #tpu.memory_space<vmem>> -> memref<128x64xf32, #tpu.memory_space<vmem>>
      %dma_start3A_270 = arith.constant 0 : i32
      %dma_start3A_271 = tpu.memref_slice %arg13[%add3A_20, %dma_start3A_270] : memref<10240x64xf32, #tpu.memory_space<vmem_shared>> -> memref<128x64xf32, #tpu.memory_space<vmem_shared>>
      %dma_start3A_272 = arith.constant 0 : i32
      %dma_start3A_273 = tpu.memref_slice %arg13[%add3A_20, %dma_start3A_272] : memref<10240x64xf32, #tpu.memory_space<vmem_shared>> -> memref<128x64xf32, #tpu.memory_space<vmem_shared>>
      %dma_start3A_274 = arith.constant 0 : i32
      %dma_start3A_275 = arith.constant 0 : i32
      %dma_start3A_276 = tpu.memref_slice %arg10[%run_scoped3A_21, %run_scoped3A_22, %dma_start3A_274, %dma_start3A_275] : memref<3x2x128x64xf32, #tpu.memory_space<vmem>> -> memref<1x1x128x64xf32, #tpu.memory_space<vmem>>
      %dma_start3A_277 = tpu.memref_squeeze %dma_start3A_276 : memref<1x1x128x64xf32, #tpu.memory_space<vmem>> -> memref<128x64xf32, #tpu.memory_space<vmem>>
      tpu.enqueue_dma source(%dma_start3A_277 : memref<128x64xf32, #tpu.memory_space<vmem>>) target(%dma_start3A_273 : memref<128x64xf32, #tpu.memory_space<vmem_shared>>) target_semaphore(%run_scoped3A_265 : memref<!tpu.dma_semaphore, #tpu.memory_space<semaphore_mem>>)
      %dma_wait3A_278 = arith.constant 0 : i32
      %dma_wait3A_279 = arith.constant 0 : i32
      %dma_wait3A_280 = tpu.memref_slice %arg10[%run_scoped3A_21, %run_scoped3A_22, %dma_wait3A_278, %dma_wait3A_279] : memref<3x2x128x64xf32, #tpu.memory_space<vmem>> -> memref<1x1x128x64xf32, #tpu.memory_space<vmem>>
      %dma_wait3A_281 = tpu.memref_squeeze %dma_wait3A_280 : memref<1x1x128x64xf32, #tpu.memory_space<vmem>> -> memref<128x64xf32, #tpu.memory_space<vmem>>
      %dma_wait3A_282 = arith.constant 0 : i32
      %dma_wait3A_283 = tpu.memref_slice %arg13[%add3A_20, %dma_wait3A_282] : memref<10240x64xf32, #tpu.memory_space<vmem_shared>> -> memref<128x64xf32, #tpu.memory_space<vmem_shared>>
      %dma_wait3A_284 = arith.constant 0 : i32
      %dma_wait3A_285 = tpu.memref_slice %arg13[%add3A_20, %dma_wait3A_284] : memref<10240x64xf32, #tpu.memory_space<vmem_shared>> -> memref<128x64xf32, #tpu.memory_space<vmem_shared>>
      %dma_wait3A_286 = arith.constant 0 : i32
      %dma_wait3A_287 = arith.constant 0 : i32
      %dma_wait3A_288 = tpu.memref_slice %arg10[%run_scoped3A_21, %run_scoped3A_22, %dma_wait3A_286, %dma_wait3A_287] : memref<3x2x128x64xf32, #tpu.memory_space<vmem>> -> memref<1x1x128x64xf32, #tpu.memory_space<vmem>>
      %dma_wait3A_289 = tpu.memref_squeeze %dma_wait3A_288 : memref<1x1x128x64xf32, #tpu.memory_space<vmem>> -> memref<128x64xf32, #tpu.memory_space<vmem>>
      tpu.wait_dma2 semaphore(%run_scoped3A_265 : memref<!tpu.dma_semaphore, #tpu.memory_space<semaphore_mem>>) src(%dma_wait3A_289 : memref<128x64xf32, #tpu.memory_space<vmem>>) dst(%dma_wait3A_285 : memref<128x64xf32, #tpu.memory_space<vmem_shared>>)
      tpu.yield
    }) : () -> ()
    %mul3A_23 = arith.constant 640 : i32
    %mul3A_24 = arith.muli %arg1, %mul3A_23 : i32
    %add3A_25 = arith.constant 512 : i32
    %add3A_26 = arith.addi %mul3A_24, %add3A_25 : i32
    %run_scoped3A_27 = arith.constant 0 : i32
    %run_scoped3A_28 = arith.constant 0 : i32
    "tpu.region"() ({
      %run_scoped3A_265 = tpu.sem_alloc : memref<!tpu.dma_semaphore, #tpu.memory_space<semaphore_mem>>
      %dma_start3A_266 = arith.constant 0 : i32
      %dma_start3A_267 = arith.constant 0 : i32
      %dma_start3A_268 = tpu.memref_slice %arg10[%run_scoped3A_27, %run_scoped3A_28, %dma_start3A_266, %dma_start3A_267] : memref<3x2x128x64xf32, #tpu.memory_space<vmem>> -> memref<1x1x128x64xf32, #tpu.memory_space<vmem>>
      %dma_start3A_269 = tpu.memref_squeeze %dma_start3A_268 : memref<1x1x128x64xf32, #tpu.memory_space<vmem>> -> memref<128x64xf32, #tpu.memory_space<vmem>>
      %dma_start3A_270 = arith.constant 0 : i32
      %dma_start3A_271 = tpu.memref_slice %arg13[%add3A_26, %dma_start3A_270] : memref<10240x64xf32, #tpu.memory_space<vmem_shared>> -> memref<128x64xf32, #tpu.memory_space<vmem_shared>>
      %dma_start3A_272 = arith.constant 0 : i32
      %dma_start3A_273 = tpu.memref_slice %arg13[%add3A_26, %dma_start3A_272] : memref<10240x64xf32, #tpu.memory_space<vmem_shared>> -> memref<128x64xf32, #tpu.memory_space<vmem_shared>>
      %dma_start3A_274 = arith.constant 0 : i32
      %dma_start3A_275 = arith.constant 0 : i32
      %dma_start3A_276 = tpu.memref_slice %arg10[%run_scoped3A_27, %run_scoped3A_28, %dma_start3A_274, %dma_start3A_275] : memref<3x2x128x64xf32, #tpu.memory_space<vmem>> -> memref<1x1x128x64xf32, #tpu.memory_space<vmem>>
      %dma_start3A_277 = tpu.memref_squeeze %dma_start3A_276 : memref<1x1x128x64xf32, #tpu.memory_space<vmem>> -> memref<128x64xf32, #tpu.memory_space<vmem>>
      tpu.enqueue_dma source(%dma_start3A_277 : memref<128x64xf32, #tpu.memory_space<vmem>>) target(%dma_start3A_273 : memref<128x64xf32, #tpu.memory_space<vmem_shared>>) target_semaphore(%run_scoped3A_265 : memref<!tpu.dma_semaphore, #tpu.memory_space<semaphore_mem>>)
      %dma_wait3A_278 = arith.constant 0 : i32
      %dma_wait3A_279 = arith.constant 0 : i32
      %dma_wait3A_280 = tpu.memref_slice %arg10[%run_scoped3A_27, %run_scoped3A_28, %dma_wait3A_278, %dma_wait3A_279] : memref<3x2x128x64xf32, #tpu.memory_space<vmem>> -> memref<1x1x128x64xf32, #tpu.memory_space<vmem>>
      %dma_wait3A_281 = tpu.memref_squeeze %dma_wait3A_280 : memref<1x1x128x64xf32, #tpu.memory_space<vmem>> -> memref<128x64xf32, #tpu.memory_space<vmem>>
      %dma_wait3A_282 = arith.constant 0 : i32
      %dma_wait3A_283 = tpu.memref_slice %arg13[%add3A_26, %dma_wait3A_282] : memref<10240x64xf32, #tpu.memory_space<vmem_shared>> -> memref<128x64xf32, #tpu.memory_space<vmem_shared>>
      %dma_wait3A_284 = arith.constant 0 : i32
      %dma_wait3A_285 = tpu.memref_slice %arg13[%add3A_26, %dma_wait3A_284] : memref<10240x64xf32, #tpu.memory_space<vmem_shared>> -> memref<128x64xf32, #tpu.memory_space<vmem_shared>>
      %dma_wait3A_286 = arith.constant 0 : i32
      %dma_wait3A_287 = arith.constant 0 : i32
      %dma_wait3A_288 = tpu.memref_slice %arg10[%run_scoped3A_27, %run_scoped3A_28, %dma_wait3A_286, %dma_wait3A_287] : memref<3x2x128x64xf32, #tpu.memory_space<vmem>> -> memref<1x1x128x64xf32, #tpu.memory_space<vmem>>
      %dma_wait3A_289 = tpu.memref_squeeze %dma_wait3A_288 : memref<1x1x128x64xf32, #tpu.memory_space<vmem>> -> memref<128x64xf32, #tpu.memory_space<vmem>>
      tpu.wait_dma2 semaphore(%run_scoped3A_265 : memref<!tpu.dma_semaphore, #tpu.memory_space<semaphore_mem>>) src(%dma_wait3A_289 : memref<128x64xf32, #tpu.memory_space<vmem>>) dst(%dma_wait3A_285 : memref<128x64xf32, #tpu.memory_space<vmem_shared>>)
      tpu.yield
    }) : () -> ()
    %lt3A = arith.constant 8 : i32
    %lt3A_29 = arith.cmpi slt, %arg1, %lt3A : i32
    %mul3A_30 = arith.constant 160 : i32
    %mul3A_31 = arith.muli %arg1, %mul3A_30 : i32
    %lt3A_32 = arith.constant 15 : i32
    %lt3A_33 = arith.cmpi slt, %arg1, %lt3A_32 : i32
    %sub3A = arith.constant 8 : i32
    %sub3A_34 = arith.subi %arg1, %sub3A : i32
    %mul3A_35 = arith.constant 152 : i32
    %mul3A_36 = arith.muli %sub3A_34, %mul3A_35 : i32
    %add3A_37 = arith.constant 1280 : i32
    %add3A_38 = arith.addi %add3A_37, %mul3A_36 : i32
    %jit3A = arith.constant 2344 : i32
    %select_n3A = arith.select %lt3A_33, %add3A_38, %jit3A : i32
    %select_n3A_39 = arith.select %lt3A_29, %mul3A_31, %select_n3A : i32
    %lt3A_40 = arith.constant 8 : i32
    %lt3A_41 = arith.cmpi slt, %arg1, %lt3A_40 : i32
    %lt3A_42 = arith.constant 15 : i32
    %lt3A_43 = arith.cmpi slt, %arg1, %lt3A_42 : i32
    %jit3A_44 = arith.constant 76 : i32
    %jit3A_45 = arith.constant 78 : i32
    %select_n3A_46 = arith.select %lt3A_43, %jit3A_44, %jit3A_45 : i32
    %jit3A_47 = arith.constant 80 : i32
    %select_n3A_48 = arith.select %lt3A_41, %jit3A_47, %select_n3A_46 : i32
    "tpu.region"() ({
      %run_scoped3A_265 = tpu.sem_alloc : memref<!tpu.dma_semaphore, #tpu.memory_space<semaphore_mem>>
      %dma_start3A_266 = arith.constant 0 : i32
      %dma_start3A_267 = tpu.memref_slice %arg4[%select_n3A_39, %dma_start3A_266] : memref<2512x128xi32, #tpu.memory_space<hbm>> -> memref<160x128xi32, #tpu.memory_space<hbm>>
      %dma_start3A_268 = arith.constant 0 : i32
      %dma_start3A_269 = tpu.memref_slice %arg4[%select_n3A_39, %dma_start3A_268] : memref<2512x128xi32, #tpu.memory_space<hbm>> -> memref<160x128xi32, #tpu.memory_space<hbm>>
      tpu.enqueue_dma source(%dma_start3A_269 : memref<160x128xi32, #tpu.memory_space<hbm>>) target(%arg8 : memref<160x128xi32, #tpu.memory_space<vmem>>) target_semaphore(%run_scoped3A_265 : memref<!tpu.dma_semaphore, #tpu.memory_space<semaphore_mem>>)
      %dma_wait3A_270 = arith.constant 0 : i32
      %dma_wait3A_271 = tpu.memref_slice %arg4[%select_n3A_39, %dma_wait3A_270] : memref<2512x128xi32, #tpu.memory_space<hbm>> -> memref<160x128xi32, #tpu.memory_space<hbm>>
      %dma_wait3A_272 = arith.constant 0 : i32
      %dma_wait3A_273 = tpu.memref_slice %arg4[%select_n3A_39, %dma_wait3A_272] : memref<2512x128xi32, #tpu.memory_space<hbm>> -> memref<160x128xi32, #tpu.memory_space<hbm>>
      tpu.wait_dma2 semaphore(%run_scoped3A_265 : memref<!tpu.dma_semaphore, #tpu.memory_space<semaphore_mem>>) src(%dma_wait3A_273 : memref<160x128xi32, #tpu.memory_space<hbm>>) dst(%arg8 : memref<160x128xi32, #tpu.memory_space<vmem>>)
      tpu.yield
    }) : () -> ()
    "tpu.region"() ({
      %run_scoped3A_265 = tpu.sem_alloc : memref<!tpu.dma_semaphore, #tpu.memory_space<semaphore_mem>>
      %dma_start3A_266 = arith.constant 0 : i32
      %dma_start3A_267 = tpu.memref_slice %arg5[%select_n3A_39, %dma_start3A_266] : memref<2512x128xi32, #tpu.memory_space<hbm>> -> memref<160x128xi32, #tpu.memory_space<hbm>>
      %dma_start3A_268 = arith.constant 0 : i32
      %dma_start3A_269 = tpu.memref_slice %arg5[%select_n3A_39, %dma_start3A_268] : memref<2512x128xi32, #tpu.memory_space<hbm>> -> memref<160x128xi32, #tpu.memory_space<hbm>>
      tpu.enqueue_dma source(%dma_start3A_269 : memref<160x128xi32, #tpu.memory_space<hbm>>) target(%arg9 : memref<160x128xi32, #tpu.memory_space<vmem>>) target_semaphore(%run_scoped3A_265 : memref<!tpu.dma_semaphore, #tpu.memory_space<semaphore_mem>>)
      %dma_wait3A_270 = arith.constant 0 : i32
      %dma_wait3A_271 = tpu.memref_slice %arg5[%select_n3A_39, %dma_wait3A_270] : memref<2512x128xi32, #tpu.memory_space<hbm>> -> memref<160x128xi32, #tpu.memory_space<hbm>>
      %dma_wait3A_272 = arith.constant 0 : i32
      %dma_wait3A_273 = tpu.memref_slice %arg5[%select_n3A_39, %dma_wait3A_272] : memref<2512x128xi32, #tpu.memory_space<hbm>> -> memref<160x128xi32, #tpu.memory_space<hbm>>
      tpu.wait_dma2 semaphore(%run_scoped3A_265 : memref<!tpu.dma_semaphore, #tpu.memory_space<semaphore_mem>>) src(%dma_wait3A_273 : memref<160x128xi32, #tpu.memory_space<hbm>>) dst(%arg9 : memref<160x128xi32, #tpu.memory_space<vmem>>)
      tpu.yield
    }) : () -> ()
    %barrier3A = arith.constant 0 : index
    tpu.barrier barrier_id(%barrier3A)
    %eq3A = arith.constant 0 : i32
    %eq3A_49 = arith.cmpi eq, %arg0, %eq3A : i32
    %convert_element_type3A = arith.extui %eq3A_49 : i1 to i32
    %cond3A = arith.constant 0 : i32
    %cond3A_50 = arith.cmpi ne, %convert_element_type3A, %cond3A : i32
    scf.if %cond3A_50 {
      %dma_start3A_265 = arith.constant 0 : i32
      %dma_start3A_266 = arith.constant 0 : i32
      %dma_start3A_267 = arith.constant 0 : i32
      %dma_start3A_268 = arith.constant 0 : i32
      %dma_start3A_269 = arith.constant 0 : i32
      %dma_start3A_270 = tpu.memref_slice %arg10[%dma_start3A_266, %dma_start3A_267, %dma_start3A_268, %dma_start3A_269] : memref<3x2x128x64xf32, #tpu.memory_space<vmem>> -> memref<1x1x128x64xf32, #tpu.memory_space<vmem>>
      %dma_start3A_271 = tpu.memref_squeeze %dma_start3A_270 : memref<1x1x128x64xf32, #tpu.memory_space<vmem>> -> memref<128x64xf32, #tpu.memory_space<vmem>>
      %dma_start3A_272 = arith.constant 0 : i32
      %dma_start3A_273 = tpu.memref_slice %arg8[%dma_start3A_265, %dma_start3A_272] : memref<160x128xi32, #tpu.memory_space<vmem>> -> memref<1x128xi32, #tpu.memory_space<vmem>>
      %dma_start3A_274 = tpu.memref_squeeze %dma_start3A_273 : memref<1x128xi32, #tpu.memory_space<vmem>> -> memref<128xi32, #tpu.memory_space<vmem>>
      %dma_start3A_275 = arith.constant 0 : i32
      %dma_start3A_276 = arith.constant 0 : i32
      %dma_start3A_277 = tpu.memref_slice %arg2[%dma_start3A_275, %dma_start3A_276] : memref<10000x64xf32, #tpu.memory_space<hbm>> -> memref<10000x64xf32, #tpu.memory_space<hbm>>
      tpu.enqueue_indirect_dma source(%dma_start3A_277 : memref<10000x64xf32, #tpu.memory_space<hbm>>) target(%dma_start3A_271 : memref<128x64xf32, #tpu.memory_space<vmem>>) offsets(%dma_start3A_274 : memref<128xi32, #tpu.memory_space<vmem>>) semaphore(%arg11 : memref<!tpu.dma_semaphore, #tpu.memory_space<semaphore_mem>>)
      %dma_start3A_278 = arith.constant 1 : i32
      %dma_start3A_279 = arith.constant 0 : i32
      %dma_start3A_280 = arith.constant 1 : i32
      %dma_start3A_281 = arith.constant 0 : i32
      %dma_start3A_282 = arith.constant 0 : i32
      %dma_start3A_283 = tpu.memref_slice %arg10[%dma_start3A_279, %dma_start3A_280, %dma_start3A_281, %dma_start3A_282] : memref<3x2x128x64xf32, #tpu.memory_space<vmem>> -> memref<1x1x128x64xf32, #tpu.memory_space<vmem>>
      %dma_start3A_284 = tpu.memref_squeeze %dma_start3A_283 : memref<1x1x128x64xf32, #tpu.memory_space<vmem>> -> memref<128x64xf32, #tpu.memory_space<vmem>>
      %dma_start3A_285 = arith.constant 0 : i32
      %dma_start3A_286 = tpu.memref_slice %arg8[%dma_start3A_278, %dma_start3A_285] : memref<160x128xi32, #tpu.memory_space<vmem>> -> memref<1x128xi32, #tpu.memory_space<vmem>>
      %dma_start3A_287 = tpu.memref_squeeze %dma_start3A_286 : memref<1x128xi32, #tpu.memory_space<vmem>> -> memref<128xi32, #tpu.memory_space<vmem>>
      %dma_start3A_288 = arith.constant 0 : i32
      %dma_start3A_289 = arith.constant 0 : i32
      %dma_start3A_290 = tpu.memref_slice %arg2[%dma_start3A_288, %dma_start3A_289] : memref<10000x64xf32, #tpu.memory_space<hbm>> -> memref<10000x64xf32, #tpu.memory_space<hbm>>
      tpu.enqueue_indirect_dma source(%dma_start3A_290 : memref<10000x64xf32, #tpu.memory_space<hbm>>) target(%dma_start3A_284 : memref<128x64xf32, #tpu.memory_space<vmem>>) offsets(%dma_start3A_287 : memref<128xi32, #tpu.memory_space<vmem>>) semaphore(%arg11 : memref<!tpu.dma_semaphore, #tpu.memory_space<semaphore_mem>>)
      %dma_start3A_291 = arith.constant 2 : i32
      %dma_start3A_292 = arith.constant 1 : i32
      %dma_start3A_293 = arith.constant 0 : i32
      %dma_start3A_294 = arith.constant 0 : i32
      %dma_start3A_295 = arith.constant 0 : i32
      %dma_start3A_296 = tpu.memref_slice %arg10[%dma_start3A_292, %dma_start3A_293, %dma_start3A_294, %dma_start3A_295] : memref<3x2x128x64xf32, #tpu.memory_space<vmem>> -> memref<1x1x128x64xf32, #tpu.memory_space<vmem>>
      %dma_start3A_297 = tpu.memref_squeeze %dma_start3A_296 : memref<1x1x128x64xf32, #tpu.memory_space<vmem>> -> memref<128x64xf32, #tpu.memory_space<vmem>>
      %dma_start3A_298 = arith.constant 0 : i32
      %dma_start3A_299 = tpu.memref_slice %arg8[%dma_start3A_291, %dma_start3A_298] : memref<160x128xi32, #tpu.memory_space<vmem>> -> memref<1x128xi32, #tpu.memory_space<vmem>>
      %dma_start3A_300 = tpu.memref_squeeze %dma_start3A_299 : memref<1x128xi32, #tpu.memory_space<vmem>> -> memref<128xi32, #tpu.memory_space<vmem>>
      %dma_start3A_301 = arith.constant 0 : i32
      %dma_start3A_302 = arith.constant 0 : i32
      %dma_start3A_303 = tpu.memref_slice %arg2[%dma_start3A_301, %dma_start3A_302] : memref<10000x64xf32, #tpu.memory_space<hbm>> -> memref<10000x64xf32, #tpu.memory_space<hbm>>
      tpu.enqueue_indirect_dma source(%dma_start3A_303 : memref<10000x64xf32, #tpu.memory_space<hbm>>) target(%dma_start3A_297 : memref<128x64xf32, #tpu.memory_space<vmem>>) offsets(%dma_start3A_300 : memref<128xi32, #tpu.memory_space<vmem>>) semaphore(%arg11 : memref<!tpu.dma_semaphore, #tpu.memory_space<semaphore_mem>>)
      %dma_start3A_304 = arith.constant 3 : i32
      %dma_start3A_305 = arith.constant 1 : i32
      %dma_start3A_306 = arith.constant 1 : i32
      %dma_start3A_307 = arith.constant 0 : i32
      %dma_start3A_308 = arith.constant 0 : i32
      %dma_start3A_309 = tpu.memref_slice %arg10[%dma_start3A_305, %dma_start3A_306, %dma_start3A_307, %dma_start3A_308] : memref<3x2x128x64xf32, #tpu.memory_space<vmem>> -> memref<1x1x128x64xf32, #tpu.memory_space<vmem>>
      %dma_start3A_310 = tpu.memref_squeeze %dma_start3A_309 : memref<1x1x128x64xf32, #tpu.memory_space<vmem>> -> memref<128x64xf32, #tpu.memory_space<vmem>>
      %dma_start3A_311 = arith.constant 0 : i32
      %dma_start3A_312 = tpu.memref_slice %arg8[%dma_start3A_304, %dma_start3A_311] : memref<160x128xi32, #tpu.memory_space<vmem>> -> memref<1x128xi32, #tpu.memory_space<vmem>>
      %dma_start3A_313 = tpu.memref_squeeze %dma_start3A_312 : memref<1x128xi32, #tpu.memory_space<vmem>> -> memref<128xi32, #tpu.memory_space<vmem>>
      %dma_start3A_314 = arith.constant 0 : i32
      %dma_start3A_315 = arith.constant 0 : i32
      %dma_start3A_316 = tpu.memref_slice %arg2[%dma_start3A_314, %dma_start3A_315] : memref<10000x64xf32, #tpu.memory_space<hbm>> -> memref<10000x64xf32, #tpu.memory_space<hbm>>
      tpu.enqueue_indirect_dma source(%dma_start3A_316 : memref<10000x64xf32, #tpu.memory_space<hbm>>) target(%dma_start3A_310 : memref<128x64xf32, #tpu.memory_space<vmem>>) offsets(%dma_start3A_313 : memref<128xi32, #tpu.memory_space<vmem>>) semaphore(%arg11 : memref<!tpu.dma_semaphore, #tpu.memory_space<semaphore_mem>>)
      %while3A = arith.constant 0 : i32
      %while3A_317 = arith.constant 0 : i32
      %while3A_318 = arith.subi %select_n3A_48, %while3A_317 : i32
      %while3A_319 = arith.addi %while3A_317, %while3A_318 : i32
      %while3A_320 = arith.constant 1 : i32
      %while3A_321 = arith.divsi %while3A_318, %while3A_320 : i32
      %while3A_322 = arith.muli %while3A_321, %while3A_320 : i32
      %while3A_323 = arith.addi %while3A_317, %while3A_322 : i32
      %while3A_324 = arith.constant 1 : i32
      scf.for %while3A_393 = %while3A_317 to %while3A_323 step %while3A_324  : i32 {
        %rem3A_394 = arith.constant 3 : i32
        %rem3A_395 = arith.remsi %while3A_393, %rem3A_394 : i32
        %mul3A_396 = arith.constant 2 : i32
        %mul3A_397 = arith.muli %while3A_393, %mul3A_396 : i32
        %add3A_398 = arith.constant 0 : i32
        %add3A_399 = arith.addi %mul3A_397, %add3A_398 : i32
        %dma_wait3A_400 = arith.constant 0 : i32
        %dma_wait3A_401 = arith.constant 0 : i32
        %dma_wait3A_402 = arith.constant 0 : i32
        %dma_wait3A_403 = tpu.memref_slice %arg10[%rem3A_395, %dma_wait3A_400, %dma_wait3A_401, %dma_wait3A_402] : memref<3x2x128x64xf32, #tpu.memory_space<vmem>> -> memref<1x1x128x64xf32, #tpu.memory_space<vmem>>
        %dma_wait3A_404 = tpu.memref_squeeze %dma_wait3A_403 : memref<1x1x128x64xf32, #tpu.memory_space<vmem>> -> memref<128x64xf32, #tpu.memory_space<vmem>>
        %dma_wait3A_405 = arith.constant 0 : i32
        %dma_wait3A_406 = tpu.memref_slice %arg8[%add3A_399, %dma_wait3A_405] : memref<160x128xi32, #tpu.memory_space<vmem>> -> memref<1x128xi32, #tpu.memory_space<vmem>>
        %dma_wait3A_407 = tpu.memref_squeeze %dma_wait3A_406 : memref<1x128xi32, #tpu.memory_space<vmem>> -> memref<128xi32, #tpu.memory_space<vmem>>
        %dma_wait3A_408 = arith.constant 0 : i32
        %dma_wait3A_409 = arith.constant 0 : i32
        %dma_wait3A_410 = tpu.memref_slice %arg2[%dma_wait3A_408, %dma_wait3A_409] : memref<10000x64xf32, #tpu.memory_space<hbm>> -> memref<10000x64xf32, #tpu.memory_space<hbm>>
        tpu.wait_indirect_dma semaphore(%arg11 : memref<!tpu.dma_semaphore, #tpu.memory_space<semaphore_mem>>) src(%dma_wait3A_410 : memref<10000x64xf32, #tpu.memory_space<hbm>>) dst(%dma_wait3A_404 : memref<128x64xf32, #tpu.memory_space<vmem>>)
        %add3A_411 = arith.constant 1 : i32
        %add3A_412 = arith.addi %mul3A_397, %add3A_411 : i32
        %dma_wait3A_413 = arith.constant 1 : i32
        %dma_wait3A_414 = arith.constant 0 : i32
        %dma_wait3A_415 = arith.constant 0 : i32
        %dma_wait3A_416 = tpu.memref_slice %arg10[%rem3A_395, %dma_wait3A_413, %dma_wait3A_414, %dma_wait3A_415] : memref<3x2x128x64xf32, #tpu.memory_space<vmem>> -> memref<1x1x128x64xf32, #tpu.memory_space<vmem>>
        %dma_wait3A_417 = tpu.memref_squeeze %dma_wait3A_416 : memref<1x1x128x64xf32, #tpu.memory_space<vmem>> -> memref<128x64xf32, #tpu.memory_space<vmem>>
        %dma_wait3A_418 = arith.constant 0 : i32
        %dma_wait3A_419 = tpu.memref_slice %arg8[%add3A_412, %dma_wait3A_418] : memref<160x128xi32, #tpu.memory_space<vmem>> -> memref<1x128xi32, #tpu.memory_space<vmem>>
        %dma_wait3A_420 = tpu.memref_squeeze %dma_wait3A_419 : memref<1x128xi32, #tpu.memory_space<vmem>> -> memref<128xi32, #tpu.memory_space<vmem>>
        %dma_wait3A_421 = arith.constant 0 : i32
        %dma_wait3A_422 = arith.constant 0 : i32
        %dma_wait3A_423 = tpu.memref_slice %arg2[%dma_wait3A_421, %dma_wait3A_422] : memref<10000x64xf32, #tpu.memory_space<hbm>> -> memref<10000x64xf32, #tpu.memory_space<hbm>>
        tpu.wait_indirect_dma semaphore(%arg11 : memref<!tpu.dma_semaphore, #tpu.memory_space<semaphore_mem>>) src(%dma_wait3A_423 : memref<10000x64xf32, #tpu.memory_space<hbm>>) dst(%dma_wait3A_417 : memref<128x64xf32, #tpu.memory_space<vmem>>)
        %ge3A = arith.constant 1 : i32
        %ge3A_424 = arith.cmpi sge, %while3A_393, %ge3A : i32
        %convert_element_type3A_425 = arith.extui %ge3A_424 : i1 to i32
        %cond3A_426 = arith.constant 0 : i32
        %cond3A_427 = arith.cmpi ne, %convert_element_type3A_425, %cond3A_426 : i32
        scf.if %cond3A_427 {
          %sub3A_460 = arith.constant 1 : i32
          %sub3A_461 = arith.subi %while3A_393, %sub3A_460 : i32
          %rem3A_462 = arith.constant 3 : i32
          %rem3A_463 = arith.remsi %sub3A_461, %rem3A_462 : i32
          %sub3A_464 = arith.constant 1 : i32
          %sub3A_465 = arith.subi %while3A_393, %sub3A_464 : i32
          %mul3A_466 = arith.constant 2 : i32
          %mul3A_467 = arith.muli %sub3A_465, %mul3A_466 : i32
          %add3A_468 = arith.constant 0 : i32
          %add3A_469 = arith.addi %mul3A_467, %add3A_468 : i32
          %dma_wait3A_470 = arith.constant 0 : i32
          %dma_wait3A_471 = arith.constant 0 : i32
          %dma_wait3A_472 = arith.constant 0 : i32
          %dma_wait3A_473 = tpu.memref_slice %arg10[%rem3A_463, %dma_wait3A_470, %dma_wait3A_471, %dma_wait3A_472] : memref<3x2x128x64xf32, #tpu.memory_space<vmem>> -> memref<1x1x128x64xf32, #tpu.memory_space<vmem>>
          %dma_wait3A_474 = tpu.memref_squeeze %dma_wait3A_473 : memref<1x1x128x64xf32, #tpu.memory_space<vmem>> -> memref<128x64xf32, #tpu.memory_space<vmem>>
          %dma_wait3A_475 = arith.constant 0 : i32
          %dma_wait3A_476 = tpu.memref_slice %arg9[%add3A_469, %dma_wait3A_475] : memref<160x128xi32, #tpu.memory_space<vmem>> -> memref<1x128xi32, #tpu.memory_space<vmem>>
          %dma_wait3A_477 = tpu.memref_squeeze %dma_wait3A_476 : memref<1x128xi32, #tpu.memory_space<vmem>> -> memref<128xi32, #tpu.memory_space<vmem>>
          %dma_wait3A_478 = arith.constant 0 : i32
          %dma_wait3A_479 = arith.constant 0 : i32
          %dma_wait3A_480 = tpu.memref_slice %arg13[%dma_wait3A_478, %dma_wait3A_479] : memref<10240x64xf32, #tpu.memory_space<vmem_shared>> -> memref<10240x64xf32, #tpu.memory_space<vmem_shared>>
          tpu.wait_indirect_dma semaphore(%arg12 : memref<!tpu.dma_semaphore, #tpu.memory_space<semaphore_mem>>) src(%dma_wait3A_474 : memref<128x64xf32, #tpu.memory_space<vmem>>) dst(%dma_wait3A_480 : memref<10240x64xf32, #tpu.memory_space<vmem_shared>>)
          %sub3A_481 = arith.constant 1 : i32
          %sub3A_482 = arith.subi %while3A_393, %sub3A_481 : i32
          %rem3A_483 = arith.constant 3 : i32
          %rem3A_484 = arith.remsi %sub3A_482, %rem3A_483 : i32
          %sub3A_485 = arith.constant 1 : i32
          %sub3A_486 = arith.subi %while3A_393, %sub3A_485 : i32
          %mul3A_487 = arith.constant 2 : i32
          %mul3A_488 = arith.muli %sub3A_486, %mul3A_487 : i32
          %add3A_489 = arith.constant 1 : i32
          %add3A_490 = arith.addi %mul3A_488, %add3A_489 : i32
          %dma_wait3A_491 = arith.constant 1 : i32
          %dma_wait3A_492 = arith.constant 0 : i32
          %dma_wait3A_493 = arith.constant 0 : i32
          %dma_wait3A_494 = tpu.memref_slice %arg10[%rem3A_484, %dma_wait3A_491, %dma_wait3A_492, %dma_wait3A_493] : memref<3x2x128x64xf32, #tpu.memory_space<vmem>> -> memref<1x1x128x64xf32, #tpu.memory_space<vmem>>
          %dma_wait3A_495 = tpu.memref_squeeze %dma_wait3A_494 : memref<1x1x128x64xf32, #tpu.memory_space<vmem>> -> memref<128x64xf32, #tpu.memory_space<vmem>>
          %dma_wait3A_496 = arith.constant 0 : i32
          %dma_wait3A_497 = tpu.memref_slice %arg9[%add3A_490, %dma_wait3A_496] : memref<160x128xi32, #tpu.memory_space<vmem>> -> memref<1x128xi32, #tpu.memory_space<vmem>>
          %dma_wait3A_498 = tpu.memref_squeeze %dma_wait3A_497 : memref<1x128xi32, #tpu.memory_space<vmem>> -> memref<128xi32, #tpu.memory_space<vmem>>
          %dma_wait3A_499 = arith.constant 0 : i32
          %dma_wait3A_500 = arith.constant 0 : i32
          %dma_wait3A_501 = tpu.memref_slice %arg13[%dma_wait3A_499, %dma_wait3A_500] : memref<10240x64xf32, #tpu.memory_space<vmem_shared>> -> memref<10240x64xf32, #tpu.memory_space<vmem_shared>>
          tpu.wait_indirect_dma semaphore(%arg12 : memref<!tpu.dma_semaphore, #tpu.memory_space<semaphore_mem>>) src(%dma_wait3A_495 : memref<128x64xf32, #tpu.memory_space<vmem>>) dst(%dma_wait3A_501 : memref<10240x64xf32, #tpu.memory_space<vmem_shared>>)
        } else {
        }
        %add3A_428 = arith.constant 2 : i32
        %add3A_429 = arith.addi %while3A_393, %add3A_428 : i32
        %lt3A_430 = arith.cmpi slt, %add3A_429, %select_n3A_48 : i32
        %convert_element_type3A_431 = arith.extui %lt3A_430 : i1 to i32
        %cond3A_432 = arith.constant 0 : i32
        %cond3A_433 = arith.cmpi ne, %convert_element_type3A_431, %cond3A_432 : i32
        scf.if %cond3A_433 {
          %add3A_460 = arith.constant 2 : i32
          %add3A_461 = arith.addi %while3A_393, %add3A_460 : i32
          %mul3A_462 = arith.constant 2 : i32
          %mul3A_463 = arith.muli %add3A_461, %mul3A_462 : i32
          %add3A_464 = arith.constant 0 : i32
          %add3A_465 = arith.addi %mul3A_463, %add3A_464 : i32
          %add3A_466 = arith.constant 2 : i32
          %add3A_467 = arith.addi %while3A_393, %add3A_466 : i32
          %rem3A_468 = arith.constant 3 : i32
          %rem3A_469 = arith.remsi %add3A_467, %rem3A_468 : i32
          %dma_start3A_470 = arith.constant 0 : i32
          %dma_start3A_471 = arith.constant 0 : i32
          %dma_start3A_472 = arith.constant 0 : i32
          %dma_start3A_473 = tpu.memref_slice %arg10[%rem3A_469, %dma_start3A_470, %dma_start3A_471, %dma_start3A_472] : memref<3x2x128x64xf32, #tpu.memory_space<vmem>> -> memref<1x1x128x64xf32, #tpu.memory_space<vmem>>
          %dma_start3A_474 = tpu.memref_squeeze %dma_start3A_473 : memref<1x1x128x64xf32, #tpu.memory_space<vmem>> -> memref<128x64xf32, #tpu.memory_space<vmem>>
          %dma_start3A_475 = arith.constant 0 : i32
          %dma_start3A_476 = tpu.memref_slice %arg8[%add3A_465, %dma_start3A_475] : memref<160x128xi32, #tpu.memory_space<vmem>> -> memref<1x128xi32, #tpu.memory_space<vmem>>
          %dma_start3A_477 = tpu.memref_squeeze %dma_start3A_476 : memref<1x128xi32, #tpu.memory_space<vmem>> -> memref<128xi32, #tpu.memory_space<vmem>>
          %dma_start3A_478 = arith.constant 0 : i32
          %dma_start3A_479 = arith.constant 0 : i32
          %dma_start3A_480 = tpu.memref_slice %arg2[%dma_start3A_478, %dma_start3A_479] : memref<10000x64xf32, #tpu.memory_space<hbm>> -> memref<10000x64xf32, #tpu.memory_space<hbm>>
          tpu.enqueue_indirect_dma source(%dma_start3A_480 : memref<10000x64xf32, #tpu.memory_space<hbm>>) target(%dma_start3A_474 : memref<128x64xf32, #tpu.memory_space<vmem>>) offsets(%dma_start3A_477 : memref<128xi32, #tpu.memory_space<vmem>>) semaphore(%arg11 : memref<!tpu.dma_semaphore, #tpu.memory_space<semaphore_mem>>)
          %add3A_481 = arith.constant 2 : i32
          %add3A_482 = arith.addi %while3A_393, %add3A_481 : i32
          %mul3A_483 = arith.constant 2 : i32
          %mul3A_484 = arith.muli %add3A_482, %mul3A_483 : i32
          %add3A_485 = arith.constant 1 : i32
          %add3A_486 = arith.addi %mul3A_484, %add3A_485 : i32
          %add3A_487 = arith.constant 2 : i32
          %add3A_488 = arith.addi %while3A_393, %add3A_487 : i32
          %rem3A_489 = arith.constant 3 : i32
          %rem3A_490 = arith.remsi %add3A_488, %rem3A_489 : i32
          %dma_start3A_491 = arith.constant 1 : i32
          %dma_start3A_492 = arith.constant 0 : i32
          %dma_start3A_493 = arith.constant 0 : i32
          %dma_start3A_494 = tpu.memref_slice %arg10[%rem3A_490, %dma_start3A_491, %dma_start3A_492, %dma_start3A_493] : memref<3x2x128x64xf32, #tpu.memory_space<vmem>> -> memref<1x1x128x64xf32, #tpu.memory_space<vmem>>
          %dma_start3A_495 = tpu.memref_squeeze %dma_start3A_494 : memref<1x1x128x64xf32, #tpu.memory_space<vmem>> -> memref<128x64xf32, #tpu.memory_space<vmem>>
          %dma_start3A_496 = arith.constant 0 : i32
          %dma_start3A_497 = tpu.memref_slice %arg8[%add3A_486, %dma_start3A_496] : memref<160x128xi32, #tpu.memory_space<vmem>> -> memref<1x128xi32, #tpu.memory_space<vmem>>
          %dma_start3A_498 = tpu.memref_squeeze %dma_start3A_497 : memref<1x128xi32, #tpu.memory_space<vmem>> -> memref<128xi32, #tpu.memory_space<vmem>>
          %dma_start3A_499 = arith.constant 0 : i32
          %dma_start3A_500 = arith.constant 0 : i32
          %dma_start3A_501 = tpu.memref_slice %arg2[%dma_start3A_499, %dma_start3A_500] : memref<10000x64xf32, #tpu.memory_space<hbm>> -> memref<10000x64xf32, #tpu.memory_space<hbm>>
          tpu.enqueue_indirect_dma source(%dma_start3A_501 : memref<10000x64xf32, #tpu.memory_space<hbm>>) target(%dma_start3A_495 : memref<128x64xf32, #tpu.memory_space<vmem>>) offsets(%dma_start3A_498 : memref<128xi32, #tpu.memory_space<vmem>>) semaphore(%arg11 : memref<!tpu.dma_semaphore, #tpu.memory_space<semaphore_mem>>)
        } else {
        }
        %add3A_434 = arith.constant 0 : i32
        %add3A_435 = arith.addi %mul3A_397, %add3A_434 : i32
        %dma_start3A_436 = arith.constant 0 : i32
        %dma_start3A_437 = arith.constant 0 : i32
        %dma_start3A_438 = arith.constant 0 : i32
        %dma_start3A_439 = tpu.memref_slice %arg10[%rem3A_395, %dma_start3A_436, %dma_start3A_437, %dma_start3A_438] : memref<3x2x128x64xf32, #tpu.memory_space<vmem>> -> memref<1x1x128x64xf32, #tpu.memory_space<vmem>>
        %dma_start3A_440 = tpu.memref_squeeze %dma_start3A_439 : memref<1x1x128x64xf32, #tpu.memory_space<vmem>> -> memref<128x64xf32, #tpu.memory_space<vmem>>
        %dma_start3A_441 = arith.constant 0 : i32
        %dma_start3A_442 = tpu.memref_slice %arg9[%add3A_435, %dma_start3A_441] : memref<160x128xi32, #tpu.memory_space<vmem>> -> memref<1x128xi32, #tpu.memory_space<vmem>>
        %dma_start3A_443 = tpu.memref_squeeze %dma_start3A_442 : memref<1x128xi32, #tpu.memory_space<vmem>> -> memref<128xi32, #tpu.memory_space<vmem>>
        %dma_start3A_444 = arith.constant 0 : i32
        %dma_start3A_445 = arith.constant 0 : i32
        %dma_start3A_446 = tpu.memref_slice %arg13[%dma_start3A_444, %dma_start3A_445] : memref<10240x64xf32, #tpu.memory_space<vmem_shared>> -> memref<10240x64xf32, #tpu.memory_space<vmem_shared>>
        tpu.enqueue_indirect_dma source(%dma_start3A_440 : memref<128x64xf32, #tpu.memory_space<vmem>>) target(%dma_start3A_446 : memref<10240x64xf32, #tpu.memory_space<vmem_shared>>) offsets(%dma_start3A_443 : memref<128xi32, #tpu.memory_space<vmem>>) semaphore(%arg12 : memref<!tpu.dma_semaphore, #tpu.memory_space<semaphore_mem>>) {add = true}
        %add3A_447 = arith.constant 1 : i32
        %add3A_448 = arith.addi %mul3A_397, %add3A_447 : i32
        %dma_start3A_449 = arith.constant 1 : i32
        %dma_start3A_450 = arith.constant 0 : i32
        %dma_start3A_451 = arith.constant 0 : i32
        %dma_start3A_452 = tpu.memref_slice %arg10[%rem3A_395, %dma_start3A_449, %dma_start3A_450, %dma_start3A_451] : memref<3x2x128x64xf32, #tpu.memory_space<vmem>> -> memref<1x1x128x64xf32, #tpu.memory_space<vmem>>
        %dma_start3A_453 = tpu.memref_squeeze %dma_start3A_452 : memref<1x1x128x64xf32, #tpu.memory_space<vmem>> -> memref<128x64xf32, #tpu.memory_space<vmem>>
        %dma_start3A_454 = arith.constant 0 : i32
        %dma_start3A_455 = tpu.memref_slice %arg9[%add3A_448, %dma_start3A_454] : memref<160x128xi32, #tpu.memory_space<vmem>> -> memref<1x128xi32, #tpu.memory_space<vmem>>
        %dma_start3A_456 = tpu.memref_squeeze %dma_start3A_455 : memref<1x128xi32, #tpu.memory_space<vmem>> -> memref<128xi32, #tpu.memory_space<vmem>>
        %dma_start3A_457 = arith.constant 0 : i32
        %dma_start3A_458 = arith.constant 0 : i32
        %dma_start3A_459 = tpu.memref_slice %arg13[%dma_start3A_457, %dma_start3A_458] : memref<10240x64xf32, #tpu.memory_space<vmem_shared>> -> memref<10240x64xf32, #tpu.memory_space<vmem_shared>>
        tpu.enqueue_indirect_dma source(%dma_start3A_453 : memref<128x64xf32, #tpu.memory_space<vmem>>) target(%dma_start3A_459 : memref<10240x64xf32, #tpu.memory_space<vmem_shared>>) offsets(%dma_start3A_456 : memref<128xi32, #tpu.memory_space<vmem>>) semaphore(%arg12 : memref<!tpu.dma_semaphore, #tpu.memory_space<semaphore_mem>>) {add = true}
      }
      %while3A_325 = arith.constant 1 : i32
      scf.for %while3A_393 = %while3A_323 to %while3A_319 step %while3A_325  : i32 {
        %rem3A_394 = arith.constant 3 : i32
        %rem3A_395 = arith.remsi %while3A_393, %rem3A_394 : i32
        %mul3A_396 = arith.constant 2 : i32
        %mul3A_397 = arith.muli %while3A_393, %mul3A_396 : i32
        %add3A_398 = arith.constant 0 : i32
        %add3A_399 = arith.addi %mul3A_397, %add3A_398 : i32
        %dma_wait3A_400 = arith.constant 0 : i32
        %dma_wait3A_401 = arith.constant 0 : i32
        %dma_wait3A_402 = arith.constant 0 : i32
        %dma_wait3A_403 = tpu.memref_slice %arg10[%rem3A_395, %dma_wait3A_400, %dma_wait3A_401, %dma_wait3A_402] : memref<3x2x128x64xf32, #tpu.memory_space<vmem>> -> memref<1x1x128x64xf32, #tpu.memory_space<vmem>>
        %dma_wait3A_404 = tpu.memref_squeeze %dma_wait3A_403 : memref<1x1x128x64xf32, #tpu.memory_space<vmem>> -> memref<128x64xf32, #tpu.memory_space<vmem>>
        %dma_wait3A_405 = arith.constant 0 : i32
        %dma_wait3A_406 = tpu.memref_slice %arg8[%add3A_399, %dma_wait3A_405] : memref<160x128xi32, #tpu.memory_space<vmem>> -> memref<1x128xi32, #tpu.memory_space<vmem>>
        %dma_wait3A_407 = tpu.memref_squeeze %dma_wait3A_406 : memref<1x128xi32, #tpu.memory_space<vmem>> -> memref<128xi32, #tpu.memory_space<vmem>>
        %dma_wait3A_408 = arith.constant 0 : i32
        %dma_wait3A_409 = arith.constant 0 : i32
        %dma_wait3A_410 = tpu.memref_slice %arg2[%dma_wait3A_408, %dma_wait3A_409] : memref<10000x64xf32, #tpu.memory_space<hbm>> -> memref<10000x64xf32, #tpu.memory_space<hbm>>
        tpu.wait_indirect_dma semaphore(%arg11 : memref<!tpu.dma_semaphore, #tpu.memory_space<semaphore_mem>>) src(%dma_wait3A_410 : memref<10000x64xf32, #tpu.memory_space<hbm>>) dst(%dma_wait3A_404 : memref<128x64xf32, #tpu.memory_space<vmem>>)
        %add3A_411 = arith.constant 1 : i32
        %add3A_412 = arith.addi %mul3A_397, %add3A_411 : i32
        %dma_wait3A_413 = arith.constant 1 : i32
        %dma_wait3A_414 = arith.constant 0 : i32
        %dma_wait3A_415 = arith.constant 0 : i32
        %dma_wait3A_416 = tpu.memref_slice %arg10[%rem3A_395, %dma_wait3A_413, %dma_wait3A_414, %dma_wait3A_415] : memref<3x2x128x64xf32, #tpu.memory_space<vmem>> -> memref<1x1x128x64xf32, #tpu.memory_space<vmem>>
        %dma_wait3A_417 = tpu.memref_squeeze %dma_wait3A_416 : memref<1x1x128x64xf32, #tpu.memory_space<vmem>> -> memref<128x64xf32, #tpu.memory_space<vmem>>
        %dma_wait3A_418 = arith.constant 0 : i32
        %dma_wait3A_419 = tpu.memref_slice %arg8[%add3A_412, %dma_wait3A_418] : memref<160x128xi32, #tpu.memory_space<vmem>> -> memref<1x128xi32, #tpu.memory_space<vmem>>
        %dma_wait3A_420 = tpu.memref_squeeze %dma_wait3A_419 : memref<1x128xi32, #tpu.memory_space<vmem>> -> memref<128xi32, #tpu.memory_space<vmem>>
        %dma_wait3A_421 = arith.constant 0 : i32
        %dma_wait3A_422 = arith.constant 0 : i32
        %dma_wait3A_423 = tpu.memref_slice %arg2[%dma_wait3A_421, %dma_wait3A_422] : memref<10000x64xf32, #tpu.memory_space<hbm>> -> memref<10000x64xf32, #tpu.memory_space<hbm>>
        tpu.wait_indirect_dma semaphore(%arg11 : memref<!tpu.dma_semaphore, #tpu.memory_space<semaphore_mem>>) src(%dma_wait3A_423 : memref<10000x64xf32, #tpu.memory_space<hbm>>) dst(%dma_wait3A_417 : memref<128x64xf32, #tpu.memory_space<vmem>>)
        %ge3A = arith.constant 1 : i32
        %ge3A_424 = arith.cmpi sge, %while3A_393, %ge3A : i32
        %convert_element_type3A_425 = arith.extui %ge3A_424 : i1 to i32
        %cond3A_426 = arith.constant 0 : i32
        %cond3A_427 = arith.cmpi ne, %convert_element_type3A_425, %cond3A_426 : i32
        scf.if %cond3A_427 {
          %sub3A_460 = arith.constant 1 : i32
          %sub3A_461 = arith.subi %while3A_393, %sub3A_460 : i32
          %rem3A_462 = arith.constant 3 : i32
          %rem3A_463 = arith.remsi %sub3A_461, %rem3A_462 : i32
          %sub3A_464 = arith.constant 1 : i32
          %sub3A_465 = arith.subi %while3A_393, %sub3A_464 : i32
          %mul3A_466 = arith.constant 2 : i32
          %mul3A_467 = arith.muli %sub3A_465, %mul3A_466 : i32
          %add3A_468 = arith.constant 0 : i32
          %add3A_469 = arith.addi %mul3A_467, %add3A_468 : i32
          %dma_wait3A_470 = arith.constant 0 : i32
          %dma_wait3A_471 = arith.constant 0 : i32
          %dma_wait3A_472 = arith.constant 0 : i32
          %dma_wait3A_473 = tpu.memref_slice %arg10[%rem3A_463, %dma_wait3A_470, %dma_wait3A_471, %dma_wait3A_472] : memref<3x2x128x64xf32, #tpu.memory_space<vmem>> -> memref<1x1x128x64xf32, #tpu.memory_space<vmem>>
          %dma_wait3A_474 = tpu.memref_squeeze %dma_wait3A_473 : memref<1x1x128x64xf32, #tpu.memory_space<vmem>> -> memref<128x64xf32, #tpu.memory_space<vmem>>
          %dma_wait3A_475 = arith.constant 0 : i32
          %dma_wait3A_476 = tpu.memref_slice %arg9[%add3A_469, %dma_wait3A_475] : memref<160x128xi32, #tpu.memory_space<vmem>> -> memref<1x128xi32, #tpu.memory_space<vmem>>
          %dma_wait3A_477 = tpu.memref_squeeze %dma_wait3A_476 : memref<1x128xi32, #tpu.memory_space<vmem>> -> memref<128xi32, #tpu.memory_space<vmem>>
          %dma_wait3A_478 = arith.constant 0 : i32
          %dma_wait3A_479 = arith.constant 0 : i32
          %dma_wait3A_480 = tpu.memref_slice %arg13[%dma_wait3A_478, %dma_wait3A_479] : memref<10240x64xf32, #tpu.memory_space<vmem_shared>> -> memref<10240x64xf32, #tpu.memory_space<vmem_shared>>
          tpu.wait_indirect_dma semaphore(%arg12 : memref<!tpu.dma_semaphore, #tpu.memory_space<semaphore_mem>>) src(%dma_wait3A_474 : memref<128x64xf32, #tpu.memory_space<vmem>>) dst(%dma_wait3A_480 : memref<10240x64xf32, #tpu.memory_space<vmem_shared>>)
          %sub3A_481 = arith.constant 1 : i32
          %sub3A_482 = arith.subi %while3A_393, %sub3A_481 : i32
          %rem3A_483 = arith.constant 3 : i32
          %rem3A_484 = arith.remsi %sub3A_482, %rem3A_483 : i32
          %sub3A_485 = arith.constant 1 : i32
          %sub3A_486 = arith.subi %while3A_393, %sub3A_485 : i32
          %mul3A_487 = arith.constant 2 : i32
          %mul3A_488 = arith.muli %sub3A_486, %mul3A_487 : i32
          %add3A_489 = arith.constant 1 : i32
          %add3A_490 = arith.addi %mul3A_488, %add3A_489 : i32
          %dma_wait3A_491 = arith.constant 1 : i32
          %dma_wait3A_492 = arith.constant 0 : i32
          %dma_wait3A_493 = arith.constant 0 : i32
          %dma_wait3A_494 = tpu.memref_slice %arg10[%rem3A_484, %dma_wait3A_491, %dma_wait3A_492, %dma_wait3A_493] : memref<3x2x128x64xf32, #tpu.memory_space<vmem>> -> memref<1x1x128x64xf32, #tpu.memory_space<vmem>>
          %dma_wait3A_495 = tpu.memref_squeeze %dma_wait3A_494 : memref<1x1x128x64xf32, #tpu.memory_space<vmem>> -> memref<128x64xf32, #tpu.memory_space<vmem>>
          %dma_wait3A_496 = arith.constant 0 : i32
          %dma_wait3A_497 = tpu.memref_slice %arg9[%add3A_490, %dma_wait3A_496] : memref<160x128xi32, #tpu.memory_space<vmem>> -> memref<1x128xi32, #tpu.memory_space<vmem>>
          %dma_wait3A_498 = tpu.memref_squeeze %dma_wait3A_497 : memref<1x128xi32, #tpu.memory_space<vmem>> -> memref<128xi32, #tpu.memory_space<vmem>>
          %dma_wait3A_499 = arith.constant 0 : i32
          %dma_wait3A_500 = arith.constant 0 : i32
          %dma_wait3A_501 = tpu.memref_slice %arg13[%dma_wait3A_499, %dma_wait3A_500] : memref<10240x64xf32, #tpu.memory_space<vmem_shared>> -> memref<10240x64xf32, #tpu.memory_space<vmem_shared>>
          tpu.wait_indirect_dma semaphore(%arg12 : memref<!tpu.dma_semaphore, #tpu.memory_space<semaphore_mem>>) src(%dma_wait3A_495 : memref<128x64xf32, #tpu.memory_space<vmem>>) dst(%dma_wait3A_501 : memref<10240x64xf32, #tpu.memory_space<vmem_shared>>)
        } else {
        }
        %add3A_428 = arith.constant 2 : i32
        %add3A_429 = arith.addi %while3A_393, %add3A_428 : i32
        %lt3A_430 = arith.cmpi slt, %add3A_429, %select_n3A_48 : i32
        %convert_element_type3A_431 = arith.extui %lt3A_430 : i1 to i32
        %cond3A_432 = arith.constant 0 : i32
        %cond3A_433 = arith.cmpi ne, %convert_element_type3A_431, %cond3A_432 : i32
        scf.if %cond3A_433 {
          %add3A_460 = arith.constant 2 : i32
          %add3A_461 = arith.addi %while3A_393, %add3A_460 : i32
          %mul3A_462 = arith.constant 2 : i32
          %mul3A_463 = arith.muli %add3A_461, %mul3A_462 : i32
          %add3A_464 = arith.constant 0 : i32
          %add3A_465 = arith.addi %mul3A_463, %add3A_464 : i32
          %add3A_466 = arith.constant 2 : i32
          %add3A_467 = arith.addi %while3A_393, %add3A_466 : i32
          %rem3A_468 = arith.constant 3 : i32
          %rem3A_469 = arith.remsi %add3A_467, %rem3A_468 : i32
          %dma_start3A_470 = arith.constant 0 : i32
          %dma_start3A_471 = arith.constant 0 : i32
          %dma_start3A_472 = arith.constant 0 : i32
          %dma_start3A_473 = tpu.memref_slice %arg10[%rem3A_469, %dma_start3A_470, %dma_start3A_471, %dma_start3A_472] : memref<3x2x128x64xf32, #tpu.memory_space<vmem>> -> memref<1x1x128x64xf32, #tpu.memory_space<vmem>>
          %dma_start3A_474 = tpu.memref_squeeze %dma_start3A_473 : memref<1x1x128x64xf32, #tpu.memory_space<vmem>> -> memref<128x64xf32, #tpu.memory_space<vmem>>
          %dma_start3A_475 = arith.constant 0 : i32
          %dma_start3A_476 = tpu.memref_slice %arg8[%add3A_465, %dma_start3A_475] : memref<160x128xi32, #tpu.memory_space<vmem>> -> memref<1x128xi32, #tpu.memory_space<vmem>>
          %dma_start3A_477 = tpu.memref_squeeze %dma_start3A_476 : memref<1x128xi32, #tpu.memory_space<vmem>> -> memref<128xi32, #tpu.memory_space<vmem>>
          %dma_start3A_478 = arith.constant 0 : i32
          %dma_start3A_479 = arith.constant 0 : i32
          %dma_start3A_480 = tpu.memref_slice %arg2[%dma_start3A_478, %dma_start3A_479] : memref<10000x64xf32, #tpu.memory_space<hbm>> -> memref<10000x64xf32, #tpu.memory_space<hbm>>
          tpu.enqueue_indirect_dma source(%dma_start3A_480 : memref<10000x64xf32, #tpu.memory_space<hbm>>) target(%dma_start3A_474 : memref<128x64xf32, #tpu.memory_space<vmem>>) offsets(%dma_start3A_477 : memref<128xi32, #tpu.memory_space<vmem>>) semaphore(%arg11 : memref<!tpu.dma_semaphore, #tpu.memory_space<semaphore_mem>>)
          %add3A_481 = arith.constant 2 : i32
          %add3A_482 = arith.addi %while3A_393, %add3A_481 : i32
          %mul3A_483 = arith.constant 2 : i32
          %mul3A_484 = arith.muli %add3A_482, %mul3A_483 : i32
          %add3A_485 = arith.constant 1 : i32
          %add3A_486 = arith.addi %mul3A_484, %add3A_485 : i32
          %add3A_487 = arith.constant 2 : i32
          %add3A_488 = arith.addi %while3A_393, %add3A_487 : i32
          %rem3A_489 = arith.constant 3 : i32
          %rem3A_490 = arith.remsi %add3A_488, %rem3A_489 : i32
          %dma_start3A_491 = arith.constant 1 : i32
          %dma_start3A_492 = arith.constant 0 : i32
          %dma_start3A_493 = arith.constant 0 : i32
          %dma_start3A_494 = tpu.memref_slice %arg10[%rem3A_490, %dma_start3A_491, %dma_start3A_492, %dma_start3A_493] : memref<3x2x128x64xf32, #tpu.memory_space<vmem>> -> memref<1x1x128x64xf32, #tpu.memory_space<vmem>>
          %dma_start3A_495 = tpu.memref_squeeze %dma_start3A_494 : memref<1x1x128x64xf32, #tpu.memory_space<vmem>> -> memref<128x64xf32, #tpu.memory_space<vmem>>
          %dma_start3A_496 = arith.constant 0 : i32
          %dma_start3A_497 = tpu.memref_slice %arg8[%add3A_486, %dma_start3A_496] : memref<160x128xi32, #tpu.memory_space<vmem>> -> memref<1x128xi32, #tpu.memory_space<vmem>>
          %dma_start3A_498 = tpu.memref_squeeze %dma_start3A_497 : memref<1x128xi32, #tpu.memory_space<vmem>> -> memref<128xi32, #tpu.memory_space<vmem>>
          %dma_start3A_499 = arith.constant 0 : i32
          %dma_start3A_500 = arith.constant 0 : i32
          %dma_start3A_501 = tpu.memref_slice %arg2[%dma_start3A_499, %dma_start3A_500] : memref<10000x64xf32, #tpu.memory_space<hbm>> -> memref<10000x64xf32, #tpu.memory_space<hbm>>
          tpu.enqueue_indirect_dma source(%dma_start3A_501 : memref<10000x64xf32, #tpu.memory_space<hbm>>) target(%dma_start3A_495 : memref<128x64xf32, #tpu.memory_space<vmem>>) offsets(%dma_start3A_498 : memref<128xi32, #tpu.memory_space<vmem>>) semaphore(%arg11 : memref<!tpu.dma_semaphore, #tpu.memory_space<semaphore_mem>>)
        } else {
        }
        %add3A_434 = arith.constant 0 : i32
        %add3A_435 = arith.addi %mul3A_397, %add3A_434 : i32
        %dma_start3A_436 = arith.constant 0 : i32
        %dma_start3A_437 = arith.constant 0 : i32
        %dma_start3A_438 = arith.constant 0 : i32
        %dma_start3A_439 = tpu.memref_slice %arg10[%rem3A_395, %dma_start3A_436, %dma_start3A_437, %dma_start3A_438] : memref<3x2x128x64xf32, #tpu.memory_space<vmem>> -> memref<1x1x128x64xf32, #tpu.memory_space<vmem>>
        %dma_start3A_440 = tpu.memref_squeeze %dma_start3A_439 : memref<1x1x128x64xf32, #tpu.memory_space<vmem>> -> memref<128x64xf32, #tpu.memory_space<vmem>>
        %dma_start3A_441 = arith.constant 0 : i32
        %dma_start3A_442 = tpu.memref_slice %arg9[%add3A_435, %dma_start3A_441] : memref<160x128xi32, #tpu.memory_space<vmem>> -> memref<1x128xi32, #tpu.memory_space<vmem>>
        %dma_start3A_443 = tpu.memref_squeeze %dma_start3A_442 : memref<1x128xi32, #tpu.memory_space<vmem>> -> memref<128xi32, #tpu.memory_space<vmem>>
        %dma_start3A_444 = arith.constant 0 : i32
        %dma_start3A_445 = arith.constant 0 : i32
        %dma_start3A_446 = tpu.memref_slice %arg13[%dma_start3A_444, %dma_start3A_445] : memref<10240x64xf32, #tpu.memory_space<vmem_shared>> -> memref<10240x64xf32, #tpu.memory_space<vmem_shared>>
        tpu.enqueue_indirect_dma source(%dma_start3A_440 : memref<128x64xf32, #tpu.memory_space<vmem>>) target(%dma_start3A_446 : memref<10240x64xf32, #tpu.memory_space<vmem_shared>>) offsets(%dma_start3A_443 : memref<128xi32, #tpu.memory_space<vmem>>) semaphore(%arg12 : memref<!tpu.dma_semaphore, #tpu.memory_space<semaphore_mem>>) {add = true}
        %add3A_447 = arith.constant 1 : i32
        %add3A_448 = arith.addi %mul3A_397, %add3A_447 : i32
        %dma_start3A_449 = arith.constant 1 : i32
        %dma_start3A_450 = arith.constant 0 : i32
        %dma_start3A_451 = arith.constant 0 : i32
        %dma_start3A_452 = tpu.memref_slice %arg10[%rem3A_395, %dma_start3A_449, %dma_start3A_450, %dma_start3A_451] : memref<3x2x128x64xf32, #tpu.memory_space<vmem>> -> memref<1x1x128x64xf32, #tpu.memory_space<vmem>>
        %dma_start3A_453 = tpu.memref_squeeze %dma_start3A_452 : memref<1x1x128x64xf32, #tpu.memory_space<vmem>> -> memref<128x64xf32, #tpu.memory_space<vmem>>
        %dma_start3A_454 = arith.constant 0 : i32
        %dma_start3A_455 = tpu.memref_slice %arg9[%add3A_448, %dma_start3A_454] : memref<160x128xi32, #tpu.memory_space<vmem>> -> memref<1x128xi32, #tpu.memory_space<vmem>>
        %dma_start3A_456 = tpu.memref_squeeze %dma_start3A_455 : memref<1x128xi32, #tpu.memory_space<vmem>> -> memref<128xi32, #tpu.memory_space<vmem>>
        %dma_start3A_457 = arith.constant 0 : i32
        %dma_start3A_458 = arith.constant 0 : i32
        %dma_start3A_459 = tpu.memref_slice %arg13[%dma_start3A_457, %dma_start3A_458] : memref<10240x64xf32, #tpu.memory_space<vmem_shared>> -> memref<10240x64xf32, #tpu.memory_space<vmem_shared>>
        tpu.enqueue_indirect_dma source(%dma_start3A_453 : memref<128x64xf32, #tpu.memory_space<vmem>>) target(%dma_start3A_459 : memref<10240x64xf32, #tpu.memory_space<vmem_shared>>) offsets(%dma_start3A_456 : memref<128xi32, #tpu.memory_space<vmem>>) semaphore(%arg12 : memref<!tpu.dma_semaphore, #tpu.memory_space<semaphore_mem>>) {add = true}
      }
      %sub3A_326 = arith.constant 1 : i32
      %sub3A_327 = arith.subi %select_n3A_48, %sub3A_326 : i32
      %jit3A_328 = arith.constant 3 : i32
      %eq3A_329 = arith.constant 0 : i32
      %eq3A_330 = arith.cmpi eq, %jit3A_328, %eq3A_329 : i32
      %jit3A_331 = arith.constant 1 : i32
      %select_n3A_332 = arith.select %eq3A_330, %jit3A_331, %jit3A_328 : i32
      %rem3A = arith.remsi %sub3A_327, %select_n3A_332 : i32
      %ne3A = arith.constant 0 : i32
      %ne3A_333 = arith.cmpi ne, %rem3A, %ne3A : i32
      %lt3A_334 = arith.constant 0 : i32
      %lt3A_335 = arith.cmpi slt, %rem3A, %lt3A_334 : i32
      %lt3A_336 = arith.constant 0 : i32
      %lt3A_337 = arith.cmpi slt, %select_n3A_332, %lt3A_336 : i32
      %ne3A_338 = arith.xori %lt3A_335, %lt3A_337 : i1
      %and3A = arith.andi %ne3A_338, %ne3A_333 : i1
      %add3A_339 = arith.addi %rem3A, %select_n3A_332 : i32
      %select_n3A_340 = arith.select %and3A, %add3A_339, %rem3A : i32
      %sub3A_341 = arith.constant 1 : i32
      %sub3A_342 = arith.subi %select_n3A_48, %sub3A_341 : i32
      %mul3A_343 = arith.constant 2 : i32
      %mul3A_344 = arith.muli %sub3A_342, %mul3A_343 : i32
      %add3A_345 = arith.constant 0 : i32
      %add3A_346 = arith.addi %mul3A_344, %add3A_345 : i32
      %dma_wait3A_347 = arith.constant 0 : i32
      %dma_wait3A_348 = arith.constant 0 : i32
      %dma_wait3A_349 = arith.constant 0 : i32
      %dma_wait3A_350 = tpu.memref_slice %arg10[%select_n3A_340, %dma_wait3A_347, %dma_wait3A_348, %dma_wait3A_349] : memref<3x2x128x64xf32, #tpu.memory_space<vmem>> -> memref<1x1x128x64xf32, #tpu.memory_space<vmem>>
      %dma_wait3A_351 = tpu.memref_squeeze %dma_wait3A_350 : memref<1x1x128x64xf32, #tpu.memory_space<vmem>> -> memref<128x64xf32, #tpu.memory_space<vmem>>
      %dma_wait3A_352 = arith.constant 0 : i32
      %dma_wait3A_353 = tpu.memref_slice %arg9[%add3A_346, %dma_wait3A_352] : memref<160x128xi32, #tpu.memory_space<vmem>> -> memref<1x128xi32, #tpu.memory_space<vmem>>
      %dma_wait3A_354 = tpu.memref_squeeze %dma_wait3A_353 : memref<1x128xi32, #tpu.memory_space<vmem>> -> memref<128xi32, #tpu.memory_space<vmem>>
      %dma_wait3A_355 = arith.constant 0 : i32
      %dma_wait3A_356 = arith.constant 0 : i32
      %dma_wait3A_357 = tpu.memref_slice %arg13[%dma_wait3A_355, %dma_wait3A_356] : memref<10240x64xf32, #tpu.memory_space<vmem_shared>> -> memref<10240x64xf32, #tpu.memory_space<vmem_shared>>
      tpu.wait_indirect_dma semaphore(%arg12 : memref<!tpu.dma_semaphore, #tpu.memory_space<semaphore_mem>>) src(%dma_wait3A_351 : memref<128x64xf32, #tpu.memory_space<vmem>>) dst(%dma_wait3A_357 : memref<10240x64xf32, #tpu.memory_space<vmem_shared>>)
      %sub3A_358 = arith.constant 1 : i32
      %sub3A_359 = arith.subi %select_n3A_48, %sub3A_358 : i32
      %jit3A_360 = arith.constant 3 : i32
      %eq3A_361 = arith.constant 0 : i32
      %eq3A_362 = arith.cmpi eq, %jit3A_360, %eq3A_361 : i32
      %jit3A_363 = arith.constant 1 : i32
      %select_n3A_364 = arith.select %eq3A_362, %jit3A_363, %jit3A_360 : i32
      %rem3A_365 = arith.remsi %sub3A_359, %select_n3A_364 : i32
      %ne3A_366 = arith.constant 0 : i32
      %ne3A_367 = arith.cmpi ne, %rem3A_365, %ne3A_366 : i32
      %lt3A_368 = arith.constant 0 : i32
      %lt3A_369 = arith.cmpi slt, %rem3A_365, %lt3A_368 : i32
      %lt3A_370 = arith.constant 0 : i32
      %lt3A_371 = arith.cmpi slt, %select_n3A_364, %lt3A_370 : i32
      %ne3A_372 = arith.xori %lt3A_369, %lt3A_371 : i1
      %and3A_373 = arith.andi %ne3A_372, %ne3A_367 : i1
      %add3A_374 = arith.addi %rem3A_365, %select_n3A_364 : i32
      %select_n3A_375 = arith.select %and3A_373, %add3A_374, %rem3A_365 : i32
      %sub3A_376 = arith.constant 1 : i32
      %sub3A_377 = arith.subi %select_n3A_48, %sub3A_376 : i32
      %mul3A_378 = arith.constant 2 : i32
      %mul3A_379 = arith.muli %sub3A_377, %mul3A_378 : i32
      %add3A_380 = arith.constant 1 : i32
      %add3A_381 = arith.addi %mul3A_379, %add3A_380 : i32
      %dma_wait3A_382 = arith.constant 1 : i32
      %dma_wait3A_383 = arith.constant 0 : i32
      %dma_wait3A_384 = arith.constant 0 : i32
      %dma_wait3A_385 = tpu.memref_slice %arg10[%select_n3A_375, %dma_wait3A_382, %dma_wait3A_383, %dma_wait3A_384] : memref<3x2x128x64xf32, #tpu.memory_space<vmem>> -> memref<1x1x128x64xf32, #tpu.memory_space<vmem>>
      %dma_wait3A_386 = tpu.memref_squeeze %dma_wait3A_385 : memref<1x1x128x64xf32, #tpu.memory_space<vmem>> -> memref<128x64xf32, #tpu.memory_space<vmem>>
      %dma_wait3A_387 = arith.constant 0 : i32
      %dma_wait3A_388 = tpu.memref_slice %arg9[%add3A_381, %dma_wait3A_387] : memref<160x128xi32, #tpu.memory_space<vmem>> -> memref<1x128xi32, #tpu.memory_space<vmem>>
      %dma_wait3A_389 = tpu.memref_squeeze %dma_wait3A_388 : memref<1x128xi32, #tpu.memory_space<vmem>> -> memref<128xi32, #tpu.memory_space<vmem>>
      %dma_wait3A_390 = arith.constant 0 : i32
      %dma_wait3A_391 = arith.constant 0 : i32
      %dma_wait3A_392 = tpu.memref_slice %arg13[%dma_wait3A_390, %dma_wait3A_391] : memref<10240x64xf32, #tpu.memory_space<vmem_shared>> -> memref<10240x64xf32, #tpu.memory_space<vmem_shared>>
      tpu.wait_indirect_dma semaphore(%arg12 : memref<!tpu.dma_semaphore, #tpu.memory_space<semaphore_mem>>) src(%dma_wait3A_386 : memref<128x64xf32, #tpu.memory_space<vmem>>) dst(%dma_wait3A_392 : memref<10240x64xf32, #tpu.memory_space<vmem_shared>>)
    } else {
    }
    %eq3A_51 = arith.constant 1 : i32
    %eq3A_52 = arith.cmpi eq, %arg0, %eq3A_51 : i32
    %convert_element_type3A_53 = arith.extui %eq3A_52 : i1 to i32
    %cond3A_54 = arith.constant 0 : i32
    %cond3A_55 = arith.cmpi ne, %convert_element_type3A_53, %cond3A_54 : i32
    scf.if %cond3A_55 {
      %dma_start3A_265 = arith.constant 0 : i32
      %dma_start3A_266 = arith.constant 0 : i32
      %dma_start3A_267 = arith.constant 0 : i32
      %dma_start3A_268 = arith.constant 0 : i32
      %dma_start3A_269 = arith.constant 0 : i32
      %dma_start3A_270 = tpu.memref_slice %arg10[%dma_start3A_266, %dma_start3A_267, %dma_start3A_268, %dma_start3A_269] : memref<3x2x128x64xf32, #tpu.memory_space<vmem>> -> memref<1x1x128x64xf32, #tpu.memory_space<vmem>>
      %dma_start3A_271 = tpu.memref_squeeze %dma_start3A_270 : memref<1x1x128x64xf32, #tpu.memory_space<vmem>> -> memref<128x64xf32, #tpu.memory_space<vmem>>
      %dma_start3A_272 = arith.constant 0 : i32
      %dma_start3A_273 = tpu.memref_slice %arg8[%dma_start3A_265, %dma_start3A_272] : memref<160x128xi32, #tpu.memory_space<vmem>> -> memref<1x128xi32, #tpu.memory_space<vmem>>
      %dma_start3A_274 = tpu.memref_squeeze %dma_start3A_273 : memref<1x128xi32, #tpu.memory_space<vmem>> -> memref<128xi32, #tpu.memory_space<vmem>>
      %dma_start3A_275 = arith.constant 0 : i32
      %dma_start3A_276 = arith.constant 0 : i32
      %dma_start3A_277 = tpu.memref_slice %arg3[%dma_start3A_275, %dma_start3A_276] : memref<10000x64xf32, #tpu.memory_space<hbm>> -> memref<10000x64xf32, #tpu.memory_space<hbm>>
      tpu.enqueue_indirect_dma source(%dma_start3A_277 : memref<10000x64xf32, #tpu.memory_space<hbm>>) target(%dma_start3A_271 : memref<128x64xf32, #tpu.memory_space<vmem>>) offsets(%dma_start3A_274 : memref<128xi32, #tpu.memory_space<vmem>>) semaphore(%arg11 : memref<!tpu.dma_semaphore, #tpu.memory_space<semaphore_mem>>)
      %dma_start3A_278 = arith.constant 1 : i32
      %dma_start3A_279 = arith.constant 0 : i32
      %dma_start3A_280 = arith.constant 1 : i32
      %dma_start3A_281 = arith.constant 0 : i32
      %dma_start3A_282 = arith.constant 0 : i32
      %dma_start3A_283 = tpu.memref_slice %arg10[%dma_start3A_279, %dma_start3A_280, %dma_start3A_281, %dma_start3A_282] : memref<3x2x128x64xf32, #tpu.memory_space<vmem>> -> memref<1x1x128x64xf32, #tpu.memory_space<vmem>>
      %dma_start3A_284 = tpu.memref_squeeze %dma_start3A_283 : memref<1x1x128x64xf32, #tpu.memory_space<vmem>> -> memref<128x64xf32, #tpu.memory_space<vmem>>
      %dma_start3A_285 = arith.constant 0 : i32
      %dma_start3A_286 = tpu.memref_slice %arg8[%dma_start3A_278, %dma_start3A_285] : memref<160x128xi32, #tpu.memory_space<vmem>> -> memref<1x128xi32, #tpu.memory_space<vmem>>
      %dma_start3A_287 = tpu.memref_squeeze %dma_start3A_286 : memref<1x128xi32, #tpu.memory_space<vmem>> -> memref<128xi32, #tpu.memory_space<vmem>>
      %dma_start3A_288 = arith.constant 0 : i32
      %dma_start3A_289 = arith.constant 0 : i32
      %dma_start3A_290 = tpu.memref_slice %arg3[%dma_start3A_288, %dma_start3A_289] : memref<10000x64xf32, #tpu.memory_space<hbm>> -> memref<10000x64xf32, #tpu.memory_space<hbm>>
      tpu.enqueue_indirect_dma source(%dma_start3A_290 : memref<10000x64xf32, #tpu.memory_space<hbm>>) target(%dma_start3A_284 : memref<128x64xf32, #tpu.memory_space<vmem>>) offsets(%dma_start3A_287 : memref<128xi32, #tpu.memory_space<vmem>>) semaphore(%arg11 : memref<!tpu.dma_semaphore, #tpu.memory_space<semaphore_mem>>)
      %dma_start3A_291 = arith.constant 2 : i32
      %dma_start3A_292 = arith.constant 1 : i32
      %dma_start3A_293 = arith.constant 0 : i32
      %dma_start3A_294 = arith.constant 0 : i32
      %dma_start3A_295 = arith.constant 0 : i32
      %dma_start3A_296 = tpu.memref_slice %arg10[%dma_start3A_292, %dma_start3A_293, %dma_start3A_294, %dma_start3A_295] : memref<3x2x128x64xf32, #tpu.memory_space<vmem>> -> memref<1x1x128x64xf32, #tpu.memory_space<vmem>>
      %dma_start3A_297 = tpu.memref_squeeze %dma_start3A_296 : memref<1x1x128x64xf32, #tpu.memory_space<vmem>> -> memref<128x64xf32, #tpu.memory_space<vmem>>
      %dma_start3A_298 = arith.constant 0 : i32
      %dma_start3A_299 = tpu.memref_slice %arg8[%dma_start3A_291, %dma_start3A_298] : memref<160x128xi32, #tpu.memory_space<vmem>> -> memref<1x128xi32, #tpu.memory_space<vmem>>
      %dma_start3A_300 = tpu.memref_squeeze %dma_start3A_299 : memref<1x128xi32, #tpu.memory_space<vmem>> -> memref<128xi32, #tpu.memory_space<vmem>>
      %dma_start3A_301 = arith.constant 0 : i32
      %dma_start3A_302 = arith.constant 0 : i32
      %dma_start3A_303 = tpu.memref_slice %arg3[%dma_start3A_301, %dma_start3A_302] : memref<10000x64xf32, #tpu.memory_space<hbm>> -> memref<10000x64xf32, #tpu.memory_space<hbm>>
      tpu.enqueue_indirect_dma source(%dma_start3A_303 : memref<10000x64xf32, #tpu.memory_space<hbm>>) target(%dma_start3A_297 : memref<128x64xf32, #tpu.memory_space<vmem>>) offsets(%dma_start3A_300 : memref<128xi32, #tpu.memory_space<vmem>>) semaphore(%arg11 : memref<!tpu.dma_semaphore, #tpu.memory_space<semaphore_mem>>)
      %dma_start3A_304 = arith.constant 3 : i32
      %dma_start3A_305 = arith.constant 1 : i32
      %dma_start3A_306 = arith.constant 1 : i32
      %dma_start3A_307 = arith.constant 0 : i32
      %dma_start3A_308 = arith.constant 0 : i32
      %dma_start3A_309 = tpu.memref_slice %arg10[%dma_start3A_305, %dma_start3A_306, %dma_start3A_307, %dma_start3A_308] : memref<3x2x128x64xf32, #tpu.memory_space<vmem>> -> memref<1x1x128x64xf32, #tpu.memory_space<vmem>>
      %dma_start3A_310 = tpu.memref_squeeze %dma_start3A_309 : memref<1x1x128x64xf32, #tpu.memory_space<vmem>> -> memref<128x64xf32, #tpu.memory_space<vmem>>
      %dma_start3A_311 = arith.constant 0 : i32
      %dma_start3A_312 = tpu.memref_slice %arg8[%dma_start3A_304, %dma_start3A_311] : memref<160x128xi32, #tpu.memory_space<vmem>> -> memref<1x128xi32, #tpu.memory_space<vmem>>
      %dma_start3A_313 = tpu.memref_squeeze %dma_start3A_312 : memref<1x128xi32, #tpu.memory_space<vmem>> -> memref<128xi32, #tpu.memory_space<vmem>>
      %dma_start3A_314 = arith.constant 0 : i32
      %dma_start3A_315 = arith.constant 0 : i32
      %dma_start3A_316 = tpu.memref_slice %arg3[%dma_start3A_314, %dma_start3A_315] : memref<10000x64xf32, #tpu.memory_space<hbm>> -> memref<10000x64xf32, #tpu.memory_space<hbm>>
      tpu.enqueue_indirect_dma source(%dma_start3A_316 : memref<10000x64xf32, #tpu.memory_space<hbm>>) target(%dma_start3A_310 : memref<128x64xf32, #tpu.memory_space<vmem>>) offsets(%dma_start3A_313 : memref<128xi32, #tpu.memory_space<vmem>>) semaphore(%arg11 : memref<!tpu.dma_semaphore, #tpu.memory_space<semaphore_mem>>)
      %while3A = arith.constant 0 : i32
      %while3A_317 = arith.constant 0 : i32
      %while3A_318 = arith.subi %select_n3A_48, %while3A_317 : i32
      %while3A_319 = arith.addi %while3A_317, %while3A_318 : i32
      %while3A_320 = arith.constant 1 : i32
      %while3A_321 = arith.divsi %while3A_318, %while3A_320 : i32
      %while3A_322 = arith.muli %while3A_321, %while3A_320 : i32
      %while3A_323 = arith.addi %while3A_317, %while3A_322 : i32
      %while3A_324 = arith.constant 1 : i32
      scf.for %while3A_393 = %while3A_317 to %while3A_323 step %while3A_324  : i32 {
        %rem3A_394 = arith.constant 3 : i32
        %rem3A_395 = arith.remsi %while3A_393, %rem3A_394 : i32
        %mul3A_396 = arith.constant 2 : i32
        %mul3A_397 = arith.muli %while3A_393, %mul3A_396 : i32
        %add3A_398 = arith.constant 0 : i32
        %add3A_399 = arith.addi %mul3A_397, %add3A_398 : i32
        %dma_wait3A_400 = arith.constant 0 : i32
        %dma_wait3A_401 = arith.constant 0 : i32
        %dma_wait3A_402 = arith.constant 0 : i32
        %dma_wait3A_403 = tpu.memref_slice %arg10[%rem3A_395, %dma_wait3A_400, %dma_wait3A_401, %dma_wait3A_402] : memref<3x2x128x64xf32, #tpu.memory_space<vmem>> -> memref<1x1x128x64xf32, #tpu.memory_space<vmem>>
        %dma_wait3A_404 = tpu.memref_squeeze %dma_wait3A_403 : memref<1x1x128x64xf32, #tpu.memory_space<vmem>> -> memref<128x64xf32, #tpu.memory_space<vmem>>
        %dma_wait3A_405 = arith.constant 0 : i32
        %dma_wait3A_406 = tpu.memref_slice %arg8[%add3A_399, %dma_wait3A_405] : memref<160x128xi32, #tpu.memory_space<vmem>> -> memref<1x128xi32, #tpu.memory_space<vmem>>
        %dma_wait3A_407 = tpu.memref_squeeze %dma_wait3A_406 : memref<1x128xi32, #tpu.memory_space<vmem>> -> memref<128xi32, #tpu.memory_space<vmem>>
        %dma_wait3A_408 = arith.constant 0 : i32
        %dma_wait3A_409 = arith.constant 0 : i32
        %dma_wait3A_410 = tpu.memref_slice %arg3[%dma_wait3A_408, %dma_wait3A_409] : memref<10000x64xf32, #tpu.memory_space<hbm>> -> memref<10000x64xf32, #tpu.memory_space<hbm>>
        tpu.wait_indirect_dma semaphore(%arg11 : memref<!tpu.dma_semaphore, #tpu.memory_space<semaphore_mem>>) src(%dma_wait3A_410 : memref<10000x64xf32, #tpu.memory_space<hbm>>) dst(%dma_wait3A_404 : memref<128x64xf32, #tpu.memory_space<vmem>>)
        %add3A_411 = arith.constant 1 : i32
        %add3A_412 = arith.addi %mul3A_397, %add3A_411 : i32
        %dma_wait3A_413 = arith.constant 1 : i32
        %dma_wait3A_414 = arith.constant 0 : i32
        %dma_wait3A_415 = arith.constant 0 : i32
        %dma_wait3A_416 = tpu.memref_slice %arg10[%rem3A_395, %dma_wait3A_413, %dma_wait3A_414, %dma_wait3A_415] : memref<3x2x128x64xf32, #tpu.memory_space<vmem>> -> memref<1x1x128x64xf32, #tpu.memory_space<vmem>>
        %dma_wait3A_417 = tpu.memref_squeeze %dma_wait3A_416 : memref<1x1x128x64xf32, #tpu.memory_space<vmem>> -> memref<128x64xf32, #tpu.memory_space<vmem>>
        %dma_wait3A_418 = arith.constant 0 : i32
        %dma_wait3A_419 = tpu.memref_slice %arg8[%add3A_412, %dma_wait3A_418] : memref<160x128xi32, #tpu.memory_space<vmem>> -> memref<1x128xi32, #tpu.memory_space<vmem>>
        %dma_wait3A_420 = tpu.memref_squeeze %dma_wait3A_419 : memref<1x128xi32, #tpu.memory_space<vmem>> -> memref<128xi32, #tpu.memory_space<vmem>>
        %dma_wait3A_421 = arith.constant 0 : i32
        %dma_wait3A_422 = arith.constant 0 : i32
        %dma_wait3A_423 = tpu.memref_slice %arg3[%dma_wait3A_421, %dma_wait3A_422] : memref<10000x64xf32, #tpu.memory_space<hbm>> -> memref<10000x64xf32, #tpu.memory_space<hbm>>
        tpu.wait_indirect_dma semaphore(%arg11 : memref<!tpu.dma_semaphore, #tpu.memory_space<semaphore_mem>>) src(%dma_wait3A_423 : memref<10000x64xf32, #tpu.memory_space<hbm>>) dst(%dma_wait3A_417 : memref<128x64xf32, #tpu.memory_space<vmem>>)
        %ge3A = arith.constant 1 : i32
        %ge3A_424 = arith.cmpi sge, %while3A_393, %ge3A : i32
        %convert_element_type3A_425 = arith.extui %ge3A_424 : i1 to i32
        %cond3A_426 = arith.constant 0 : i32
        %cond3A_427 = arith.cmpi ne, %convert_element_type3A_425, %cond3A_426 : i32
        scf.if %cond3A_427 {
          %sub3A_460 = arith.constant 1 : i32
          %sub3A_461 = arith.subi %while3A_393, %sub3A_460 : i32
          %rem3A_462 = arith.constant 3 : i32
          %rem3A_463 = arith.remsi %sub3A_461, %rem3A_462 : i32
          %sub3A_464 = arith.constant 1 : i32
          %sub3A_465 = arith.subi %while3A_393, %sub3A_464 : i32
          %mul3A_466 = arith.constant 2 : i32
          %mul3A_467 = arith.muli %sub3A_465, %mul3A_466 : i32
          %add3A_468 = arith.constant 0 : i32
          %add3A_469 = arith.addi %mul3A_467, %add3A_468 : i32
          %dma_wait3A_470 = arith.constant 0 : i32
          %dma_wait3A_471 = arith.constant 0 : i32
          %dma_wait3A_472 = arith.constant 0 : i32
          %dma_wait3A_473 = tpu.memref_slice %arg10[%rem3A_463, %dma_wait3A_470, %dma_wait3A_471, %dma_wait3A_472] : memref<3x2x128x64xf32, #tpu.memory_space<vmem>> -> memref<1x1x128x64xf32, #tpu.memory_space<vmem>>
          %dma_wait3A_474 = tpu.memref_squeeze %dma_wait3A_473 : memref<1x1x128x64xf32, #tpu.memory_space<vmem>> -> memref<128x64xf32, #tpu.memory_space<vmem>>
          %dma_wait3A_475 = arith.constant 0 : i32
          %dma_wait3A_476 = tpu.memref_slice %arg9[%add3A_469, %dma_wait3A_475] : memref<160x128xi32, #tpu.memory_space<vmem>> -> memref<1x128xi32, #tpu.memory_space<vmem>>
          %dma_wait3A_477 = tpu.memref_squeeze %dma_wait3A_476 : memref<1x128xi32, #tpu.memory_space<vmem>> -> memref<128xi32, #tpu.memory_space<vmem>>
          %dma_wait3A_478 = arith.constant 0 : i32
          %dma_wait3A_479 = arith.constant 0 : i32
          %dma_wait3A_480 = tpu.memref_slice %arg13[%dma_wait3A_478, %dma_wait3A_479] : memref<10240x64xf32, #tpu.memory_space<vmem_shared>> -> memref<10240x64xf32, #tpu.memory_space<vmem_shared>>
          tpu.wait_indirect_dma semaphore(%arg12 : memref<!tpu.dma_semaphore, #tpu.memory_space<semaphore_mem>>) src(%dma_wait3A_474 : memref<128x64xf32, #tpu.memory_space<vmem>>) dst(%dma_wait3A_480 : memref<10240x64xf32, #tpu.memory_space<vmem_shared>>)
          %sub3A_481 = arith.constant 1 : i32
          %sub3A_482 = arith.subi %while3A_393, %sub3A_481 : i32
          %rem3A_483 = arith.constant 3 : i32
          %rem3A_484 = arith.remsi %sub3A_482, %rem3A_483 : i32
          %sub3A_485 = arith.constant 1 : i32
          %sub3A_486 = arith.subi %while3A_393, %sub3A_485 : i32
          %mul3A_487 = arith.constant 2 : i32
          %mul3A_488 = arith.muli %sub3A_486, %mul3A_487 : i32
          %add3A_489 = arith.constant 1 : i32
          %add3A_490 = arith.addi %mul3A_488, %add3A_489 : i32
          %dma_wait3A_491 = arith.constant 1 : i32
          %dma_wait3A_492 = arith.constant 0 : i32
          %dma_wait3A_493 = arith.constant 0 : i32
          %dma_wait3A_494 = tpu.memref_slice %arg10[%rem3A_484, %dma_wait3A_491, %dma_wait3A_492, %dma_wait3A_493] : memref<3x2x128x64xf32, #tpu.memory_space<vmem>> -> memref<1x1x128x64xf32, #tpu.memory_space<vmem>>
          %dma_wait3A_495 = tpu.memref_squeeze %dma_wait3A_494 : memref<1x1x128x64xf32, #tpu.memory_space<vmem>> -> memref<128x64xf32, #tpu.memory_space<vmem>>
          %dma_wait3A_496 = arith.constant 0 : i32
          %dma_wait3A_497 = tpu.memref_slice %arg9[%add3A_490, %dma_wait3A_496] : memref<160x128xi32, #tpu.memory_space<vmem>> -> memref<1x128xi32, #tpu.memory_space<vmem>>
          %dma_wait3A_498 = tpu.memref_squeeze %dma_wait3A_497 : memref<1x128xi32, #tpu.memory_space<vmem>> -> memref<128xi32, #tpu.memory_space<vmem>>
          %dma_wait3A_499 = arith.constant 0 : i32
          %dma_wait3A_500 = arith.constant 0 : i32
          %dma_wait3A_501 = tpu.memref_slice %arg13[%dma_wait3A_499, %dma_wait3A_500] : memref<10240x64xf32, #tpu.memory_space<vmem_shared>> -> memref<10240x64xf32, #tpu.memory_space<vmem_shared>>
          tpu.wait_indirect_dma semaphore(%arg12 : memref<!tpu.dma_semaphore, #tpu.memory_space<semaphore_mem>>) src(%dma_wait3A_495 : memref<128x64xf32, #tpu.memory_space<vmem>>) dst(%dma_wait3A_501 : memref<10240x64xf32, #tpu.memory_space<vmem_shared>>)
        } else {
        }
        %add3A_428 = arith.constant 2 : i32
        %add3A_429 = arith.addi %while3A_393, %add3A_428 : i32
        %lt3A_430 = arith.cmpi slt, %add3A_429, %select_n3A_48 : i32
        %convert_element_type3A_431 = arith.extui %lt3A_430 : i1 to i32
        %cond3A_432 = arith.constant 0 : i32
        %cond3A_433 = arith.cmpi ne, %convert_element_type3A_431, %cond3A_432 : i32
        scf.if %cond3A_433 {
          %add3A_460 = arith.constant 2 : i32
          %add3A_461 = arith.addi %while3A_393, %add3A_460 : i32
          %mul3A_462 = arith.constant 2 : i32
          %mul3A_463 = arith.muli %add3A_461, %mul3A_462 : i32
          %add3A_464 = arith.constant 0 : i32
          %add3A_465 = arith.addi %mul3A_463, %add3A_464 : i32
          %add3A_466 = arith.constant 2 : i32
          %add3A_467 = arith.addi %while3A_393, %add3A_466 : i32
          %rem3A_468 = arith.constant 3 : i32
          %rem3A_469 = arith.remsi %add3A_467, %rem3A_468 : i32
          %dma_start3A_470 = arith.constant 0 : i32
          %dma_start3A_471 = arith.constant 0 : i32
          %dma_start3A_472 = arith.constant 0 : i32
          %dma_start3A_473 = tpu.memref_slice %arg10[%rem3A_469, %dma_start3A_470, %dma_start3A_471, %dma_start3A_472] : memref<3x2x128x64xf32, #tpu.memory_space<vmem>> -> memref<1x1x128x64xf32, #tpu.memory_space<vmem>>
          %dma_start3A_474 = tpu.memref_squeeze %dma_start3A_473 : memref<1x1x128x64xf32, #tpu.memory_space<vmem>> -> memref<128x64xf32, #tpu.memory_space<vmem>>
          %dma_start3A_475 = arith.constant 0 : i32
          %dma_start3A_476 = tpu.memref_slice %arg8[%add3A_465, %dma_start3A_475] : memref<160x128xi32, #tpu.memory_space<vmem>> -> memref<1x128xi32, #tpu.memory_space<vmem>>
          %dma_start3A_477 = tpu.memref_squeeze %dma_start3A_476 : memref<1x128xi32, #tpu.memory_space<vmem>> -> memref<128xi32, #tpu.memory_space<vmem>>
          %dma_start3A_478 = arith.constant 0 : i32
          %dma_start3A_479 = arith.constant 0 : i32
          %dma_start3A_480 = tpu.memref_slice %arg3[%dma_start3A_478, %dma_start3A_479] : memref<10000x64xf32, #tpu.memory_space<hbm>> -> memref<10000x64xf32, #tpu.memory_space<hbm>>
          tpu.enqueue_indirect_dma source(%dma_start3A_480 : memref<10000x64xf32, #tpu.memory_space<hbm>>) target(%dma_start3A_474 : memref<128x64xf32, #tpu.memory_space<vmem>>) offsets(%dma_start3A_477 : memref<128xi32, #tpu.memory_space<vmem>>) semaphore(%arg11 : memref<!tpu.dma_semaphore, #tpu.memory_space<semaphore_mem>>)
          %add3A_481 = arith.constant 2 : i32
          %add3A_482 = arith.addi %while3A_393, %add3A_481 : i32
          %mul3A_483 = arith.constant 2 : i32
          %mul3A_484 = arith.muli %add3A_482, %mul3A_483 : i32
          %add3A_485 = arith.constant 1 : i32
          %add3A_486 = arith.addi %mul3A_484, %add3A_485 : i32
          %add3A_487 = arith.constant 2 : i32
          %add3A_488 = arith.addi %while3A_393, %add3A_487 : i32
          %rem3A_489 = arith.constant 3 : i32
          %rem3A_490 = arith.remsi %add3A_488, %rem3A_489 : i32
          %dma_start3A_491 = arith.constant 1 : i32
          %dma_start3A_492 = arith.constant 0 : i32
          %dma_start3A_493 = arith.constant 0 : i32
          %dma_start3A_494 = tpu.memref_slice %arg10[%rem3A_490, %dma_start3A_491, %dma_start3A_492, %dma_start3A_493] : memref<3x2x128x64xf32, #tpu.memory_space<vmem>> -> memref<1x1x128x64xf32, #tpu.memory_space<vmem>>
          %dma_start3A_495 = tpu.memref_squeeze %dma_start3A_494 : memref<1x1x128x64xf32, #tpu.memory_space<vmem>> -> memref<128x64xf32, #tpu.memory_space<vmem>>
          %dma_start3A_496 = arith.constant 0 : i32
          %dma_start3A_497 = tpu.memref_slice %arg8[%add3A_486, %dma_start3A_496] : memref<160x128xi32, #tpu.memory_space<vmem>> -> memref<1x128xi32, #tpu.memory_space<vmem>>
          %dma_start3A_498 = tpu.memref_squeeze %dma_start3A_497 : memref<1x128xi32, #tpu.memory_space<vmem>> -> memref<128xi32, #tpu.memory_space<vmem>>
          %dma_start3A_499 = arith.constant 0 : i32
          %dma_start3A_500 = arith.constant 0 : i32
          %dma_start3A_501 = tpu.memref_slice %arg3[%dma_start3A_499, %dma_start3A_500] : memref<10000x64xf32, #tpu.memory_space<hbm>> -> memref<10000x64xf32, #tpu.memory_space<hbm>>
          tpu.enqueue_indirect_dma source(%dma_start3A_501 : memref<10000x64xf32, #tpu.memory_space<hbm>>) target(%dma_start3A_495 : memref<128x64xf32, #tpu.memory_space<vmem>>) offsets(%dma_start3A_498 : memref<128xi32, #tpu.memory_space<vmem>>) semaphore(%arg11 : memref<!tpu.dma_semaphore, #tpu.memory_space<semaphore_mem>>)
        } else {
        }
        %add3A_434 = arith.constant 0 : i32
        %add3A_435 = arith.addi %mul3A_397, %add3A_434 : i32
        %dma_start3A_436 = arith.constant 0 : i32
        %dma_start3A_437 = arith.constant 0 : i32
        %dma_start3A_438 = arith.constant 0 : i32
        %dma_start3A_439 = tpu.memref_slice %arg10[%rem3A_395, %dma_start3A_436, %dma_start3A_437, %dma_start3A_438] : memref<3x2x128x64xf32, #tpu.memory_space<vmem>> -> memref<1x1x128x64xf32, #tpu.memory_space<vmem>>
        %dma_start3A_440 = tpu.memref_squeeze %dma_start3A_439 : memref<1x1x128x64xf32, #tpu.memory_space<vmem>> -> memref<128x64xf32, #tpu.memory_space<vmem>>
        %dma_start3A_441 = arith.constant 0 : i32
        %dma_start3A_442 = tpu.memref_slice %arg9[%add3A_435, %dma_start3A_441] : memref<160x128xi32, #tpu.memory_space<vmem>> -> memref<1x128xi32, #tpu.memory_space<vmem>>
        %dma_start3A_443 = tpu.memref_squeeze %dma_start3A_442 : memref<1x128xi32, #tpu.memory_space<vmem>> -> memref<128xi32, #tpu.memory_space<vmem>>
        %dma_start3A_444 = arith.constant 0 : i32
        %dma_start3A_445 = arith.constant 0 : i32
        %dma_start3A_446 = tpu.memref_slice %arg13[%dma_start3A_444, %dma_start3A_445] : memref<10240x64xf32, #tpu.memory_space<vmem_shared>> -> memref<10240x64xf32, #tpu.memory_space<vmem_shared>>
        tpu.enqueue_indirect_dma source(%dma_start3A_440 : memref<128x64xf32, #tpu.memory_space<vmem>>) target(%dma_start3A_446 : memref<10240x64xf32, #tpu.memory_space<vmem_shared>>) offsets(%dma_start3A_443 : memref<128xi32, #tpu.memory_space<vmem>>) semaphore(%arg12 : memref<!tpu.dma_semaphore, #tpu.memory_space<semaphore_mem>>) {add = true}
        %add3A_447 = arith.constant 1 : i32
        %add3A_448 = arith.addi %mul3A_397, %add3A_447 : i32
        %dma_start3A_449 = arith.constant 1 : i32
        %dma_start3A_450 = arith.constant 0 : i32
        %dma_start3A_451 = arith.constant 0 : i32
        %dma_start3A_452 = tpu.memref_slice %arg10[%rem3A_395, %dma_start3A_449, %dma_start3A_450, %dma_start3A_451] : memref<3x2x128x64xf32, #tpu.memory_space<vmem>> -> memref<1x1x128x64xf32, #tpu.memory_space<vmem>>
        %dma_start3A_453 = tpu.memref_squeeze %dma_start3A_452 : memref<1x1x128x64xf32, #tpu.memory_space<vmem>> -> memref<128x64xf32, #tpu.memory_space<vmem>>
        %dma_start3A_454 = arith.constant 0 : i32
        %dma_start3A_455 = tpu.memref_slice %arg9[%add3A_448, %dma_start3A_454] : memref<160x128xi32, #tpu.memory_space<vmem>> -> memref<1x128xi32, #tpu.memory_space<vmem>>
        %dma_start3A_456 = tpu.memref_squeeze %dma_start3A_455 : memref<1x128xi32, #tpu.memory_space<vmem>> -> memref<128xi32, #tpu.memory_space<vmem>>
        %dma_start3A_457 = arith.constant 0 : i32
        %dma_start3A_458 = arith.constant 0 : i32
        %dma_start3A_459 = tpu.memref_slice %arg13[%dma_start3A_457, %dma_start3A_458] : memref<10240x64xf32, #tpu.memory_space<vmem_shared>> -> memref<10240x64xf32, #tpu.memory_space<vmem_shared>>
        tpu.enqueue_indirect_dma source(%dma_start3A_453 : memref<128x64xf32, #tpu.memory_space<vmem>>) target(%dma_start3A_459 : memref<10240x64xf32, #tpu.memory_space<vmem_shared>>) offsets(%dma_start3A_456 : memref<128xi32, #tpu.memory_space<vmem>>) semaphore(%arg12 : memref<!tpu.dma_semaphore, #tpu.memory_space<semaphore_mem>>) {add = true}
      }
      %while3A_325 = arith.constant 1 : i32
      scf.for %while3A_393 = %while3A_323 to %while3A_319 step %while3A_325  : i32 {
        %rem3A_394 = arith.constant 3 : i32
        %rem3A_395 = arith.remsi %while3A_393, %rem3A_394 : i32
        %mul3A_396 = arith.constant 2 : i32
        %mul3A_397 = arith.muli %while3A_393, %mul3A_396 : i32
        %add3A_398 = arith.constant 0 : i32
        %add3A_399 = arith.addi %mul3A_397, %add3A_398 : i32
        %dma_wait3A_400 = arith.constant 0 : i32
        %dma_wait3A_401 = arith.constant 0 : i32
        %dma_wait3A_402 = arith.constant 0 : i32
        %dma_wait3A_403 = tpu.memref_slice %arg10[%rem3A_395, %dma_wait3A_400, %dma_wait3A_401, %dma_wait3A_402] : memref<3x2x128x64xf32, #tpu.memory_space<vmem>> -> memref<1x1x128x64xf32, #tpu.memory_space<vmem>>
        %dma_wait3A_404 = tpu.memref_squeeze %dma_wait3A_403 : memref<1x1x128x64xf32, #tpu.memory_space<vmem>> -> memref<128x64xf32, #tpu.memory_space<vmem>>
        %dma_wait3A_405 = arith.constant 0 : i32
        %dma_wait3A_406 = tpu.memref_slice %arg8[%add3A_399, %dma_wait3A_405] : memref<160x128xi32, #tpu.memory_space<vmem>> -> memref<1x128xi32, #tpu.memory_space<vmem>>
        %dma_wait3A_407 = tpu.memref_squeeze %dma_wait3A_406 : memref<1x128xi32, #tpu.memory_space<vmem>> -> memref<128xi32, #tpu.memory_space<vmem>>
        %dma_wait3A_408 = arith.constant 0 : i32
        %dma_wait3A_409 = arith.constant 0 : i32
        %dma_wait3A_410 = tpu.memref_slice %arg3[%dma_wait3A_408, %dma_wait3A_409] : memref<10000x64xf32, #tpu.memory_space<hbm>> -> memref<10000x64xf32, #tpu.memory_space<hbm>>
        tpu.wait_indirect_dma semaphore(%arg11 : memref<!tpu.dma_semaphore, #tpu.memory_space<semaphore_mem>>) src(%dma_wait3A_410 : memref<10000x64xf32, #tpu.memory_space<hbm>>) dst(%dma_wait3A_404 : memref<128x64xf32, #tpu.memory_space<vmem>>)
        %add3A_411 = arith.constant 1 : i32
        %add3A_412 = arith.addi %mul3A_397, %add3A_411 : i32
        %dma_wait3A_413 = arith.constant 1 : i32
        %dma_wait3A_414 = arith.constant 0 : i32
        %dma_wait3A_415 = arith.constant 0 : i32
        %dma_wait3A_416 = tpu.memref_slice %arg10[%rem3A_395, %dma_wait3A_413, %dma_wait3A_414, %dma_wait3A_415] : memref<3x2x128x64xf32, #tpu.memory_space<vmem>> -> memref<1x1x128x64xf32, #tpu.memory_space<vmem>>
        %dma_wait3A_417 = tpu.memref_squeeze %dma_wait3A_416 : memref<1x1x128x64xf32, #tpu.memory_space<vmem>> -> memref<128x64xf32, #tpu.memory_space<vmem>>
        %dma_wait3A_418 = arith.constant 0 : i32
        %dma_wait3A_419 = tpu.memref_slice %arg8[%add3A_412, %dma_wait3A_418] : memref<160x128xi32, #tpu.memory_space<vmem>> -> memref<1x128xi32, #tpu.memory_space<vmem>>
        %dma_wait3A_420 = tpu.memref_squeeze %dma_wait3A_419 : memref<1x128xi32, #tpu.memory_space<vmem>> -> memref<128xi32, #tpu.memory_space<vmem>>
        %dma_wait3A_421 = arith.constant 0 : i32
        %dma_wait3A_422 = arith.constant 0 : i32
        %dma_wait3A_423 = tpu.memref_slice %arg3[%dma_wait3A_421, %dma_wait3A_422] : memref<10000x64xf32, #tpu.memory_space<hbm>> -> memref<10000x64xf32, #tpu.memory_space<hbm>>
        tpu.wait_indirect_dma semaphore(%arg11 : memref<!tpu.dma_semaphore, #tpu.memory_space<semaphore_mem>>) src(%dma_wait3A_423 : memref<10000x64xf32, #tpu.memory_space<hbm>>) dst(%dma_wait3A_417 : memref<128x64xf32, #tpu.memory_space<vmem>>)
        %ge3A = arith.constant 1 : i32
        %ge3A_424 = arith.cmpi sge, %while3A_393, %ge3A : i32
        %convert_element_type3A_425 = arith.extui %ge3A_424 : i1 to i32
        %cond3A_426 = arith.constant 0 : i32
        %cond3A_427 = arith.cmpi ne, %convert_element_type3A_425, %cond3A_426 : i32
        scf.if %cond3A_427 {
          %sub3A_460 = arith.constant 1 : i32
          %sub3A_461 = arith.subi %while3A_393, %sub3A_460 : i32
          %rem3A_462 = arith.constant 3 : i32
          %rem3A_463 = arith.remsi %sub3A_461, %rem3A_462 : i32
          %sub3A_464 = arith.constant 1 : i32
          %sub3A_465 = arith.subi %while3A_393, %sub3A_464 : i32
          %mul3A_466 = arith.constant 2 : i32
          %mul3A_467 = arith.muli %sub3A_465, %mul3A_466 : i32
          %add3A_468 = arith.constant 0 : i32
          %add3A_469 = arith.addi %mul3A_467, %add3A_468 : i32
          %dma_wait3A_470 = arith.constant 0 : i32
          %dma_wait3A_471 = arith.constant 0 : i32
          %dma_wait3A_472 = arith.constant 0 : i32
          %dma_wait3A_473 = tpu.memref_slice %arg10[%rem3A_463, %dma_wait3A_470, %dma_wait3A_471, %dma_wait3A_472] : memref<3x2x128x64xf32, #tpu.memory_space<vmem>> -> memref<1x1x128x64xf32, #tpu.memory_space<vmem>>
          %dma_wait3A_474 = tpu.memref_squeeze %dma_wait3A_473 : memref<1x1x128x64xf32, #tpu.memory_space<vmem>> -> memref<128x64xf32, #tpu.memory_space<vmem>>
          %dma_wait3A_475 = arith.constant 0 : i32
          %dma_wait3A_476 = tpu.memref_slice %arg9[%add3A_469, %dma_wait3A_475] : memref<160x128xi32, #tpu.memory_space<vmem>> -> memref<1x128xi32, #tpu.memory_space<vmem>>
          %dma_wait3A_477 = tpu.memref_squeeze %dma_wait3A_476 : memref<1x128xi32, #tpu.memory_space<vmem>> -> memref<128xi32, #tpu.memory_space<vmem>>
          %dma_wait3A_478 = arith.constant 0 : i32
          %dma_wait3A_479 = arith.constant 0 : i32
          %dma_wait3A_480 = tpu.memref_slice %arg13[%dma_wait3A_478, %dma_wait3A_479] : memref<10240x64xf32, #tpu.memory_space<vmem_shared>> -> memref<10240x64xf32, #tpu.memory_space<vmem_shared>>
          tpu.wait_indirect_dma semaphore(%arg12 : memref<!tpu.dma_semaphore, #tpu.memory_space<semaphore_mem>>) src(%dma_wait3A_474 : memref<128x64xf32, #tpu.memory_space<vmem>>) dst(%dma_wait3A_480 : memref<10240x64xf32, #tpu.memory_space<vmem_shared>>)
          %sub3A_481 = arith.constant 1 : i32
          %sub3A_482 = arith.subi %while3A_393, %sub3A_481 : i32
          %rem3A_483 = arith.constant 3 : i32
          %rem3A_484 = arith.remsi %sub3A_482, %rem3A_483 : i32
          %sub3A_485 = arith.constant 1 : i32
          %sub3A_486 = arith.subi %while3A_393, %sub3A_485 : i32
          %mul3A_487 = arith.constant 2 : i32
          %mul3A_488 = arith.muli %sub3A_486, %mul3A_487 : i32
          %add3A_489 = arith.constant 1 : i32
          %add3A_490 = arith.addi %mul3A_488, %add3A_489 : i32
          %dma_wait3A_491 = arith.constant 1 : i32
          %dma_wait3A_492 = arith.constant 0 : i32
          %dma_wait3A_493 = arith.constant 0 : i32
          %dma_wait3A_494 = tpu.memref_slice %arg10[%rem3A_484, %dma_wait3A_491, %dma_wait3A_492, %dma_wait3A_493] : memref<3x2x128x64xf32, #tpu.memory_space<vmem>> -> memref<1x1x128x64xf32, #tpu.memory_space<vmem>>
          %dma_wait3A_495 = tpu.memref_squeeze %dma_wait3A_494 : memref<1x1x128x64xf32, #tpu.memory_space<vmem>> -> memref<128x64xf32, #tpu.memory_space<vmem>>
          %dma_wait3A_496 = arith.constant 0 : i32
          %dma_wait3A_497 = tpu.memref_slice %arg9[%add3A_490, %dma_wait3A_496] : memref<160x128xi32, #tpu.memory_space<vmem>> -> memref<1x128xi32, #tpu.memory_space<vmem>>
          %dma_wait3A_498 = tpu.memref_squeeze %dma_wait3A_497 : memref<1x128xi32, #tpu.memory_space<vmem>> -> memref<128xi32, #tpu.memory_space<vmem>>
          %dma_wait3A_499 = arith.constant 0 : i32
          %dma_wait3A_500 = arith.constant 0 : i32
          %dma_wait3A_501 = tpu.memref_slice %arg13[%dma_wait3A_499, %dma_wait3A_500] : memref<10240x64xf32, #tpu.memory_space<vmem_shared>> -> memref<10240x64xf32, #tpu.memory_space<vmem_shared>>
          tpu.wait_indirect_dma semaphore(%arg12 : memref<!tpu.dma_semaphore, #tpu.memory_space<semaphore_mem>>) src(%dma_wait3A_495 : memref<128x64xf32, #tpu.memory_space<vmem>>) dst(%dma_wait3A_501 : memref<10240x64xf32, #tpu.memory_space<vmem_shared>>)
        } else {
        }
        %add3A_428 = arith.constant 2 : i32
        %add3A_429 = arith.addi %while3A_393, %add3A_428 : i32
        %lt3A_430 = arith.cmpi slt, %add3A_429, %select_n3A_48 : i32
        %convert_element_type3A_431 = arith.extui %lt3A_430 : i1 to i32
        %cond3A_432 = arith.constant 0 : i32
        %cond3A_433 = arith.cmpi ne, %convert_element_type3A_431, %cond3A_432 : i32
        scf.if %cond3A_433 {
          %add3A_460 = arith.constant 2 : i32
          %add3A_461 = arith.addi %while3A_393, %add3A_460 : i32
          %mul3A_462 = arith.constant 2 : i32
          %mul3A_463 = arith.muli %add3A_461, %mul3A_462 : i32
          %add3A_464 = arith.constant 0 : i32
          %add3A_465 = arith.addi %mul3A_463, %add3A_464 : i32
          %add3A_466 = arith.constant 2 : i32
          %add3A_467 = arith.addi %while3A_393, %add3A_466 : i32
          %rem3A_468 = arith.constant 3 : i32
          %rem3A_469 = arith.remsi %add3A_467, %rem3A_468 : i32
          %dma_start3A_470 = arith.constant 0 : i32
          %dma_start3A_471 = arith.constant 0 : i32
          %dma_start3A_472 = arith.constant 0 : i32
          %dma_start3A_473 = tpu.memref_slice %arg10[%rem3A_469, %dma_start3A_470, %dma_start3A_471, %dma_start3A_472] : memref<3x2x128x64xf32, #tpu.memory_space<vmem>> -> memref<1x1x128x64xf32, #tpu.memory_space<vmem>>
          %dma_start3A_474 = tpu.memref_squeeze %dma_start3A_473 : memref<1x1x128x64xf32, #tpu.memory_space<vmem>> -> memref<128x64xf32, #tpu.memory_space<vmem>>
          %dma_start3A_475 = arith.constant 0 : i32
          %dma_start3A_476 = tpu.memref_slice %arg8[%add3A_465, %dma_start3A_475] : memref<160x128xi32, #tpu.memory_space<vmem>> -> memref<1x128xi32, #tpu.memory_space<vmem>>
          %dma_start3A_477 = tpu.memref_squeeze %dma_start3A_476 : memref<1x128xi32, #tpu.memory_space<vmem>> -> memref<128xi32, #tpu.memory_space<vmem>>
          %dma_start3A_478 = arith.constant 0 : i32
          %dma_start3A_479 = arith.constant 0 : i32
          %dma_start3A_480 = tpu.memref_slice %arg3[%dma_start3A_478, %dma_start3A_479] : memref<10000x64xf32, #tpu.memory_space<hbm>> -> memref<10000x64xf32, #tpu.memory_space<hbm>>
          tpu.enqueue_indirect_dma source(%dma_start3A_480 : memref<10000x64xf32, #tpu.memory_space<hbm>>) target(%dma_start3A_474 : memref<128x64xf32, #tpu.memory_space<vmem>>) offsets(%dma_start3A_477 : memref<128xi32, #tpu.memory_space<vmem>>) semaphore(%arg11 : memref<!tpu.dma_semaphore, #tpu.memory_space<semaphore_mem>>)
          %add3A_481 = arith.constant 2 : i32
          %add3A_482 = arith.addi %while3A_393, %add3A_481 : i32
          %mul3A_483 = arith.constant 2 : i32
          %mul3A_484 = arith.muli %add3A_482, %mul3A_483 : i32
          %add3A_485 = arith.constant 1 : i32
          %add3A_486 = arith.addi %mul3A_484, %add3A_485 : i32
          %add3A_487 = arith.constant 2 : i32
          %add3A_488 = arith.addi %while3A_393, %add3A_487 : i32
          %rem3A_489 = arith.constant 3 : i32
          %rem3A_490 = arith.remsi %add3A_488, %rem3A_489 : i32
          %dma_start3A_491 = arith.constant 1 : i32
          %dma_start3A_492 = arith.constant 0 : i32
          %dma_start3A_493 = arith.constant 0 : i32
          %dma_start3A_494 = tpu.memref_slice %arg10[%rem3A_490, %dma_start3A_491, %dma_start3A_492, %dma_start3A_493] : memref<3x2x128x64xf32, #tpu.memory_space<vmem>> -> memref<1x1x128x64xf32, #tpu.memory_space<vmem>>
          %dma_start3A_495 = tpu.memref_squeeze %dma_start3A_494 : memref<1x1x128x64xf32, #tpu.memory_space<vmem>> -> memref<128x64xf32, #tpu.memory_space<vmem>>
          %dma_start3A_496 = arith.constant 0 : i32
          %dma_start3A_497 = tpu.memref_slice %arg8[%add3A_486, %dma_start3A_496] : memref<160x128xi32, #tpu.memory_space<vmem>> -> memref<1x128xi32, #tpu.memory_space<vmem>>
          %dma_start3A_498 = tpu.memref_squeeze %dma_start3A_497 : memref<1x128xi32, #tpu.memory_space<vmem>> -> memref<128xi32, #tpu.memory_space<vmem>>
          %dma_start3A_499 = arith.constant 0 : i32
          %dma_start3A_500 = arith.constant 0 : i32
          %dma_start3A_501 = tpu.memref_slice %arg3[%dma_start3A_499, %dma_start3A_500] : memref<10000x64xf32, #tpu.memory_space<hbm>> -> memref<10000x64xf32, #tpu.memory_space<hbm>>
          tpu.enqueue_indirect_dma source(%dma_start3A_501 : memref<10000x64xf32, #tpu.memory_space<hbm>>) target(%dma_start3A_495 : memref<128x64xf32, #tpu.memory_space<vmem>>) offsets(%dma_start3A_498 : memref<128xi32, #tpu.memory_space<vmem>>) semaphore(%arg11 : memref<!tpu.dma_semaphore, #tpu.memory_space<semaphore_mem>>)
        } else {
        }
        %add3A_434 = arith.constant 0 : i32
        %add3A_435 = arith.addi %mul3A_397, %add3A_434 : i32
        %dma_start3A_436 = arith.constant 0 : i32
        %dma_start3A_437 = arith.constant 0 : i32
        %dma_start3A_438 = arith.constant 0 : i32
        %dma_start3A_439 = tpu.memref_slice %arg10[%rem3A_395, %dma_start3A_436, %dma_start3A_437, %dma_start3A_438] : memref<3x2x128x64xf32, #tpu.memory_space<vmem>> -> memref<1x1x128x64xf32, #tpu.memory_space<vmem>>
        %dma_start3A_440 = tpu.memref_squeeze %dma_start3A_439 : memref<1x1x128x64xf32, #tpu.memory_space<vmem>> -> memref<128x64xf32, #tpu.memory_space<vmem>>
        %dma_start3A_441 = arith.constant 0 : i32
        %dma_start3A_442 = tpu.memref_slice %arg9[%add3A_435, %dma_start3A_441] : memref<160x128xi32, #tpu.memory_space<vmem>> -> memref<1x128xi32, #tpu.memory_space<vmem>>
        %dma_start3A_443 = tpu.memref_squeeze %dma_start3A_442 : memref<1x128xi32, #tpu.memory_space<vmem>> -> memref<128xi32, #tpu.memory_space<vmem>>
        %dma_start3A_444 = arith.constant 0 : i32
        %dma_start3A_445 = arith.constant 0 : i32
        %dma_start3A_446 = tpu.memref_slice %arg13[%dma_start3A_444, %dma_start3A_445] : memref<10240x64xf32, #tpu.memory_space<vmem_shared>> -> memref<10240x64xf32, #tpu.memory_space<vmem_shared>>
        tpu.enqueue_indirect_dma source(%dma_start3A_440 : memref<128x64xf32, #tpu.memory_space<vmem>>) target(%dma_start3A_446 : memref<10240x64xf32, #tpu.memory_space<vmem_shared>>) offsets(%dma_start3A_443 : memref<128xi32, #tpu.memory_space<vmem>>) semaphore(%arg12 : memref<!tpu.dma_semaphore, #tpu.memory_space<semaphore_mem>>) {add = true}
        %add3A_447 = arith.constant 1 : i32
        %add3A_448 = arith.addi %mul3A_397, %add3A_447 : i32
        %dma_start3A_449 = arith.constant 1 : i32
        %dma_start3A_450 = arith.constant 0 : i32
        %dma_start3A_451 = arith.constant 0 : i32
        %dma_start3A_452 = tpu.memref_slice %arg10[%rem3A_395, %dma_start3A_449, %dma_start3A_450, %dma_start3A_451] : memref<3x2x128x64xf32, #tpu.memory_space<vmem>> -> memref<1x1x128x64xf32, #tpu.memory_space<vmem>>
        %dma_start3A_453 = tpu.memref_squeeze %dma_start3A_452 : memref<1x1x128x64xf32, #tpu.memory_space<vmem>> -> memref<128x64xf32, #tpu.memory_space<vmem>>
        %dma_start3A_454 = arith.constant 0 : i32
        %dma_start3A_455 = tpu.memref_slice %arg9[%add3A_448, %dma_start3A_454] : memref<160x128xi32, #tpu.memory_space<vmem>> -> memref<1x128xi32, #tpu.memory_space<vmem>>
        %dma_start3A_456 = tpu.memref_squeeze %dma_start3A_455 : memref<1x128xi32, #tpu.memory_space<vmem>> -> memref<128xi32, #tpu.memory_space<vmem>>
        %dma_start3A_457 = arith.constant 0 : i32
        %dma_start3A_458 = arith.constant 0 : i32
        %dma_start3A_459 = tpu.memref_slice %arg13[%dma_start3A_457, %dma_start3A_458] : memref<10240x64xf32, #tpu.memory_space<vmem_shared>> -> memref<10240x64xf32, #tpu.memory_space<vmem_shared>>
        tpu.enqueue_indirect_dma source(%dma_start3A_453 : memref<128x64xf32, #tpu.memory_space<vmem>>) target(%dma_start3A_459 : memref<10240x64xf32, #tpu.memory_space<vmem_shared>>) offsets(%dma_start3A_456 : memref<128xi32, #tpu.memory_space<vmem>>) semaphore(%arg12 : memref<!tpu.dma_semaphore, #tpu.memory_space<semaphore_mem>>) {add = true}
      }
      %sub3A_326 = arith.constant 1 : i32
      %sub3A_327 = arith.subi %select_n3A_48, %sub3A_326 : i32
      %jit3A_328 = arith.constant 3 : i32
      %eq3A_329 = arith.constant 0 : i32
      %eq3A_330 = arith.cmpi eq, %jit3A_328, %eq3A_329 : i32
      %jit3A_331 = arith.constant 1 : i32
      %select_n3A_332 = arith.select %eq3A_330, %jit3A_331, %jit3A_328 : i32
      %rem3A = arith.remsi %sub3A_327, %select_n3A_332 : i32
      %ne3A = arith.constant 0 : i32
      %ne3A_333 = arith.cmpi ne, %rem3A, %ne3A : i32
      %lt3A_334 = arith.constant 0 : i32
      %lt3A_335 = arith.cmpi slt, %rem3A, %lt3A_334 : i32
      %lt3A_336 = arith.constant 0 : i32
      %lt3A_337 = arith.cmpi slt, %select_n3A_332, %lt3A_336 : i32
      %ne3A_338 = arith.xori %lt3A_335, %lt3A_337 : i1
      %and3A = arith.andi %ne3A_338, %ne3A_333 : i1
      %add3A_339 = arith.addi %rem3A, %select_n3A_332 : i32
      %select_n3A_340 = arith.select %and3A, %add3A_339, %rem3A : i32
      %sub3A_341 = arith.constant 1 : i32
      %sub3A_342 = arith.subi %select_n3A_48, %sub3A_341 : i32
      %mul3A_343 = arith.constant 2 : i32
      %mul3A_344 = arith.muli %sub3A_342, %mul3A_343 : i32
      %add3A_345 = arith.constant 0 : i32
      %add3A_346 = arith.addi %mul3A_344, %add3A_345 : i32
      %dma_wait3A_347 = arith.constant 0 : i32
      %dma_wait3A_348 = arith.constant 0 : i32
      %dma_wait3A_349 = arith.constant 0 : i32
      %dma_wait3A_350 = tpu.memref_slice %arg10[%select_n3A_340, %dma_wait3A_347, %dma_wait3A_348, %dma_wait3A_349] : memref<3x2x128x64xf32, #tpu.memory_space<vmem>> -> memref<1x1x128x64xf32, #tpu.memory_space<vmem>>
      %dma_wait3A_351 = tpu.memref_squeeze %dma_wait3A_350 : memref<1x1x128x64xf32, #tpu.memory_space<vmem>> -> memref<128x64xf32, #tpu.memory_space<vmem>>
      %dma_wait3A_352 = arith.constant 0 : i32
      %dma_wait3A_353 = tpu.memref_slice %arg9[%add3A_346, %dma_wait3A_352] : memref<160x128xi32, #tpu.memory_space<vmem>> -> memref<1x128xi32, #tpu.memory_space<vmem>>
      %dma_wait3A_354 = tpu.memref_squeeze %dma_wait3A_353 : memref<1x128xi32, #tpu.memory_space<vmem>> -> memref<128xi32, #tpu.memory_space<vmem>>
      %dma_wait3A_355 = arith.constant 0 : i32
      %dma_wait3A_356 = arith.constant 0 : i32
      %dma_wait3A_357 = tpu.memref_slice %arg13[%dma_wait3A_355, %dma_wait3A_356] : memref<10240x64xf32, #tpu.memory_space<vmem_shared>> -> memref<10240x64xf32, #tpu.memory_space<vmem_shared>>
      tpu.wait_indirect_dma semaphore(%arg12 : memref<!tpu.dma_semaphore, #tpu.memory_space<semaphore_mem>>) src(%dma_wait3A_351 : memref<128x64xf32, #tpu.memory_space<vmem>>) dst(%dma_wait3A_357 : memref<10240x64xf32, #tpu.memory_space<vmem_shared>>)
      %sub3A_358 = arith.constant 1 : i32
      %sub3A_359 = arith.subi %select_n3A_48, %sub3A_358 : i32
      %jit3A_360 = arith.constant 3 : i32
      %eq3A_361 = arith.constant 0 : i32
      %eq3A_362 = arith.cmpi eq, %jit3A_360, %eq3A_361 : i32
      %jit3A_363 = arith.constant 1 : i32
      %select_n3A_364 = arith.select %eq3A_362, %jit3A_363, %jit3A_360 : i32
      %rem3A_365 = arith.remsi %sub3A_359, %select_n3A_364 : i32
      %ne3A_366 = arith.constant 0 : i32
      %ne3A_367 = arith.cmpi ne, %rem3A_365, %ne3A_366 : i32
      %lt3A_368 = arith.constant 0 : i32
      %lt3A_369 = arith.cmpi slt, %rem3A_365, %lt3A_368 : i32
      %lt3A_370 = arith.constant 0 : i32
      %lt3A_371 = arith.cmpi slt, %select_n3A_364, %lt3A_370 : i32
      %ne3A_372 = arith.xori %lt3A_369, %lt3A_371 : i1
      %and3A_373 = arith.andi %ne3A_372, %ne3A_367 : i1
      %add3A_374 = arith.addi %rem3A_365, %select_n3A_364 : i32
      %select_n3A_375 = arith.select %and3A_373, %add3A_374, %rem3A_365 : i32
      %sub3A_376 = arith.constant 1 : i32
      %sub3A_377 = arith.subi %select_n3A_48, %sub3A_376 : i32
      %mul3A_378 = arith.constant 2 : i32
      %mul3A_379 = arith.muli %sub3A_377, %mul3A_378 : i32
      %add3A_380 = arith.constant 1 : i32
      %add3A_381 = arith.addi %mul3A_379, %add3A_380 : i32
      %dma_wait3A_382 = arith.constant 1 : i32
      %dma_wait3A_383 = arith.constant 0 : i32
      %dma_wait3A_384 = arith.constant 0 : i32
      %dma_wait3A_385 = tpu.memref_slice %arg10[%select_n3A_375, %dma_wait3A_382, %dma_wait3A_383, %dma_wait3A_384] : memref<3x2x128x64xf32, #tpu.memory_space<vmem>> -> memref<1x1x128x64xf32, #tpu.memory_space<vmem>>
      %dma_wait3A_386 = tpu.memref_squeeze %dma_wait3A_385 : memref<1x1x128x64xf32, #tpu.memory_space<vmem>> -> memref<128x64xf32, #tpu.memory_space<vmem>>
      %dma_wait3A_387 = arith.constant 0 : i32
      %dma_wait3A_388 = tpu.memref_slice %arg9[%add3A_381, %dma_wait3A_387] : memref<160x128xi32, #tpu.memory_space<vmem>> -> memref<1x128xi32, #tpu.memory_space<vmem>>
      %dma_wait3A_389 = tpu.memref_squeeze %dma_wait3A_388 : memref<1x128xi32, #tpu.memory_space<vmem>> -> memref<128xi32, #tpu.memory_space<vmem>>
      %dma_wait3A_390 = arith.constant 0 : i32
      %dma_wait3A_391 = arith.constant 0 : i32
      %dma_wait3A_392 = tpu.memref_slice %arg13[%dma_wait3A_390, %dma_wait3A_391] : memref<10240x64xf32, #tpu.memory_space<vmem_shared>> -> memref<10240x64xf32, #tpu.memory_space<vmem_shared>>
      tpu.wait_indirect_dma semaphore(%arg12 : memref<!tpu.dma_semaphore, #tpu.memory_space<semaphore_mem>>) src(%dma_wait3A_386 : memref<128x64xf32, #tpu.memory_space<vmem>>) dst(%dma_wait3A_392 : memref<10240x64xf32, #tpu.memory_space<vmem_shared>>)
    } else {
    }
    %barrier3A_56 = arith.constant 0 : index
    tpu.barrier barrier_id(%barrier3A_56)
    %mul3A_57 = arith.constant 640 : i32
    %mul3A_58 = arith.muli %arg1, %mul3A_57 : i32
    %add3A_59 = arith.constant 0 : i32
    %add3A_60 = arith.addi %mul3A_58, %add3A_59 : i32
    %run_scoped3A_61 = arith.constant 0 : i32
    %run_scoped3A_62 = arith.constant 0 : i32
    "tpu.region"() ({
      %run_scoped3A_265 = tpu.sem_alloc : memref<!tpu.dma_semaphore, #tpu.memory_space<semaphore_mem>>
      %dma_start3A_266 = arith.constant 0 : i32
      %dma_start3A_267 = arith.constant 0 : i32
      %dma_start3A_268 = tpu.memref_slice %arg10[%run_scoped3A_61, %run_scoped3A_62, %dma_start3A_266, %dma_start3A_267] : memref<3x2x128x64xf32, #tpu.memory_space<vmem>> -> memref<1x1x128x64xf32, #tpu.memory_space<vmem>>
      %dma_start3A_269 = tpu.memref_squeeze %dma_start3A_268 : memref<1x1x128x64xf32, #tpu.memory_space<vmem>> -> memref<128x64xf32, #tpu.memory_space<vmem>>
      %dma_start3A_270 = arith.constant 0 : i32
      %dma_start3A_271 = tpu.memref_slice %arg13[%add3A_60, %dma_start3A_270] : memref<10240x64xf32, #tpu.memory_space<vmem_shared>> -> memref<128x64xf32, #tpu.memory_space<vmem_shared>>
      %dma_start3A_272 = arith.constant 0 : i32
      %dma_start3A_273 = arith.constant 0 : i32
      %dma_start3A_274 = tpu.memref_slice %arg10[%run_scoped3A_61, %run_scoped3A_62, %dma_start3A_272, %dma_start3A_273] : memref<3x2x128x64xf32, #tpu.memory_space<vmem>> -> memref<1x1x128x64xf32, #tpu.memory_space<vmem>>
      %dma_start3A_275 = tpu.memref_squeeze %dma_start3A_274 : memref<1x1x128x64xf32, #tpu.memory_space<vmem>> -> memref<128x64xf32, #tpu.memory_space<vmem>>
      %dma_start3A_276 = arith.constant 0 : i32
      %dma_start3A_277 = tpu.memref_slice %arg13[%add3A_60, %dma_start3A_276] : memref<10240x64xf32, #tpu.memory_space<vmem_shared>> -> memref<128x64xf32, #tpu.memory_space<vmem_shared>>
      tpu.enqueue_dma source(%dma_start3A_277 : memref<128x64xf32, #tpu.memory_space<vmem_shared>>) target(%dma_start3A_275 : memref<128x64xf32, #tpu.memory_space<vmem>>) target_semaphore(%run_scoped3A_265 : memref<!tpu.dma_semaphore, #tpu.memory_space<semaphore_mem>>)
      %dma_wait3A_278 = arith.constant 0 : i32
      %dma_wait3A_279 = arith.constant 0 : i32
      %dma_wait3A_280 = tpu.memref_slice %arg10[%run_scoped3A_61, %run_scoped3A_62, %dma_wait3A_278, %dma_wait3A_279] : memref<3x2x128x64xf32, #tpu.memory_space<vmem>> -> memref<1x1x128x64xf32, #tpu.memory_space<vmem>>
      %dma_wait3A_281 = tpu.memref_squeeze %dma_wait3A_280 : memref<1x1x128x64xf32, #tpu.memory_space<vmem>> -> memref<128x64xf32, #tpu.memory_space<vmem>>
      %dma_wait3A_282 = arith.constant 0 : i32
      %dma_wait3A_283 = tpu.memref_slice %arg13[%add3A_60, %dma_wait3A_282] : memref<10240x64xf32, #tpu.memory_space<vmem_shared>> -> memref<128x64xf32, #tpu.memory_space<vmem_shared>>
      %dma_wait3A_284 = arith.constant 0 : i32
      %dma_wait3A_285 = arith.constant 0 : i32
      %dma_wait3A_286 = tpu.memref_slice %arg10[%run_scoped3A_61, %run_scoped3A_62, %dma_wait3A_284, %dma_wait3A_285] : memref<3x2x128x64xf32, #tpu.memory_space<vmem>> -> memref<1x1x128x64xf32, #tpu.memory_space<vmem>>
      %dma_wait3A_287 = tpu.memref_squeeze %dma_wait3A_286 : memref<1x1x128x64xf32, #tpu.memory_space<vmem>> -> memref<128x64xf32, #tpu.memory_space<vmem>>
      %dma_wait3A_288 = arith.constant 0 : i32
      %dma_wait3A_289 = tpu.memref_slice %arg13[%add3A_60, %dma_wait3A_288] : memref<10240x64xf32, #tpu.memory_space<vmem_shared>> -> memref<128x64xf32, #tpu.memory_space<vmem_shared>>
      tpu.wait_dma2 semaphore(%run_scoped3A_265 : memref<!tpu.dma_semaphore, #tpu.memory_space<semaphore_mem>>) src(%dma_wait3A_289 : memref<128x64xf32, #tpu.memory_space<vmem_shared>>) dst(%dma_wait3A_287 : memref<128x64xf32, #tpu.memory_space<vmem>>)
      tpu.yield
    }) : () -> ()
    %dma_start3A = arith.constant 0 : i32
    %dma_start3A_63 = arith.constant 0 : i32
    %dma_start3A_64 = arith.constant 0 : i32
    %dma_start3A_65 = arith.constant 0 : i32
    %dma_start3A_66 = tpu.memref_slice %arg10[%dma_start3A, %dma_start3A_63, %dma_start3A_64, %dma_start3A_65] : memref<3x2x128x64xf32, #tpu.memory_space<vmem>> -> memref<1x1x128x64xf32, #tpu.memory_space<vmem>>
    %dma_start3A_67 = tpu.memref_squeeze %dma_start3A_66 : memref<1x1x128x64xf32, #tpu.memory_space<vmem>> -> memref<128x64xf32, #tpu.memory_space<vmem>>
    %dma_start3A_68 = arith.constant 0 : i32
    %dma_start3A_69 = tpu.memref_slice %arg7[%arg0, %add3A_60, %dma_start3A_68] : memref<2x10240x64xf32, #tpu.memory_space<hbm>> -> memref<1x128x64xf32, #tpu.memory_space<hbm>>
    %dma_start3A_70 = tpu.memref_squeeze %dma_start3A_69 : memref<1x128x64xf32, #tpu.memory_space<hbm>> -> memref<128x64xf32, #tpu.memory_space<hbm>>
    %dma_start3A_71 = arith.constant 0 : i32
    %dma_start3A_72 = tpu.memref_slice %arg7[%arg0, %add3A_60, %dma_start3A_71] : memref<2x10240x64xf32, #tpu.memory_space<hbm>> -> memref<1x128x64xf32, #tpu.memory_space<hbm>>
    %dma_start3A_73 = tpu.memref_squeeze %dma_start3A_72 : memref<1x128x64xf32, #tpu.memory_space<hbm>> -> memref<128x64xf32, #tpu.memory_space<hbm>>
    %dma_start3A_74 = arith.constant 0 : i32
    %dma_start3A_75 = arith.constant 0 : i32
    %dma_start3A_76 = tpu.memref_slice %arg10[%dma_start3A, %dma_start3A_63, %dma_start3A_74, %dma_start3A_75] : memref<3x2x128x64xf32, #tpu.memory_space<vmem>> -> memref<1x1x128x64xf32, #tpu.memory_space<vmem>>
    %dma_start3A_77 = tpu.memref_squeeze %dma_start3A_76 : memref<1x1x128x64xf32, #tpu.memory_space<vmem>> -> memref<128x64xf32, #tpu.memory_space<vmem>>
    tpu.enqueue_dma source(%dma_start3A_77 : memref<128x64xf32, #tpu.memory_space<vmem>>) target(%dma_start3A_73 : memref<128x64xf32, #tpu.memory_space<hbm>>) target_semaphore(%arg11 : memref<!tpu.dma_semaphore, #tpu.memory_space<semaphore_mem>>)
    %mul3A_78 = arith.constant 640 : i32
    %mul3A_79 = arith.muli %arg1, %mul3A_78 : i32
    %add3A_80 = arith.constant 128 : i32
    %add3A_81 = arith.addi %mul3A_79, %add3A_80 : i32
    %run_scoped3A_82 = arith.constant 0 : i32
    %run_scoped3A_83 = arith.constant 1 : i32
    "tpu.region"() ({
      %run_scoped3A_265 = tpu.sem_alloc : memref<!tpu.dma_semaphore, #tpu.memory_space<semaphore_mem>>
      %dma_start3A_266 = arith.constant 0 : i32
      %dma_start3A_267 = arith.constant 0 : i32
      %dma_start3A_268 = tpu.memref_slice %arg10[%run_scoped3A_82, %run_scoped3A_83, %dma_start3A_266, %dma_start3A_267] : memref<3x2x128x64xf32, #tpu.memory_space<vmem>> -> memref<1x1x128x64xf32, #tpu.memory_space<vmem>>
      %dma_start3A_269 = tpu.memref_squeeze %dma_start3A_268 : memref<1x1x128x64xf32, #tpu.memory_space<vmem>> -> memref<128x64xf32, #tpu.memory_space<vmem>>
      %dma_start3A_270 = arith.constant 0 : i32
      %dma_start3A_271 = tpu.memref_slice %arg13[%add3A_81, %dma_start3A_270] : memref<10240x64xf32, #tpu.memory_space<vmem_shared>> -> memref<128x64xf32, #tpu.memory_space<vmem_shared>>
      %dma_start3A_272 = arith.constant 0 : i32
      %dma_start3A_273 = arith.constant 0 : i32
      %dma_start3A_274 = tpu.memref_slice %arg10[%run_scoped3A_82, %run_scoped3A_83, %dma_start3A_272, %dma_start3A_273] : memref<3x2x128x64xf32, #tpu.memory_space<vmem>> -> memref<1x1x128x64xf32, #tpu.memory_space<vmem>>
      %dma_start3A_275 = tpu.memref_squeeze %dma_start3A_274 : memref<1x1x128x64xf32, #tpu.memory_space<vmem>> -> memref<128x64xf32, #tpu.memory_space<vmem>>
      %dma_start3A_276 = arith.constant 0 : i32
      %dma_start3A_277 = tpu.memref_slice %arg13[%add3A_81, %dma_start3A_276] : memref<10240x64xf32, #tpu.memory_space<vmem_shared>> -> memref<128x64xf32, #tpu.memory_space<vmem_shared>>
      tpu.enqueue_dma source(%dma_start3A_277 : memref<128x64xf32, #tpu.memory_space<vmem_shared>>) target(%dma_start3A_275 : memref<128x64xf32, #tpu.memory_space<vmem>>) target_semaphore(%run_scoped3A_265 : memref<!tpu.dma_semaphore, #tpu.memory_space<semaphore_mem>>)
      %dma_wait3A_278 = arith.constant 0 : i32
      %dma_wait3A_279 = arith.constant 0 : i32
      %dma_wait3A_280 = tpu.memref_slice %arg10[%run_scoped3A_82, %run_scoped3A_83, %dma_wait3A_278, %dma_wait3A_279] : memref<3x2x128x64xf32, #tpu.memory_space<vmem>> -> memref<1x1x128x64xf32, #tpu.memory_space<vmem>>
      %dma_wait3A_281 = tpu.memref_squeeze %dma_wait3A_280 : memref<1x1x128x64xf32, #tpu.memory_space<vmem>> -> memref<128x64xf32, #tpu.memory_space<vmem>>
      %dma_wait3A_282 = arith.constant 0 : i32
      %dma_wait3A_283 = tpu.memref_slice %arg13[%add3A_81, %dma_wait3A_282] : memref<10240x64xf32, #tpu.memory_space<vmem_shared>> -> memref<128x64xf32, #tpu.memory_space<vmem_shared>>
      %dma_wait3A_284 = arith.constant 0 : i32
      %dma_wait3A_285 = arith.constant 0 : i32
      %dma_wait3A_286 = tpu.memref_slice %arg10[%run_scoped3A_82, %run_scoped3A_83, %dma_wait3A_284, %dma_wait3A_285] : memref<3x2x128x64xf32, #tpu.memory_space<vmem>> -> memref<1x1x128x64xf32, #tpu.memory_space<vmem>>
      %dma_wait3A_287 = tpu.memref_squeeze %dma_wait3A_286 : memref<1x1x128x64xf32, #tpu.memory_space<vmem>> -> memref<128x64xf32, #tpu.memory_space<vmem>>
      %dma_wait3A_288 = arith.constant 0 : i32
      %dma_wait3A_289 = tpu.memref_slice %arg13[%add3A_81, %dma_wait3A_288] : memref<10240x64xf32, #tpu.memory_space<vmem_shared>> -> memref<128x64xf32, #tpu.memory_space<vmem_shared>>
      tpu.wait_dma2 semaphore(%run_scoped3A_265 : memref<!tpu.dma_semaphore, #tpu.memory_space<semaphore_mem>>) src(%dma_wait3A_289 : memref<128x64xf32, #tpu.memory_space<vmem_shared>>) dst(%dma_wait3A_287 : memref<128x64xf32, #tpu.memory_space<vmem>>)
      tpu.yield
    }) : () -> ()
    %dma_start3A_84 = arith.constant 0 : i32
    %dma_start3A_85 = arith.constant 1 : i32
    %dma_start3A_86 = arith.constant 0 : i32
    %dma_start3A_87 = arith.constant 0 : i32
    %dma_start3A_88 = tpu.memref_slice %arg10[%dma_start3A_84, %dma_start3A_85, %dma_start3A_86, %dma_start3A_87] : memref<3x2x128x64xf32, #tpu.memory_space<vmem>> -> memref<1x1x128x64xf32, #tpu.memory_space<vmem>>
    %dma_start3A_89 = tpu.memref_squeeze %dma_start3A_88 : memref<1x1x128x64xf32, #tpu.memory_space<vmem>> -> memref<128x64xf32, #tpu.memory_space<vmem>>
    %dma_start3A_90 = arith.constant 0 : i32
    %dma_start3A_91 = tpu.memref_slice %arg7[%arg0, %add3A_81, %dma_start3A_90] : memref<2x10240x64xf32, #tpu.memory_space<hbm>> -> memref<1x128x64xf32, #tpu.memory_space<hbm>>
    %dma_start3A_92 = tpu.memref_squeeze %dma_start3A_91 : memref<1x128x64xf32, #tpu.memory_space<hbm>> -> memref<128x64xf32, #tpu.memory_space<hbm>>
    %dma_start3A_93 = arith.constant 0 : i32
    %dma_start3A_94 = tpu.memref_slice %arg7[%arg0, %add3A_81, %dma_start3A_93] : memref<2x10240x64xf32, #tpu.memory_space<hbm>> -> memref<1x128x64xf32, #tpu.memory_space<hbm>>
    %dma_start3A_95 = tpu.memref_squeeze %dma_start3A_94 : memref<1x128x64xf32, #tpu.memory_space<hbm>> -> memref<128x64xf32, #tpu.memory_space<hbm>>
    %dma_start3A_96 = arith.constant 0 : i32
    %dma_start3A_97 = arith.constant 0 : i32
    %dma_start3A_98 = tpu.memref_slice %arg10[%dma_start3A_84, %dma_start3A_85, %dma_start3A_96, %dma_start3A_97] : memref<3x2x128x64xf32, #tpu.memory_space<vmem>> -> memref<1x1x128x64xf32, #tpu.memory_space<vmem>>
    %dma_start3A_99 = tpu.memref_squeeze %dma_start3A_98 : memref<1x1x128x64xf32, #tpu.memory_space<vmem>> -> memref<128x64xf32, #tpu.memory_space<vmem>>
    tpu.enqueue_dma source(%dma_start3A_99 : memref<128x64xf32, #tpu.memory_space<vmem>>) target(%dma_start3A_95 : memref<128x64xf32, #tpu.memory_space<hbm>>) target_semaphore(%arg11 : memref<!tpu.dma_semaphore, #tpu.memory_space<semaphore_mem>>)
    %mul3A_100 = arith.constant 640 : i32
    %mul3A_101 = arith.muli %arg1, %mul3A_100 : i32
    %add3A_102 = arith.constant 256 : i32
    %add3A_103 = arith.addi %mul3A_101, %add3A_102 : i32
    %mul3A_104 = arith.constant 640 : i32
    %mul3A_105 = arith.muli %arg1, %mul3A_104 : i32
    %add3A_106 = arith.constant 0 : i32
    %add3A_107 = arith.addi %mul3A_105, %add3A_106 : i32
    %dma_wait3A = arith.constant 0 : i32
    %dma_wait3A_108 = arith.constant 0 : i32
    %dma_wait3A_109 = arith.constant 0 : i32
    %dma_wait3A_110 = arith.constant 0 : i32
    %dma_wait3A_111 = tpu.memref_slice %arg10[%dma_wait3A, %dma_wait3A_108, %dma_wait3A_109, %dma_wait3A_110] : memref<3x2x128x64xf32, #tpu.memory_space<vmem>> -> memref<1x1x128x64xf32, #tpu.memory_space<vmem>>
    %dma_wait3A_112 = tpu.memref_squeeze %dma_wait3A_111 : memref<1x1x128x64xf32, #tpu.memory_space<vmem>> -> memref<128x64xf32, #tpu.memory_space<vmem>>
    %dma_wait3A_113 = arith.constant 0 : i32
    %dma_wait3A_114 = tpu.memref_slice %arg7[%arg0, %add3A_107, %dma_wait3A_113] : memref<2x10240x64xf32, #tpu.memory_space<hbm>> -> memref<1x128x64xf32, #tpu.memory_space<hbm>>
    %dma_wait3A_115 = tpu.memref_squeeze %dma_wait3A_114 : memref<1x128x64xf32, #tpu.memory_space<hbm>> -> memref<128x64xf32, #tpu.memory_space<hbm>>
    %dma_wait3A_116 = arith.constant 0 : i32
    %dma_wait3A_117 = tpu.memref_slice %arg7[%arg0, %add3A_107, %dma_wait3A_116] : memref<2x10240x64xf32, #tpu.memory_space<hbm>> -> memref<1x128x64xf32, #tpu.memory_space<hbm>>
    %dma_wait3A_118 = tpu.memref_squeeze %dma_wait3A_117 : memref<1x128x64xf32, #tpu.memory_space<hbm>> -> memref<128x64xf32, #tpu.memory_space<hbm>>
    %dma_wait3A_119 = arith.constant 0 : i32
    %dma_wait3A_120 = arith.constant 0 : i32
    %dma_wait3A_121 = tpu.memref_slice %arg10[%dma_wait3A, %dma_wait3A_108, %dma_wait3A_119, %dma_wait3A_120] : memref<3x2x128x64xf32, #tpu.memory_space<vmem>> -> memref<1x1x128x64xf32, #tpu.memory_space<vmem>>
    %dma_wait3A_122 = tpu.memref_squeeze %dma_wait3A_121 : memref<1x1x128x64xf32, #tpu.memory_space<vmem>> -> memref<128x64xf32, #tpu.memory_space<vmem>>
    tpu.wait_dma2 semaphore(%arg11 : memref<!tpu.dma_semaphore, #tpu.memory_space<semaphore_mem>>) src(%dma_wait3A_122 : memref<128x64xf32, #tpu.memory_space<vmem>>) dst(%dma_wait3A_118 : memref<128x64xf32, #tpu.memory_space<hbm>>)
    %run_scoped3A_123 = arith.constant 0 : i32
    %run_scoped3A_124 = arith.constant 0 : i32
    "tpu.region"() ({
      %run_scoped3A_265 = tpu.sem_alloc : memref<!tpu.dma_semaphore, #tpu.memory_space<semaphore_mem>>
      %dma_start3A_266 = arith.constant 0 : i32
      %dma_start3A_267 = arith.constant 0 : i32
      %dma_start3A_268 = tpu.memref_slice %arg10[%run_scoped3A_123, %run_scoped3A_124, %dma_start3A_266, %dma_start3A_267] : memref<3x2x128x64xf32, #tpu.memory_space<vmem>> -> memref<1x1x128x64xf32, #tpu.memory_space<vmem>>
      %dma_start3A_269 = tpu.memref_squeeze %dma_start3A_268 : memref<1x1x128x64xf32, #tpu.memory_space<vmem>> -> memref<128x64xf32, #tpu.memory_space<vmem>>
      %dma_start3A_270 = arith.constant 0 : i32
      %dma_start3A_271 = tpu.memref_slice %arg13[%add3A_103, %dma_start3A_270] : memref<10240x64xf32, #tpu.memory_space<vmem_shared>> -> memref<128x64xf32, #tpu.memory_space<vmem_shared>>
      %dma_start3A_272 = arith.constant 0 : i32
      %dma_start3A_273 = arith.constant 0 : i32
      %dma_start3A_274 = tpu.memref_slice %arg10[%run_scoped3A_123, %run_scoped3A_124, %dma_start3A_272, %dma_start3A_273] : memref<3x2x128x64xf32, #tpu.memory_space<vmem>> -> memref<1x1x128x64xf32, #tpu.memory_space<vmem>>
      %dma_start3A_275 = tpu.memref_squeeze %dma_start3A_274 : memref<1x1x128x64xf32, #tpu.memory_space<vmem>> -> memref<128x64xf32, #tpu.memory_space<vmem>>
      %dma_start3A_276 = arith.constant 0 : i32
      %dma_start3A_277 = tpu.memref_slice %arg13[%add3A_103, %dma_start3A_276] : memref<10240x64xf32, #tpu.memory_space<vmem_shared>> -> memref<128x64xf32, #tpu.memory_space<vmem_shared>>
      tpu.enqueue_dma source(%dma_start3A_277 : memref<128x64xf32, #tpu.memory_space<vmem_shared>>) target(%dma_start3A_275 : memref<128x64xf32, #tpu.memory_space<vmem>>) target_semaphore(%run_scoped3A_265 : memref<!tpu.dma_semaphore, #tpu.memory_space<semaphore_mem>>)
      %dma_wait3A_278 = arith.constant 0 : i32
      %dma_wait3A_279 = arith.constant 0 : i32
      %dma_wait3A_280 = tpu.memref_slice %arg10[%run_scoped3A_123, %run_scoped3A_124, %dma_wait3A_278, %dma_wait3A_279] : memref<3x2x128x64xf32, #tpu.memory_space<vmem>> -> memref<1x1x128x64xf32, #tpu.memory_space<vmem>>
      %dma_wait3A_281 = tpu.memref_squeeze %dma_wait3A_280 : memref<1x1x128x64xf32, #tpu.memory_space<vmem>> -> memref<128x64xf32, #tpu.memory_space<vmem>>
      %dma_wait3A_282 = arith.constant 0 : i32
      %dma_wait3A_283 = tpu.memref_slice %arg13[%add3A_103, %dma_wait3A_282] : memref<10240x64xf32, #tpu.memory_space<vmem_shared>> -> memref<128x64xf32, #tpu.memory_space<vmem_shared>>
      %dma_wait3A_284 = arith.constant 0 : i32
      %dma_wait3A_285 = arith.constant 0 : i32
      %dma_wait3A_286 = tpu.memref_slice %arg10[%run_scoped3A_123, %run_scoped3A_124, %dma_wait3A_284, %dma_wait3A_285] : memref<3x2x128x64xf32, #tpu.memory_space<vmem>> -> memref<1x1x128x64xf32, #tpu.memory_space<vmem>>
      %dma_wait3A_287 = tpu.memref_squeeze %dma_wait3A_286 : memref<1x1x128x64xf32, #tpu.memory_space<vmem>> -> memref<128x64xf32, #tpu.memory_space<vmem>>
      %dma_wait3A_288 = arith.constant 0 : i32
      %dma_wait3A_289 = tpu.memref_slice %arg13[%add3A_103, %dma_wait3A_288] : memref<10240x64xf32, #tpu.memory_space<vmem_shared>> -> memref<128x64xf32, #tpu.memory_space<vmem_shared>>
      tpu.wait_dma2 semaphore(%run_scoped3A_265 : memref<!tpu.dma_semaphore, #tpu.memory_space<semaphore_mem>>) src(%dma_wait3A_289 : memref<128x64xf32, #tpu.memory_space<vmem_shared>>) dst(%dma_wait3A_287 : memref<128x64xf32, #tpu.memory_space<vmem>>)
      tpu.yield
    }) : () -> ()
    %dma_start3A_125 = arith.constant 0 : i32
    %dma_start3A_126 = arith.constant 0 : i32
    %dma_start3A_127 = arith.constant 0 : i32
    %dma_start3A_128 = arith.constant 0 : i32
    %dma_start3A_129 = tpu.memref_slice %arg10[%dma_start3A_125, %dma_start3A_126, %dma_start3A_127, %dma_start3A_128] : memref<3x2x128x64xf32, #tpu.memory_space<vmem>> -> memref<1x1x128x64xf32, #tpu.memory_space<vmem>>
    %dma_start3A_130 = tpu.memref_squeeze %dma_start3A_129 : memref<1x1x128x64xf32, #tpu.memory_space<vmem>> -> memref<128x64xf32, #tpu.memory_space<vmem>>
    %dma_start3A_131 = arith.constant 0 : i32
    %dma_start3A_132 = tpu.memref_slice %arg7[%arg0, %add3A_103, %dma_start3A_131] : memref<2x10240x64xf32, #tpu.memory_space<hbm>> -> memref<1x128x64xf32, #tpu.memory_space<hbm>>
    %dma_start3A_133 = tpu.memref_squeeze %dma_start3A_132 : memref<1x128x64xf32, #tpu.memory_space<hbm>> -> memref<128x64xf32, #tpu.memory_space<hbm>>
    %dma_start3A_134 = arith.constant 0 : i32
    %dma_start3A_135 = tpu.memref_slice %arg7[%arg0, %add3A_103, %dma_start3A_134] : memref<2x10240x64xf32, #tpu.memory_space<hbm>> -> memref<1x128x64xf32, #tpu.memory_space<hbm>>
    %dma_start3A_136 = tpu.memref_squeeze %dma_start3A_135 : memref<1x128x64xf32, #tpu.memory_space<hbm>> -> memref<128x64xf32, #tpu.memory_space<hbm>>
    %dma_start3A_137 = arith.constant 0 : i32
    %dma_start3A_138 = arith.constant 0 : i32
    %dma_start3A_139 = tpu.memref_slice %arg10[%dma_start3A_125, %dma_start3A_126, %dma_start3A_137, %dma_start3A_138] : memref<3x2x128x64xf32, #tpu.memory_space<vmem>> -> memref<1x1x128x64xf32, #tpu.memory_space<vmem>>
    %dma_start3A_140 = tpu.memref_squeeze %dma_start3A_139 : memref<1x1x128x64xf32, #tpu.memory_space<vmem>> -> memref<128x64xf32, #tpu.memory_space<vmem>>
    tpu.enqueue_dma source(%dma_start3A_140 : memref<128x64xf32, #tpu.memory_space<vmem>>) target(%dma_start3A_136 : memref<128x64xf32, #tpu.memory_space<hbm>>) target_semaphore(%arg11 : memref<!tpu.dma_semaphore, #tpu.memory_space<semaphore_mem>>)
    %mul3A_141 = arith.constant 640 : i32
    %mul3A_142 = arith.muli %arg1, %mul3A_141 : i32
    %add3A_143 = arith.constant 384 : i32
    %add3A_144 = arith.addi %mul3A_142, %add3A_143 : i32
    %mul3A_145 = arith.constant 640 : i32
    %mul3A_146 = arith.muli %arg1, %mul3A_145 : i32
    %add3A_147 = arith.constant 128 : i32
    %add3A_148 = arith.addi %mul3A_146, %add3A_147 : i32
    %dma_wait3A_149 = arith.constant 0 : i32
    %dma_wait3A_150 = arith.constant 1 : i32
    %dma_wait3A_151 = arith.constant 0 : i32
    %dma_wait3A_152 = arith.constant 0 : i32
    %dma_wait3A_153 = tpu.memref_slice %arg10[%dma_wait3A_149, %dma_wait3A_150, %dma_wait3A_151, %dma_wait3A_152] : memref<3x2x128x64xf32, #tpu.memory_space<vmem>> -> memref<1x1x128x64xf32, #tpu.memory_space<vmem>>
    %dma_wait3A_154 = tpu.memref_squeeze %dma_wait3A_153 : memref<1x1x128x64xf32, #tpu.memory_space<vmem>> -> memref<128x64xf32, #tpu.memory_space<vmem>>
    %dma_wait3A_155 = arith.constant 0 : i32
    %dma_wait3A_156 = tpu.memref_slice %arg7[%arg0, %add3A_148, %dma_wait3A_155] : memref<2x10240x64xf32, #tpu.memory_space<hbm>> -> memref<1x128x64xf32, #tpu.memory_space<hbm>>
    %dma_wait3A_157 = tpu.memref_squeeze %dma_wait3A_156 : memref<1x128x64xf32, #tpu.memory_space<hbm>> -> memref<128x64xf32, #tpu.memory_space<hbm>>
    %dma_wait3A_158 = arith.constant 0 : i32
    %dma_wait3A_159 = tpu.memref_slice %arg7[%arg0, %add3A_148, %dma_wait3A_158] : memref<2x10240x64xf32, #tpu.memory_space<hbm>> -> memref<1x128x64xf32, #tpu.memory_space<hbm>>
    %dma_wait3A_160 = tpu.memref_squeeze %dma_wait3A_159 : memref<1x128x64xf32, #tpu.memory_space<hbm>> -> memref<128x64xf32, #tpu.memory_space<hbm>>
    %dma_wait3A_161 = arith.constant 0 : i32
    %dma_wait3A_162 = arith.constant 0 : i32
    %dma_wait3A_163 = tpu.memref_slice %arg10[%dma_wait3A_149, %dma_wait3A_150, %dma_wait3A_161, %dma_wait3A_162] : memref<3x2x128x64xf32, #tpu.memory_space<vmem>> -> memref<1x1x128x64xf32, #tpu.memory_space<vmem>>
    %dma_wait3A_164 = tpu.memref_squeeze %dma_wait3A_163 : memref<1x1x128x64xf32, #tpu.memory_space<vmem>> -> memref<128x64xf32, #tpu.memory_space<vmem>>
    tpu.wait_dma2 semaphore(%arg11 : memref<!tpu.dma_semaphore, #tpu.memory_space<semaphore_mem>>) src(%dma_wait3A_164 : memref<128x64xf32, #tpu.memory_space<vmem>>) dst(%dma_wait3A_160 : memref<128x64xf32, #tpu.memory_space<hbm>>)
    %run_scoped3A_165 = arith.constant 0 : i32
    %run_scoped3A_166 = arith.constant 1 : i32
    "tpu.region"() ({
      %run_scoped3A_265 = tpu.sem_alloc : memref<!tpu.dma_semaphore, #tpu.memory_space<semaphore_mem>>
      %dma_start3A_266 = arith.constant 0 : i32
      %dma_start3A_267 = arith.constant 0 : i32
      %dma_start3A_268 = tpu.memref_slice %arg10[%run_scoped3A_165, %run_scoped3A_166, %dma_start3A_266, %dma_start3A_267] : memref<3x2x128x64xf32, #tpu.memory_space<vmem>> -> memref<1x1x128x64xf32, #tpu.memory_space<vmem>>
      %dma_start3A_269 = tpu.memref_squeeze %dma_start3A_268 : memref<1x1x128x64xf32, #tpu.memory_space<vmem>> -> memref<128x64xf32, #tpu.memory_space<vmem>>
      %dma_start3A_270 = arith.constant 0 : i32
      %dma_start3A_271 = tpu.memref_slice %arg13[%add3A_144, %dma_start3A_270] : memref<10240x64xf32, #tpu.memory_space<vmem_shared>> -> memref<128x64xf32, #tpu.memory_space<vmem_shared>>
      %dma_start3A_272 = arith.constant 0 : i32
      %dma_start3A_273 = arith.constant 0 : i32
      %dma_start3A_274 = tpu.memref_slice %arg10[%run_scoped3A_165, %run_scoped3A_166, %dma_start3A_272, %dma_start3A_273] : memref<3x2x128x64xf32, #tpu.memory_space<vmem>> -> memref<1x1x128x64xf32, #tpu.memory_space<vmem>>
      %dma_start3A_275 = tpu.memref_squeeze %dma_start3A_274 : memref<1x1x128x64xf32, #tpu.memory_space<vmem>> -> memref<128x64xf32, #tpu.memory_space<vmem>>
      %dma_start3A_276 = arith.constant 0 : i32
      %dma_start3A_277 = tpu.memref_slice %arg13[%add3A_144, %dma_start3A_276] : memref<10240x64xf32, #tpu.memory_space<vmem_shared>> -> memref<128x64xf32, #tpu.memory_space<vmem_shared>>
      tpu.enqueue_dma source(%dma_start3A_277 : memref<128x64xf32, #tpu.memory_space<vmem_shared>>) target(%dma_start3A_275 : memref<128x64xf32, #tpu.memory_space<vmem>>) target_semaphore(%run_scoped3A_265 : memref<!tpu.dma_semaphore, #tpu.memory_space<semaphore_mem>>)
      %dma_wait3A_278 = arith.constant 0 : i32
      %dma_wait3A_279 = arith.constant 0 : i32
      %dma_wait3A_280 = tpu.memref_slice %arg10[%run_scoped3A_165, %run_scoped3A_166, %dma_wait3A_278, %dma_wait3A_279] : memref<3x2x128x64xf32, #tpu.memory_space<vmem>> -> memref<1x1x128x64xf32, #tpu.memory_space<vmem>>
      %dma_wait3A_281 = tpu.memref_squeeze %dma_wait3A_280 : memref<1x1x128x64xf32, #tpu.memory_space<vmem>> -> memref<128x64xf32, #tpu.memory_space<vmem>>
      %dma_wait3A_282 = arith.constant 0 : i32
      %dma_wait3A_283 = tpu.memref_slice %arg13[%add3A_144, %dma_wait3A_282] : memref<10240x64xf32, #tpu.memory_space<vmem_shared>> -> memref<128x64xf32, #tpu.memory_space<vmem_shared>>
      %dma_wait3A_284 = arith.constant 0 : i32
      %dma_wait3A_285 = arith.constant 0 : i32
      %dma_wait3A_286 = tpu.memref_slice %arg10[%run_scoped3A_165, %run_scoped3A_166, %dma_wait3A_284, %dma_wait3A_285] : memref<3x2x128x64xf32, #tpu.memory_space<vmem>> -> memref<1x1x128x64xf32, #tpu.memory_space<vmem>>
      %dma_wait3A_287 = tpu.memref_squeeze %dma_wait3A_286 : memref<1x1x128x64xf32, #tpu.memory_space<vmem>> -> memref<128x64xf32, #tpu.memory_space<vmem>>
      %dma_wait3A_288 = arith.constant 0 : i32
      %dma_wait3A_289 = tpu.memref_slice %arg13[%add3A_144, %dma_wait3A_288] : memref<10240x64xf32, #tpu.memory_space<vmem_shared>> -> memref<128x64xf32, #tpu.memory_space<vmem_shared>>
      tpu.wait_dma2 semaphore(%run_scoped3A_265 : memref<!tpu.dma_semaphore, #tpu.memory_space<semaphore_mem>>) src(%dma_wait3A_289 : memref<128x64xf32, #tpu.memory_space<vmem_shared>>) dst(%dma_wait3A_287 : memref<128x64xf32, #tpu.memory_space<vmem>>)
      tpu.yield
    }) : () -> ()
    %dma_start3A_167 = arith.constant 0 : i32
    %dma_start3A_168 = arith.constant 1 : i32
    %dma_start3A_169 = arith.constant 0 : i32
    %dma_start3A_170 = arith.constant 0 : i32
    %dma_start3A_171 = tpu.memref_slice %arg10[%dma_start3A_167, %dma_start3A_168, %dma_start3A_169, %dma_start3A_170] : memref<3x2x128x64xf32, #tpu.memory_space<vmem>> -> memref<1x1x128x64xf32, #tpu.memory_space<vmem>>
    %dma_start3A_172 = tpu.memref_squeeze %dma_start3A_171 : memref<1x1x128x64xf32, #tpu.memory_space<vmem>> -> memref<128x64xf32, #tpu.memory_space<vmem>>
    %dma_start3A_173 = arith.constant 0 : i32
    %dma_start3A_174 = tpu.memref_slice %arg7[%arg0, %add3A_144, %dma_start3A_173] : memref<2x10240x64xf32, #tpu.memory_space<hbm>> -> memref<1x128x64xf32, #tpu.memory_space<hbm>>
    %dma_start3A_175 = tpu.memref_squeeze %dma_start3A_174 : memref<1x128x64xf32, #tpu.memory_space<hbm>> -> memref<128x64xf32, #tpu.memory_space<hbm>>
    %dma_start3A_176 = arith.constant 0 : i32
    %dma_start3A_177 = tpu.memref_slice %arg7[%arg0, %add3A_144, %dma_start3A_176] : memref<2x10240x64xf32, #tpu.memory_space<hbm>> -> memref<1x128x64xf32, #tpu.memory_space<hbm>>
    %dma_start3A_178 = tpu.memref_squeeze %dma_start3A_177 : memref<1x128x64xf32, #tpu.memory_space<hbm>> -> memref<128x64xf32, #tpu.memory_space<hbm>>
    %dma_start3A_179 = arith.constant 0 : i32
    %dma_start3A_180 = arith.constant 0 : i32
    %dma_start3A_181 = tpu.memref_slice %arg10[%dma_start3A_167, %dma_start3A_168, %dma_start3A_179, %dma_start3A_180] : memref<3x2x128x64xf32, #tpu.memory_space<vmem>> -> memref<1x1x128x64xf32, #tpu.memory_space<vmem>>
    %dma_start3A_182 = tpu.memref_squeeze %dma_start3A_181 : memref<1x1x128x64xf32, #tpu.memory_space<vmem>> -> memref<128x64xf32, #tpu.memory_space<vmem>>
    tpu.enqueue_dma source(%dma_start3A_182 : memref<128x64xf32, #tpu.memory_space<vmem>>) target(%dma_start3A_178 : memref<128x64xf32, #tpu.memory_space<hbm>>) target_semaphore(%arg11 : memref<!tpu.dma_semaphore, #tpu.memory_space<semaphore_mem>>)
    %mul3A_183 = arith.constant 640 : i32
    %mul3A_184 = arith.muli %arg1, %mul3A_183 : i32
    %add3A_185 = arith.constant 512 : i32
    %add3A_186 = arith.addi %mul3A_184, %add3A_185 : i32
    %mul3A_187 = arith.constant 640 : i32
    %mul3A_188 = arith.muli %arg1, %mul3A_187 : i32
    %add3A_189 = arith.constant 256 : i32
    %add3A_190 = arith.addi %mul3A_188, %add3A_189 : i32
    %dma_wait3A_191 = arith.constant 0 : i32
    %dma_wait3A_192 = arith.constant 0 : i32
    %dma_wait3A_193 = arith.constant 0 : i32
    %dma_wait3A_194 = arith.constant 0 : i32
    %dma_wait3A_195 = tpu.memref_slice %arg10[%dma_wait3A_191, %dma_wait3A_192, %dma_wait3A_193, %dma_wait3A_194] : memref<3x2x128x64xf32, #tpu.memory_space<vmem>> -> memref<1x1x128x64xf32, #tpu.memory_space<vmem>>
    %dma_wait3A_196 = tpu.memref_squeeze %dma_wait3A_195 : memref<1x1x128x64xf32, #tpu.memory_space<vmem>> -> memref<128x64xf32, #tpu.memory_space<vmem>>
    %dma_wait3A_197 = arith.constant 0 : i32
    %dma_wait3A_198 = tpu.memref_slice %arg7[%arg0, %add3A_190, %dma_wait3A_197] : memref<2x10240x64xf32, #tpu.memory_space<hbm>> -> memref<1x128x64xf32, #tpu.memory_space<hbm>>
    %dma_wait3A_199 = tpu.memref_squeeze %dma_wait3A_198 : memref<1x128x64xf32, #tpu.memory_space<hbm>> -> memref<128x64xf32, #tpu.memory_space<hbm>>
    %dma_wait3A_200 = arith.constant 0 : i32
    %dma_wait3A_201 = tpu.memref_slice %arg7[%arg0, %add3A_190, %dma_wait3A_200] : memref<2x10240x64xf32, #tpu.memory_space<hbm>> -> memref<1x128x64xf32, #tpu.memory_space<hbm>>
    %dma_wait3A_202 = tpu.memref_squeeze %dma_wait3A_201 : memref<1x128x64xf32, #tpu.memory_space<hbm>> -> memref<128x64xf32, #tpu.memory_space<hbm>>
    %dma_wait3A_203 = arith.constant 0 : i32
    %dma_wait3A_204 = arith.constant 0 : i32
    %dma_wait3A_205 = tpu.memref_slice %arg10[%dma_wait3A_191, %dma_wait3A_192, %dma_wait3A_203, %dma_wait3A_204] : memref<3x2x128x64xf32, #tpu.memory_space<vmem>> -> memref<1x1x128x64xf32, #tpu.memory_space<vmem>>
    %dma_wait3A_206 = tpu.memref_squeeze %dma_wait3A_205 : memref<1x1x128x64xf32, #tpu.memory_space<vmem>> -> memref<128x64xf32, #tpu.memory_space<vmem>>
    tpu.wait_dma2 semaphore(%arg11 : memref<!tpu.dma_semaphore, #tpu.memory_space<semaphore_mem>>) src(%dma_wait3A_206 : memref<128x64xf32, #tpu.memory_space<vmem>>) dst(%dma_wait3A_202 : memref<128x64xf32, #tpu.memory_space<hbm>>)
    %run_scoped3A_207 = arith.constant 0 : i32
    %run_scoped3A_208 = arith.constant 0 : i32
    "tpu.region"() ({
      %run_scoped3A_265 = tpu.sem_alloc : memref<!tpu.dma_semaphore, #tpu.memory_space<semaphore_mem>>
      %dma_start3A_266 = arith.constant 0 : i32
      %dma_start3A_267 = arith.constant 0 : i32
      %dma_start3A_268 = tpu.memref_slice %arg10[%run_scoped3A_207, %run_scoped3A_208, %dma_start3A_266, %dma_start3A_267] : memref<3x2x128x64xf32, #tpu.memory_space<vmem>> -> memref<1x1x128x64xf32, #tpu.memory_space<vmem>>
      %dma_start3A_269 = tpu.memref_squeeze %dma_start3A_268 : memref<1x1x128x64xf32, #tpu.memory_space<vmem>> -> memref<128x64xf32, #tpu.memory_space<vmem>>
      %dma_start3A_270 = arith.constant 0 : i32
      %dma_start3A_271 = tpu.memref_slice %arg13[%add3A_186, %dma_start3A_270] : memref<10240x64xf32, #tpu.memory_space<vmem_shared>> -> memref<128x64xf32, #tpu.memory_space<vmem_shared>>
      %dma_start3A_272 = arith.constant 0 : i32
      %dma_start3A_273 = arith.constant 0 : i32
      %dma_start3A_274 = tpu.memref_slice %arg10[%run_scoped3A_207, %run_scoped3A_208, %dma_start3A_272, %dma_start3A_273] : memref<3x2x128x64xf32, #tpu.memory_space<vmem>> -> memref<1x1x128x64xf32, #tpu.memory_space<vmem>>
      %dma_start3A_275 = tpu.memref_squeeze %dma_start3A_274 : memref<1x1x128x64xf32, #tpu.memory_space<vmem>> -> memref<128x64xf32, #tpu.memory_space<vmem>>
      %dma_start3A_276 = arith.constant 0 : i32
      %dma_start3A_277 = tpu.memref_slice %arg13[%add3A_186, %dma_start3A_276] : memref<10240x64xf32, #tpu.memory_space<vmem_shared>> -> memref<128x64xf32, #tpu.memory_space<vmem_shared>>
      tpu.enqueue_dma source(%dma_start3A_277 : memref<128x64xf32, #tpu.memory_space<vmem_shared>>) target(%dma_start3A_275 : memref<128x64xf32, #tpu.memory_space<vmem>>) target_semaphore(%run_scoped3A_265 : memref<!tpu.dma_semaphore, #tpu.memory_space<semaphore_mem>>)
      %dma_wait3A_278 = arith.constant 0 : i32
      %dma_wait3A_279 = arith.constant 0 : i32
      %dma_wait3A_280 = tpu.memref_slice %arg10[%run_scoped3A_207, %run_scoped3A_208, %dma_wait3A_278, %dma_wait3A_279] : memref<3x2x128x64xf32, #tpu.memory_space<vmem>> -> memref<1x1x128x64xf32, #tpu.memory_space<vmem>>
      %dma_wait3A_281 = tpu.memref_squeeze %dma_wait3A_280 : memref<1x1x128x64xf32, #tpu.memory_space<vmem>> -> memref<128x64xf32, #tpu.memory_space<vmem>>
      %dma_wait3A_282 = arith.constant 0 : i32
      %dma_wait3A_283 = tpu.memref_slice %arg13[%add3A_186, %dma_wait3A_282] : memref<10240x64xf32, #tpu.memory_space<vmem_shared>> -> memref<128x64xf32, #tpu.memory_space<vmem_shared>>
      %dma_wait3A_284 = arith.constant 0 : i32
      %dma_wait3A_285 = arith.constant 0 : i32
      %dma_wait3A_286 = tpu.memref_slice %arg10[%run_scoped3A_207, %run_scoped3A_208, %dma_wait3A_284, %dma_wait3A_285] : memref<3x2x128x64xf32, #tpu.memory_space<vmem>> -> memref<1x1x128x64xf32, #tpu.memory_space<vmem>>
      %dma_wait3A_287 = tpu.memref_squeeze %dma_wait3A_286 : memref<1x1x128x64xf32, #tpu.memory_space<vmem>> -> memref<128x64xf32, #tpu.memory_space<vmem>>
      %dma_wait3A_288 = arith.constant 0 : i32
      %dma_wait3A_289 = tpu.memref_slice %arg13[%add3A_186, %dma_wait3A_288] : memref<10240x64xf32, #tpu.memory_space<vmem_shared>> -> memref<128x64xf32, #tpu.memory_space<vmem_shared>>
      tpu.wait_dma2 semaphore(%run_scoped3A_265 : memref<!tpu.dma_semaphore, #tpu.memory_space<semaphore_mem>>) src(%dma_wait3A_289 : memref<128x64xf32, #tpu.memory_space<vmem_shared>>) dst(%dma_wait3A_287 : memref<128x64xf32, #tpu.memory_space<vmem>>)
      tpu.yield
    }) : () -> ()
    %dma_start3A_209 = arith.constant 0 : i32
    %dma_start3A_210 = arith.constant 0 : i32
    %dma_start3A_211 = arith.constant 0 : i32
    %dma_start3A_212 = arith.constant 0 : i32
    %dma_start3A_213 = tpu.memref_slice %arg10[%dma_start3A_209, %dma_start3A_210, %dma_start3A_211, %dma_start3A_212] : memref<3x2x128x64xf32, #tpu.memory_space<vmem>> -> memref<1x1x128x64xf32, #tpu.memory_space<vmem>>
    %dma_start3A_214 = tpu.memref_squeeze %dma_start3A_213 : memref<1x1x128x64xf32, #tpu.memory_space<vmem>> -> memref<128x64xf32, #tpu.memory_space<vmem>>
    %dma_start3A_215 = arith.constant 0 : i32
    %dma_start3A_216 = tpu.memref_slice %arg7[%arg0, %add3A_186, %dma_start3A_215] : memref<2x10240x64xf32, #tpu.memory_space<hbm>> -> memref<1x128x64xf32, #tpu.memory_space<hbm>>
    %dma_start3A_217 = tpu.memref_squeeze %dma_start3A_216 : memref<1x128x64xf32, #tpu.memory_space<hbm>> -> memref<128x64xf32, #tpu.memory_space<hbm>>
    %dma_start3A_218 = arith.constant 0 : i32
    %dma_start3A_219 = tpu.memref_slice %arg7[%arg0, %add3A_186, %dma_start3A_218] : memref<2x10240x64xf32, #tpu.memory_space<hbm>> -> memref<1x128x64xf32, #tpu.memory_space<hbm>>
    %dma_start3A_220 = tpu.memref_squeeze %dma_start3A_219 : memref<1x128x64xf32, #tpu.memory_space<hbm>> -> memref<128x64xf32, #tpu.memory_space<hbm>>
    %dma_start3A_221 = arith.constant 0 : i32
    %dma_start3A_222 = arith.constant 0 : i32
    %dma_start3A_223 = tpu.memref_slice %arg10[%dma_start3A_209, %dma_start3A_210, %dma_start3A_221, %dma_start3A_222] : memref<3x2x128x64xf32, #tpu.memory_space<vmem>> -> memref<1x1x128x64xf32, #tpu.memory_space<vmem>>
    %dma_start3A_224 = tpu.memref_squeeze %dma_start3A_223 : memref<1x1x128x64xf32, #tpu.memory_space<vmem>> -> memref<128x64xf32, #tpu.memory_space<vmem>>
    tpu.enqueue_dma source(%dma_start3A_224 : memref<128x64xf32, #tpu.memory_space<vmem>>) target(%dma_start3A_220 : memref<128x64xf32, #tpu.memory_space<hbm>>) target_semaphore(%arg11 : memref<!tpu.dma_semaphore, #tpu.memory_space<semaphore_mem>>)
    %mul3A_225 = arith.constant 640 : i32
    %mul3A_226 = arith.muli %arg1, %mul3A_225 : i32
    %add3A_227 = arith.constant 384 : i32
    %add3A_228 = arith.addi %mul3A_226, %add3A_227 : i32
    %dma_wait3A_229 = arith.constant 0 : i32
    %dma_wait3A_230 = arith.constant 1 : i32
    %dma_wait3A_231 = arith.constant 0 : i32
    %dma_wait3A_232 = arith.constant 0 : i32
    %dma_wait3A_233 = tpu.memref_slice %arg10[%dma_wait3A_229, %dma_wait3A_230, %dma_wait3A_231, %dma_wait3A_232] : memref<3x2x128x64xf32, #tpu.memory_space<vmem>> -> memref<1x1x128x64xf32, #tpu.memory_space<vmem>>
    %dma_wait3A_234 = tpu.memref_squeeze %dma_wait3A_233 : memref<1x1x128x64xf32, #tpu.memory_space<vmem>> -> memref<128x64xf32, #tpu.memory_space<vmem>>
    %dma_wait3A_235 = arith.constant 0 : i32
    %dma_wait3A_236 = tpu.memref_slice %arg7[%arg0, %add3A_228, %dma_wait3A_235] : memref<2x10240x64xf32, #tpu.memory_space<hbm>> -> memref<1x128x64xf32, #tpu.memory_space<hbm>>
    %dma_wait3A_237 = tpu.memref_squeeze %dma_wait3A_236 : memref<1x128x64xf32, #tpu.memory_space<hbm>> -> memref<128x64xf32, #tpu.memory_space<hbm>>
    %dma_wait3A_238 = arith.constant 0 : i32
    %dma_wait3A_239 = tpu.memref_slice %arg7[%arg0, %add3A_228, %dma_wait3A_238] : memref<2x10240x64xf32, #tpu.memory_space<hbm>> -> memref<1x128x64xf32, #tpu.memory_space<hbm>>
    %dma_wait3A_240 = tpu.memref_squeeze %dma_wait3A_239 : memref<1x128x64xf32, #tpu.memory_space<hbm>> -> memref<128x64xf32, #tpu.memory_space<hbm>>
    %dma_wait3A_241 = arith.constant 0 : i32
    %dma_wait3A_242 = arith.constant 0 : i32
    %dma_wait3A_243 = tpu.memref_slice %arg10[%dma_wait3A_229, %dma_wait3A_230, %dma_wait3A_241, %dma_wait3A_242] : memref<3x2x128x64xf32, #tpu.memory_space<vmem>> -> memref<1x1x128x64xf32, #tpu.memory_space<vmem>>
    %dma_wait3A_244 = tpu.memref_squeeze %dma_wait3A_243 : memref<1x1x128x64xf32, #tpu.memory_space<vmem>> -> memref<128x64xf32, #tpu.memory_space<vmem>>
    tpu.wait_dma2 semaphore(%arg11 : memref<!tpu.dma_semaphore, #tpu.memory_space<semaphore_mem>>) src(%dma_wait3A_244 : memref<128x64xf32, #tpu.memory_space<vmem>>) dst(%dma_wait3A_240 : memref<128x64xf32, #tpu.memory_space<hbm>>)
    %mul3A_245 = arith.constant 640 : i32
    %mul3A_246 = arith.muli %arg1, %mul3A_245 : i32
    %add3A_247 = arith.constant 512 : i32
    %add3A_248 = arith.addi %mul3A_246, %add3A_247 : i32
    %dma_wait3A_249 = arith.constant 0 : i32
    %dma_wait3A_250 = arith.constant 0 : i32
    %dma_wait3A_251 = arith.constant 0 : i32
    %dma_wait3A_252 = arith.constant 0 : i32
    %dma_wait3A_253 = tpu.memref_slice %arg10[%dma_wait3A_249, %dma_wait3A_250, %dma_wait3A_251, %dma_wait3A_252] : memref<3x2x128x64xf32, #tpu.memory_space<vmem>> -> memref<1x1x128x64xf32, #tpu.memory_space<vmem>>
    %dma_wait3A_254 = tpu.memref_squeeze %dma_wait3A_253 : memref<1x1x128x64xf32, #tpu.memory_space<vmem>> -> memref<128x64xf32, #tpu.memory_space<vmem>>
    %dma_wait3A_255 = arith.constant 0 : i32
    %dma_wait3A_256 = tpu.memref_slice %arg7[%arg0, %add3A_248, %dma_wait3A_255] : memref<2x10240x64xf32, #tpu.memory_space<hbm>> -> memref<1x128x64xf32, #tpu.memory_space<hbm>>
    %dma_wait3A_257 = tpu.memref_squeeze %dma_wait3A_256 : memref<1x128x64xf32, #tpu.memory_space<hbm>> -> memref<128x64xf32, #tpu.memory_space<hbm>>
    %dma_wait3A_258 = arith.constant 0 : i32
    %dma_wait3A_259 = tpu.memref_slice %arg7[%arg0, %add3A_248, %dma_wait3A_258] : memref<2x10240x64xf32, #tpu.memory_space<hbm>> -> memref<1x128x64xf32, #tpu.memory_space<hbm>>
    %dma_wait3A_260 = tpu.memref_squeeze %dma_wait3A_259 : memref<1x128x64xf32, #tpu.memory_space<hbm>> -> memref<128x64xf32, #tpu.memory_space<hbm>>
    %dma_wait3A_261 = arith.constant 0 : i32
    %dma_wait3A_262 = arith.constant 0 : i32
    %dma_wait3A_263 = tpu.memref_slice %arg10[%dma_wait3A_249, %dma_wait3A_250, %dma_wait3A_261, %dma_wait3A_262] : memref<3x2x128x64xf32, #tpu.memory_space<vmem>> -> memref<1x1x128x64xf32, #tpu.memory_space<vmem>>
    %dma_wait3A_264 = tpu.memref_squeeze %dma_wait3A_263 : memref<1x1x128x64xf32, #tpu.memory_space<vmem>> -> memref<128x64xf32, #tpu.memory_space<vmem>>
    tpu.wait_dma2 semaphore(%arg11 : memref<!tpu.dma_semaphore, #tpu.memory_space<semaphore_mem>>) src(%dma_wait3A_264 : memref<128x64xf32, #tpu.memory_space<vmem>>) dst(%dma_wait3A_260 : memref<128x64xf32, #tpu.memory_space<hbm>>)
    return
  }
}

#map = affine_map<(d0, d1) -> (0, 0)>
#map1 = affine_map<(d0, d1) -> (0)>
module attributes {stable_mosaic.version = 14 : i64} {
  func.func @_deg_body(%arg0: i32, %arg1: i32, %arg2: memref<2x320000xi32, #tpu.memory_space<hbm>>, %arg3: memref<128xf32, #tpu.memory_space<hbm>>, %arg4: memref<632xf32, #tpu.memory_space<hbm>>, %arg5: memref<20224xf32, #tpu.memory_space<hbm>>, %arg6: memref<2512x128xi32, #tpu.memory_space<hbm>>, %arg7: memref<2512x128xi32, #tpu.memory_space<hbm>>, %arg8: memref<2x10240xi32, #tpu.memory_space<vmem>>, %arg9: memref<80x128xi32, #tpu.memory_space<vmem>>, %arg10: memref<80x128xi32, #tpu.memory_space<vmem>>, %arg11: memref<128xf32, #tpu.memory_space<vmem>>, %arg12: memref<632xf32, #tpu.memory_space<vmem>>, %arg13: memref<!tpu.dma_semaphore, #tpu.memory_space<semaphore_mem>>, %arg14: memref<!tpu.dma_semaphore, #tpu.memory_space<semaphore_mem>>, %arg15: memref<10112xf32, #tpu.memory_space<vmem_shared>>) attributes {dimension_semantics = [#tpu.dimension_semantics<core_parallel>, #tpu.dimension_semantics<subcore_parallel>], iteration_bounds = array<i64: 2, 16>, scalar_prefetch = 0 : i64, scratch_operands = 8 : i64, tpu.core_type = #tpu.core_type<sc_vector_subcore>, window_params = [{transform_indices = #map}, {transform_indices = #map1}, {transform_indices = #map1}, {transform_indices = #map1}, {transform_indices = #map}, {transform_indices = #map}]} {
    %mul3A = arith.constant 2 : i32
    %mul3A_0 = arith.muli %arg1, %mul3A : i32
    %add3A = arith.addi %mul3A_0, %arg0 : i32
    %eq3A = arith.constant 31 : i32
    %eq3A_1 = arith.cmpi eq, %add3A, %eq3A : i32
    %jit3A = arith.constant 20 : i32
    %jit3A_2 = arith.constant 80 : i32
    %select_n3A = arith.select %eq3A_1, %jit3A, %jit3A_2 : i32
    %mul3A_3 = arith.constant 80 : i32
    %mul3A_4 = arith.muli %add3A, %mul3A_3 : i32
    "tpu.region"() ({
      %run_scoped3A = tpu.sem_alloc : memref<!tpu.dma_semaphore, #tpu.memory_space<semaphore_mem>>
      tpu.enqueue_dma source(%arg4 : memref<632xf32, #tpu.memory_space<hbm>>) target(%arg12 : memref<632xf32, #tpu.memory_space<vmem>>) target_semaphore(%run_scoped3A : memref<!tpu.dma_semaphore, #tpu.memory_space<semaphore_mem>>)
      tpu.wait_dma2 semaphore(%run_scoped3A : memref<!tpu.dma_semaphore, #tpu.memory_space<semaphore_mem>>) src(%arg4 : memref<632xf32, #tpu.memory_space<hbm>>) dst(%arg12 : memref<632xf32, #tpu.memory_space<vmem>>)
      tpu.yield
    }) : () -> ()
    %mul3A_5 = arith.constant 632 : i32
    %mul3A_6 = arith.muli %arg1, %mul3A_5 : i32
    "tpu.region"() ({
      %run_scoped3A = tpu.sem_alloc : memref<!tpu.dma_semaphore, #tpu.memory_space<semaphore_mem>>
      %dma_start3A = tpu.memref_slice %arg15[%mul3A_6] : memref<10112xf32, #tpu.memory_space<vmem_shared>> -> memref<632xf32, #tpu.memory_space<vmem_shared>>
      %dma_start3A_59 = tpu.memref_slice %arg15[%mul3A_6] : memref<10112xf32, #tpu.memory_space<vmem_shared>> -> memref<632xf32, #tpu.memory_space<vmem_shared>>
      tpu.enqueue_dma source(%arg12 : memref<632xf32, #tpu.memory_space<vmem>>) target(%dma_start3A_59 : memref<632xf32, #tpu.memory_space<vmem_shared>>) target_semaphore(%run_scoped3A : memref<!tpu.dma_semaphore, #tpu.memory_space<semaphore_mem>>)
      %dma_wait3A_60 = tpu.memref_slice %arg15[%mul3A_6] : memref<10112xf32, #tpu.memory_space<vmem_shared>> -> memref<632xf32, #tpu.memory_space<vmem_shared>>
      %dma_wait3A_61 = tpu.memref_slice %arg15[%mul3A_6] : memref<10112xf32, #tpu.memory_space<vmem_shared>> -> memref<632xf32, #tpu.memory_space<vmem_shared>>
      tpu.wait_dma2 semaphore(%run_scoped3A : memref<!tpu.dma_semaphore, #tpu.memory_space<semaphore_mem>>) src(%arg12 : memref<632xf32, #tpu.memory_space<vmem>>) dst(%dma_wait3A_61 : memref<632xf32, #tpu.memory_space<vmem_shared>>)
      tpu.yield
    }) : () -> ()
    "tpu.region"() ({
      %run_scoped3A = tpu.sem_alloc : memref<!tpu.dma_semaphore, #tpu.memory_space<semaphore_mem>>
      tpu.enqueue_dma source(%arg3 : memref<128xf32, #tpu.memory_space<hbm>>) target(%arg11 : memref<128xf32, #tpu.memory_space<vmem>>) target_semaphore(%run_scoped3A : memref<!tpu.dma_semaphore, #tpu.memory_space<semaphore_mem>>)
      tpu.wait_dma2 semaphore(%run_scoped3A : memref<!tpu.dma_semaphore, #tpu.memory_space<semaphore_mem>>) src(%arg3 : memref<128xf32, #tpu.memory_space<hbm>>) dst(%arg11 : memref<128xf32, #tpu.memory_space<vmem>>)
      tpu.yield
    }) : () -> ()
    %not3A = arith.constant true
    %not3A_7 = arith.xori %eq3A_1, %not3A : i1
    %convert_element_type3A = arith.extui %not3A_7 : i1 to i32
    %cond3A = arith.constant 0 : i32
    %cond3A_8 = arith.cmpi ne, %convert_element_type3A, %cond3A : i32
    scf.if %cond3A_8 {
      %mul3A_59 = arith.constant 128 : i32
      %mul3A_60 = arith.muli %mul3A_4, %mul3A_59 : i32
      "tpu.region"() ({
        %run_scoped3A = tpu.sem_alloc : memref<!tpu.dma_semaphore, #tpu.memory_space<semaphore_mem>>
        %dma_start3A = arith.constant 0 : i32
        %dma_start3A_61 = arith.constant 0 : i32
        %dma_start3A_62 = tpu.memref_slice %arg8[%dma_start3A, %dma_start3A_61] : memref<2x10240xi32, #tpu.memory_space<vmem>> -> memref<2x10240xi32, #tpu.memory_space<vmem>>
        %dma_start3A_63 = arith.constant 0 : i32
        %dma_start3A_64 = tpu.memref_slice %arg2[%dma_start3A_63, %mul3A_60] : memref<2x320000xi32, #tpu.memory_space<hbm>> -> memref<2x10240xi32, #tpu.memory_space<hbm>>
        %dma_start3A_65 = arith.constant 0 : i32
        %dma_start3A_66 = arith.constant 0 : i32
        %dma_start3A_67 = tpu.memref_slice %arg8[%dma_start3A_65, %dma_start3A_66] : memref<2x10240xi32, #tpu.memory_space<vmem>> -> memref<2x10240xi32, #tpu.memory_space<vmem>>
        %dma_start3A_68 = arith.constant 0 : i32
        %dma_start3A_69 = tpu.memref_slice %arg2[%dma_start3A_68, %mul3A_60] : memref<2x320000xi32, #tpu.memory_space<hbm>> -> memref<2x10240xi32, #tpu.memory_space<hbm>>
        tpu.enqueue_dma source(%dma_start3A_69 : memref<2x10240xi32, #tpu.memory_space<hbm>>) target(%dma_start3A_67 : memref<2x10240xi32, #tpu.memory_space<vmem>>) target_semaphore(%run_scoped3A : memref<!tpu.dma_semaphore, #tpu.memory_space<semaphore_mem>>)
        %dma_wait3A_70 = arith.constant 0 : i32
        %dma_wait3A_71 = arith.constant 0 : i32
        %dma_wait3A_72 = tpu.memref_slice %arg8[%dma_wait3A_70, %dma_wait3A_71] : memref<2x10240xi32, #tpu.memory_space<vmem>> -> memref<2x10240xi32, #tpu.memory_space<vmem>>
        %dma_wait3A_73 = arith.constant 0 : i32
        %dma_wait3A_74 = tpu.memref_slice %arg2[%dma_wait3A_73, %mul3A_60] : memref<2x320000xi32, #tpu.memory_space<hbm>> -> memref<2x10240xi32, #tpu.memory_space<hbm>>
        %dma_wait3A_75 = arith.constant 0 : i32
        %dma_wait3A_76 = arith.constant 0 : i32
        %dma_wait3A_77 = tpu.memref_slice %arg8[%dma_wait3A_75, %dma_wait3A_76] : memref<2x10240xi32, #tpu.memory_space<vmem>> -> memref<2x10240xi32, #tpu.memory_space<vmem>>
        %dma_wait3A_78 = arith.constant 0 : i32
        %dma_wait3A_79 = tpu.memref_slice %arg2[%dma_wait3A_78, %mul3A_60] : memref<2x320000xi32, #tpu.memory_space<hbm>> -> memref<2x10240xi32, #tpu.memory_space<hbm>>
        tpu.wait_dma2 semaphore(%run_scoped3A : memref<!tpu.dma_semaphore, #tpu.memory_space<semaphore_mem>>) src(%dma_wait3A_79 : memref<2x10240xi32, #tpu.memory_space<hbm>>) dst(%dma_wait3A_77 : memref<2x10240xi32, #tpu.memory_space<vmem>>)
        tpu.yield
      }) : () -> ()
    } else {
    }
    %convert_element_type3A_9 = arith.extui %eq3A_1 : i1 to i32
    %cond3A_10 = arith.constant 0 : i32
    %cond3A_11 = arith.cmpi ne, %convert_element_type3A_9, %cond3A_10 : i32
    scf.if %cond3A_11 {
      %mul3A_59 = arith.constant 128 : i32
      %mul3A_60 = arith.muli %mul3A_4, %mul3A_59 : i32
      "tpu.region"() ({
        %run_scoped3A = tpu.sem_alloc : memref<!tpu.dma_semaphore, #tpu.memory_space<semaphore_mem>>
        %dma_start3A = arith.constant 0 : i32
        %dma_start3A_61 = arith.constant 0 : i32
        %dma_start3A_62 = tpu.memref_slice %arg8[%dma_start3A, %dma_start3A_61] : memref<2x10240xi32, #tpu.memory_space<vmem>> -> memref<2x2560xi32, #tpu.memory_space<vmem>>
        %dma_start3A_63 = arith.constant 0 : i32
        %dma_start3A_64 = tpu.memref_slice %arg2[%dma_start3A_63, %mul3A_60] : memref<2x320000xi32, #tpu.memory_space<hbm>> -> memref<2x2560xi32, #tpu.memory_space<hbm>>
        %dma_start3A_65 = arith.constant 0 : i32
        %dma_start3A_66 = arith.constant 0 : i32
        %dma_start3A_67 = tpu.memref_slice %arg8[%dma_start3A_65, %dma_start3A_66] : memref<2x10240xi32, #tpu.memory_space<vmem>> -> memref<2x2560xi32, #tpu.memory_space<vmem>>
        %dma_start3A_68 = arith.constant 0 : i32
        %dma_start3A_69 = tpu.memref_slice %arg2[%dma_start3A_68, %mul3A_60] : memref<2x320000xi32, #tpu.memory_space<hbm>> -> memref<2x2560xi32, #tpu.memory_space<hbm>>
        tpu.enqueue_dma source(%dma_start3A_69 : memref<2x2560xi32, #tpu.memory_space<hbm>>) target(%dma_start3A_67 : memref<2x2560xi32, #tpu.memory_space<vmem>>) target_semaphore(%run_scoped3A : memref<!tpu.dma_semaphore, #tpu.memory_space<semaphore_mem>>)
        %dma_wait3A_70 = arith.constant 0 : i32
        %dma_wait3A_71 = arith.constant 0 : i32
        %dma_wait3A_72 = tpu.memref_slice %arg8[%dma_wait3A_70, %dma_wait3A_71] : memref<2x10240xi32, #tpu.memory_space<vmem>> -> memref<2x2560xi32, #tpu.memory_space<vmem>>
        %dma_wait3A_73 = arith.constant 0 : i32
        %dma_wait3A_74 = tpu.memref_slice %arg2[%dma_wait3A_73, %mul3A_60] : memref<2x320000xi32, #tpu.memory_space<hbm>> -> memref<2x2560xi32, #tpu.memory_space<hbm>>
        %dma_wait3A_75 = arith.constant 0 : i32
        %dma_wait3A_76 = arith.constant 0 : i32
        %dma_wait3A_77 = tpu.memref_slice %arg8[%dma_wait3A_75, %dma_wait3A_76] : memref<2x10240xi32, #tpu.memory_space<vmem>> -> memref<2x2560xi32, #tpu.memory_space<vmem>>
        %dma_wait3A_78 = arith.constant 0 : i32
        %dma_wait3A_79 = tpu.memref_slice %arg2[%dma_wait3A_78, %mul3A_60] : memref<2x320000xi32, #tpu.memory_space<hbm>> -> memref<2x2560xi32, #tpu.memory_space<hbm>>
        tpu.wait_dma2 semaphore(%run_scoped3A : memref<!tpu.dma_semaphore, #tpu.memory_space<semaphore_mem>>) src(%dma_wait3A_79 : memref<2x2560xi32, #tpu.memory_space<hbm>>) dst(%dma_wait3A_77 : memref<2x2560xi32, #tpu.memory_space<vmem>>)
        tpu.yield
      }) : () -> ()
    } else {
    }
    %while3A = arith.constant 0 : i32
    %while3A_12 = arith.constant 0 : i32
    %while3A_13 = arith.subi %select_n3A, %while3A_12 : i32
    %while3A_14 = arith.addi %while3A_12, %while3A_13 : i32
    %while3A_15 = arith.constant 1 : i32
    %while3A_16 = arith.divsi %while3A_13, %while3A_15 : i32
    %while3A_17 = arith.muli %while3A_16, %while3A_15 : i32
    %while3A_18 = arith.addi %while3A_12, %while3A_17 : i32
    %while3A_19 = arith.constant 1 : i32
    scf.for %while3A_59 = %while3A_12 to %while3A_18 step %while3A_19  : i32 {
      %mul3A_60 = arith.constant 128 : i32
      %mul3A_61 = arith.muli %while3A_59, %mul3A_60 : i32
      %add3A_62 = arith.constant 0 : i32
      %add3A_63 = arith.addi %mul3A_61, %add3A_62 : i32
      %get3A = arith.constant 0 : i32
      %get3A_64 = arith.index_cast %get3A : i32 to index
      %get3A_65 = arith.index_cast %add3A_63 : i32 to index
      %get3A_66 = tpu.vector_load %arg8[%get3A_64, %get3A_65] {strides = array<i32>} : memref<2x10240xi32, #tpu.memory_space<vmem>>, vector<1x16xi32>,
      %get3A_67 = vector.shape_cast %get3A_66 : vector<1x16xi32> to vector<16xi32>
      %swap3A = arith.index_cast %while3A_59 : i32 to index
      %swap3A_68 = arith.constant 0 : index
      %swap3A_69 = tpu.vector_load %arg9[%swap3A, %swap3A_68] {strides = array<i32>} : memref<80x128xi32, #tpu.memory_space<vmem>>, vector<1x16xi32>,
      %swap3A_70 = vector.shape_cast %swap3A_69 : vector<1x16xi32> to vector<16xi32>
      %swap3A_71 = vector.shape_cast %get3A_67 : vector<16xi32> to vector<1x16xi32>
      tpu.vector_store %arg9[%swap3A, %swap3A_68], %swap3A_71 {strides = array<i32>} : memref<80x128xi32, #tpu.memory_space<vmem>>, vector<1x16xi32>,
      %get3A_72 = arith.constant 1 : i32
      %get3A_73 = arith.index_cast %get3A_72 : i32 to index
      %get3A_74 = arith.index_cast %add3A_63 : i32 to index
      %get3A_75 = tpu.vector_load %arg8[%get3A_73, %get3A_74] {strides = array<i32>} : memref<2x10240xi32, #tpu.memory_space<vmem>>, vector<1x16xi32>,
      %get3A_76 = vector.shape_cast %get3A_75 : vector<1x16xi32> to vector<16xi32>
      %swap3A_77 = arith.index_cast %while3A_59 : i32 to index
      %swap3A_78 = arith.constant 0 : index
      %swap3A_79 = tpu.vector_load %arg10[%swap3A_77, %swap3A_78] {strides = array<i32>} : memref<80x128xi32, #tpu.memory_space<vmem>>, vector<1x16xi32>,
      %swap3A_80 = vector.shape_cast %swap3A_79 : vector<1x16xi32> to vector<16xi32>
      %swap3A_81 = vector.shape_cast %get3A_76 : vector<16xi32> to vector<1x16xi32>
      tpu.vector_store %arg10[%swap3A_77, %swap3A_78], %swap3A_81 {strides = array<i32>} : memref<80x128xi32, #tpu.memory_space<vmem>>, vector<1x16xi32>,
      %mul3A_82 = arith.constant 128 : i32
      %mul3A_83 = arith.muli %while3A_59, %mul3A_82 : i32
      %add3A_84 = arith.constant 16 : i32
      %add3A_85 = arith.addi %mul3A_83, %add3A_84 : i32
      %get3A_86 = arith.constant 0 : i32
      %get3A_87 = arith.index_cast %get3A_86 : i32 to index
      %get3A_88 = arith.index_cast %add3A_85 : i32 to index
      %get3A_89 = tpu.vector_load %arg8[%get3A_87, %get3A_88] {strides = array<i32>} : memref<2x10240xi32, #tpu.memory_space<vmem>>, vector<1x16xi32>,
      %get3A_90 = vector.shape_cast %get3A_89 : vector<1x16xi32> to vector<16xi32>
      %swap3A_91 = arith.index_cast %while3A_59 : i32 to index
      %swap3A_92 = arith.constant 16 : index
      %swap3A_93 = tpu.vector_load %arg9[%swap3A_91, %swap3A_92] {strides = array<i32>} : memref<80x128xi32, #tpu.memory_space<vmem>>, vector<1x16xi32>,
      %swap3A_94 = vector.shape_cast %swap3A_93 : vector<1x16xi32> to vector<16xi32>
      %swap3A_95 = vector.shape_cast %get3A_90 : vector<16xi32> to vector<1x16xi32>
      tpu.vector_store %arg9[%swap3A_91, %swap3A_92], %swap3A_95 {strides = array<i32>} : memref<80x128xi32, #tpu.memory_space<vmem>>, vector<1x16xi32>,
      %get3A_96 = arith.constant 1 : i32
      %get3A_97 = arith.index_cast %get3A_96 : i32 to index
      %get3A_98 = arith.index_cast %add3A_85 : i32 to index
      %get3A_99 = tpu.vector_load %arg8[%get3A_97, %get3A_98] {strides = array<i32>} : memref<2x10240xi32, #tpu.memory_space<vmem>>, vector<1x16xi32>,
      %get3A_100 = vector.shape_cast %get3A_99 : vector<1x16xi32> to vector<16xi32>
      %swap3A_101 = arith.index_cast %while3A_59 : i32 to index
      %swap3A_102 = arith.constant 16 : index
      %swap3A_103 = tpu.vector_load %arg10[%swap3A_101, %swap3A_102] {strides = array<i32>} : memref<80x128xi32, #tpu.memory_space<vmem>>, vector<1x16xi32>,
      %swap3A_104 = vector.shape_cast %swap3A_103 : vector<1x16xi32> to vector<16xi32>
      %swap3A_105 = vector.shape_cast %get3A_100 : vector<16xi32> to vector<1x16xi32>
      tpu.vector_store %arg10[%swap3A_101, %swap3A_102], %swap3A_105 {strides = array<i32>} : memref<80x128xi32, #tpu.memory_space<vmem>>, vector<1x16xi32>,
      %mul3A_106 = arith.constant 128 : i32
      %mul3A_107 = arith.muli %while3A_59, %mul3A_106 : i32
      %add3A_108 = arith.constant 32 : i32
      %add3A_109 = arith.addi %mul3A_107, %add3A_108 : i32
      %get3A_110 = arith.constant 0 : i32
      %get3A_111 = arith.index_cast %get3A_110 : i32 to index
      %get3A_112 = arith.index_cast %add3A_109 : i32 to index
      %get3A_113 = tpu.vector_load %arg8[%get3A_111, %get3A_112] {strides = array<i32>} : memref<2x10240xi32, #tpu.memory_space<vmem>>, vector<1x16xi32>,
      %get3A_114 = vector.shape_cast %get3A_113 : vector<1x16xi32> to vector<16xi32>
      %swap3A_115 = arith.index_cast %while3A_59 : i32 to index
      %swap3A_116 = arith.constant 32 : index
      %swap3A_117 = tpu.vector_load %arg9[%swap3A_115, %swap3A_116] {strides = array<i32>} : memref<80x128xi32, #tpu.memory_space<vmem>>, vector<1x16xi32>,
      %swap3A_118 = vector.shape_cast %swap3A_117 : vector<1x16xi32> to vector<16xi32>
      %swap3A_119 = vector.shape_cast %get3A_114 : vector<16xi32> to vector<1x16xi32>
      tpu.vector_store %arg9[%swap3A_115, %swap3A_116], %swap3A_119 {strides = array<i32>} : memref<80x128xi32, #tpu.memory_space<vmem>>, vector<1x16xi32>,
      %get3A_120 = arith.constant 1 : i32
      %get3A_121 = arith.index_cast %get3A_120 : i32 to index
      %get3A_122 = arith.index_cast %add3A_109 : i32 to index
      %get3A_123 = tpu.vector_load %arg8[%get3A_121, %get3A_122] {strides = array<i32>} : memref<2x10240xi32, #tpu.memory_space<vmem>>, vector<1x16xi32>,
      %get3A_124 = vector.shape_cast %get3A_123 : vector<1x16xi32> to vector<16xi32>
      %swap3A_125 = arith.index_cast %while3A_59 : i32 to index
      %swap3A_126 = arith.constant 32 : index
      %swap3A_127 = tpu.vector_load %arg10[%swap3A_125, %swap3A_126] {strides = array<i32>} : memref<80x128xi32, #tpu.memory_space<vmem>>, vector<1x16xi32>,
      %swap3A_128 = vector.shape_cast %swap3A_127 : vector<1x16xi32> to vector<16xi32>
      %swap3A_129 = vector.shape_cast %get3A_124 : vector<16xi32> to vector<1x16xi32>
      tpu.vector_store %arg10[%swap3A_125, %swap3A_126], %swap3A_129 {strides = array<i32>} : memref<80x128xi32, #tpu.memory_space<vmem>>, vector<1x16xi32>,
      %mul3A_130 = arith.constant 128 : i32
      %mul3A_131 = arith.muli %while3A_59, %mul3A_130 : i32
      %add3A_132 = arith.constant 48 : i32
      %add3A_133 = arith.addi %mul3A_131, %add3A_132 : i32
      %get3A_134 = arith.constant 0 : i32
      %get3A_135 = arith.index_cast %get3A_134 : i32 to index
      %get3A_136 = arith.index_cast %add3A_133 : i32 to index
      %get3A_137 = tpu.vector_load %arg8[%get3A_135, %get3A_136] {strides = array<i32>} : memref<2x10240xi32, #tpu.memory_space<vmem>>, vector<1x16xi32>,
      %get3A_138 = vector.shape_cast %get3A_137 : vector<1x16xi32> to vector<16xi32>
      %swap3A_139 = arith.index_cast %while3A_59 : i32 to index
      %swap3A_140 = arith.constant 48 : index
      %swap3A_141 = tpu.vector_load %arg9[%swap3A_139, %swap3A_140] {strides = array<i32>} : memref<80x128xi32, #tpu.memory_space<vmem>>, vector<1x16xi32>,
      %swap3A_142 = vector.shape_cast %swap3A_141 : vector<1x16xi32> to vector<16xi32>
      %swap3A_143 = vector.shape_cast %get3A_138 : vector<16xi32> to vector<1x16xi32>
      tpu.vector_store %arg9[%swap3A_139, %swap3A_140], %swap3A_143 {strides = array<i32>} : memref<80x128xi32, #tpu.memory_space<vmem>>, vector<1x16xi32>,
      %get3A_144 = arith.constant 1 : i32
      %get3A_145 = arith.index_cast %get3A_144 : i32 to index
      %get3A_146 = arith.index_cast %add3A_133 : i32 to index
      %get3A_147 = tpu.vector_load %arg8[%get3A_145, %get3A_146] {strides = array<i32>} : memref<2x10240xi32, #tpu.memory_space<vmem>>, vector<1x16xi32>,
      %get3A_148 = vector.shape_cast %get3A_147 : vector<1x16xi32> to vector<16xi32>
      %swap3A_149 = arith.index_cast %while3A_59 : i32 to index
      %swap3A_150 = arith.constant 48 : index
      %swap3A_151 = tpu.vector_load %arg10[%swap3A_149, %swap3A_150] {strides = array<i32>} : memref<80x128xi32, #tpu.memory_space<vmem>>, vector<1x16xi32>,
      %swap3A_152 = vector.shape_cast %swap3A_151 : vector<1x16xi32> to vector<16xi32>
      %swap3A_153 = vector.shape_cast %get3A_148 : vector<16xi32> to vector<1x16xi32>
      tpu.vector_store %arg10[%swap3A_149, %swap3A_150], %swap3A_153 {strides = array<i32>} : memref<80x128xi32, #tpu.memory_space<vmem>>, vector<1x16xi32>,
      %mul3A_154 = arith.constant 128 : i32
      %mul3A_155 = arith.muli %while3A_59, %mul3A_154 : i32
      %add3A_156 = arith.constant 64 : i32
      %add3A_157 = arith.addi %mul3A_155, %add3A_156 : i32
      %get3A_158 = arith.constant 0 : i32
      %get3A_159 = arith.index_cast %get3A_158 : i32 to index
      %get3A_160 = arith.index_cast %add3A_157 : i32 to index
      %get3A_161 = tpu.vector_load %arg8[%get3A_159, %get3A_160] {strides = array<i32>} : memref<2x10240xi32, #tpu.memory_space<vmem>>, vector<1x16xi32>,
      %get3A_162 = vector.shape_cast %get3A_161 : vector<1x16xi32> to vector<16xi32>
      %swap3A_163 = arith.index_cast %while3A_59 : i32 to index
      %swap3A_164 = arith.constant 64 : index
      %swap3A_165 = tpu.vector_load %arg9[%swap3A_163, %swap3A_164] {strides = array<i32>} : memref<80x128xi32, #tpu.memory_space<vmem>>, vector<1x16xi32>,
      %swap3A_166 = vector.shape_cast %swap3A_165 : vector<1x16xi32> to vector<16xi32>
      %swap3A_167 = vector.shape_cast %get3A_162 : vector<16xi32> to vector<1x16xi32>
      tpu.vector_store %arg9[%swap3A_163, %swap3A_164], %swap3A_167 {strides = array<i32>} : memref<80x128xi32, #tpu.memory_space<vmem>>, vector<1x16xi32>,
      %get3A_168 = arith.constant 1 : i32
      %get3A_169 = arith.index_cast %get3A_168 : i32 to index
      %get3A_170 = arith.index_cast %add3A_157 : i32 to index
      %get3A_171 = tpu.vector_load %arg8[%get3A_169, %get3A_170] {strides = array<i32>} : memref<2x10240xi32, #tpu.memory_space<vmem>>, vector<1x16xi32>,
      %get3A_172 = vector.shape_cast %get3A_171 : vector<1x16xi32> to vector<16xi32>
      %swap3A_173 = arith.index_cast %while3A_59 : i32 to index
      %swap3A_174 = arith.constant 64 : index
      %swap3A_175 = tpu.vector_load %arg10[%swap3A_173, %swap3A_174] {strides = array<i32>} : memref<80x128xi32, #tpu.memory_space<vmem>>, vector<1x16xi32>,
      %swap3A_176 = vector.shape_cast %swap3A_175 : vector<1x16xi32> to vector<16xi32>
      %swap3A_177 = vector.shape_cast %get3A_172 : vector<16xi32> to vector<1x16xi32>
      tpu.vector_store %arg10[%swap3A_173, %swap3A_174], %swap3A_177 {strides = array<i32>} : memref<80x128xi32, #tpu.memory_space<vmem>>, vector<1x16xi32>,
      %mul3A_178 = arith.constant 128 : i32
      %mul3A_179 = arith.muli %while3A_59, %mul3A_178 : i32
      %add3A_180 = arith.constant 80 : i32
      %add3A_181 = arith.addi %mul3A_179, %add3A_180 : i32
      %get3A_182 = arith.constant 0 : i32
      %get3A_183 = arith.index_cast %get3A_182 : i32 to index
      %get3A_184 = arith.index_cast %add3A_181 : i32 to index
      %get3A_185 = tpu.vector_load %arg8[%get3A_183, %get3A_184] {strides = array<i32>} : memref<2x10240xi32, #tpu.memory_space<vmem>>, vector<1x16xi32>,
      %get3A_186 = vector.shape_cast %get3A_185 : vector<1x16xi32> to vector<16xi32>
      %swap3A_187 = arith.index_cast %while3A_59 : i32 to index
      %swap3A_188 = arith.constant 80 : index
      %swap3A_189 = tpu.vector_load %arg9[%swap3A_187, %swap3A_188] {strides = array<i32>} : memref<80x128xi32, #tpu.memory_space<vmem>>, vector<1x16xi32>,
      %swap3A_190 = vector.shape_cast %swap3A_189 : vector<1x16xi32> to vector<16xi32>
      %swap3A_191 = vector.shape_cast %get3A_186 : vector<16xi32> to vector<1x16xi32>
      tpu.vector_store %arg9[%swap3A_187, %swap3A_188], %swap3A_191 {strides = array<i32>} : memref<80x128xi32, #tpu.memory_space<vmem>>, vector<1x16xi32>,
      %get3A_192 = arith.constant 1 : i32
      %get3A_193 = arith.index_cast %get3A_192 : i32 to index
      %get3A_194 = arith.index_cast %add3A_181 : i32 to index
      %get3A_195 = tpu.vector_load %arg8[%get3A_193, %get3A_194] {strides = array<i32>} : memref<2x10240xi32, #tpu.memory_space<vmem>>, vector<1x16xi32>,
      %get3A_196 = vector.shape_cast %get3A_195 : vector<1x16xi32> to vector<16xi32>
      %swap3A_197 = arith.index_cast %while3A_59 : i32 to index
      %swap3A_198 = arith.constant 80 : index
      %swap3A_199 = tpu.vector_load %arg10[%swap3A_197, %swap3A_198] {strides = array<i32>} : memref<80x128xi32, #tpu.memory_space<vmem>>, vector<1x16xi32>,
      %swap3A_200 = vector.shape_cast %swap3A_199 : vector<1x16xi32> to vector<16xi32>
      %swap3A_201 = vector.shape_cast %get3A_196 : vector<16xi32> to vector<1x16xi32>
      tpu.vector_store %arg10[%swap3A_197, %swap3A_198], %swap3A_201 {strides = array<i32>} : memref<80x128xi32, #tpu.memory_space<vmem>>, vector<1x16xi32>,
      %mul3A_202 = arith.constant 128 : i32
      %mul3A_203 = arith.muli %while3A_59, %mul3A_202 : i32
      %add3A_204 = arith.constant 96 : i32
      %add3A_205 = arith.addi %mul3A_203, %add3A_204 : i32
      %get3A_206 = arith.constant 0 : i32
      %get3A_207 = arith.index_cast %get3A_206 : i32 to index
      %get3A_208 = arith.index_cast %add3A_205 : i32 to index
      %get3A_209 = tpu.vector_load %arg8[%get3A_207, %get3A_208] {strides = array<i32>} : memref<2x10240xi32, #tpu.memory_space<vmem>>, vector<1x16xi32>,
      %get3A_210 = vector.shape_cast %get3A_209 : vector<1x16xi32> to vector<16xi32>
      %swap3A_211 = arith.index_cast %while3A_59 : i32 to index
      %swap3A_212 = arith.constant 96 : index
      %swap3A_213 = tpu.vector_load %arg9[%swap3A_211, %swap3A_212] {strides = array<i32>} : memref<80x128xi32, #tpu.memory_space<vmem>>, vector<1x16xi32>,
      %swap3A_214 = vector.shape_cast %swap3A_213 : vector<1x16xi32> to vector<16xi32>
      %swap3A_215 = vector.shape_cast %get3A_210 : vector<16xi32> to vector<1x16xi32>
      tpu.vector_store %arg9[%swap3A_211, %swap3A_212], %swap3A_215 {strides = array<i32>} : memref<80x128xi32, #tpu.memory_space<vmem>>, vector<1x16xi32>,
      %get3A_216 = arith.constant 1 : i32
      %get3A_217 = arith.index_cast %get3A_216 : i32 to index
      %get3A_218 = arith.index_cast %add3A_205 : i32 to index
      %get3A_219 = tpu.vector_load %arg8[%get3A_217, %get3A_218] {strides = array<i32>} : memref<2x10240xi32, #tpu.memory_space<vmem>>, vector<1x16xi32>,
      %get3A_220 = vector.shape_cast %get3A_219 : vector<1x16xi32> to vector<16xi32>
      %swap3A_221 = arith.index_cast %while3A_59 : i32 to index
      %swap3A_222 = arith.constant 96 : index
      %swap3A_223 = tpu.vector_load %arg10[%swap3A_221, %swap3A_222] {strides = array<i32>} : memref<80x128xi32, #tpu.memory_space<vmem>>, vector<1x16xi32>,
      %swap3A_224 = vector.shape_cast %swap3A_223 : vector<1x16xi32> to vector<16xi32>
      %swap3A_225 = vector.shape_cast %get3A_220 : vector<16xi32> to vector<1x16xi32>
      tpu.vector_store %arg10[%swap3A_221, %swap3A_222], %swap3A_225 {strides = array<i32>} : memref<80x128xi32, #tpu.memory_space<vmem>>, vector<1x16xi32>,
      %mul3A_226 = arith.constant 128 : i32
      %mul3A_227 = arith.muli %while3A_59, %mul3A_226 : i32
      %add3A_228 = arith.constant 112 : i32
      %add3A_229 = arith.addi %mul3A_227, %add3A_228 : i32
      %get3A_230 = arith.constant 0 : i32
      %get3A_231 = arith.index_cast %get3A_230 : i32 to index
      %get3A_232 = arith.index_cast %add3A_229 : i32 to index
      %get3A_233 = tpu.vector_load %arg8[%get3A_231, %get3A_232] {strides = array<i32>} : memref<2x10240xi32, #tpu.memory_space<vmem>>, vector<1x16xi32>,
      %get3A_234 = vector.shape_cast %get3A_233 : vector<1x16xi32> to vector<16xi32>
      %swap3A_235 = arith.index_cast %while3A_59 : i32 to index
      %swap3A_236 = arith.constant 112 : index
      %swap3A_237 = tpu.vector_load %arg9[%swap3A_235, %swap3A_236] {strides = array<i32>} : memref<80x128xi32, #tpu.memory_space<vmem>>, vector<1x16xi32>,
      %swap3A_238 = vector.shape_cast %swap3A_237 : vector<1x16xi32> to vector<16xi32>
      %swap3A_239 = vector.shape_cast %get3A_234 : vector<16xi32> to vector<1x16xi32>
      tpu.vector_store %arg9[%swap3A_235, %swap3A_236], %swap3A_239 {strides = array<i32>} : memref<80x128xi32, #tpu.memory_space<vmem>>, vector<1x16xi32>,
      %get3A_240 = arith.constant 1 : i32
      %get3A_241 = arith.index_cast %get3A_240 : i32 to index
      %get3A_242 = arith.index_cast %add3A_229 : i32 to index
      %get3A_243 = tpu.vector_load %arg8[%get3A_241, %get3A_242] {strides = array<i32>} : memref<2x10240xi32, #tpu.memory_space<vmem>>, vector<1x16xi32>,
      %get3A_244 = vector.shape_cast %get3A_243 : vector<1x16xi32> to vector<16xi32>
      %swap3A_245 = arith.index_cast %while3A_59 : i32 to index
      %swap3A_246 = arith.constant 112 : index
      %swap3A_247 = tpu.vector_load %arg10[%swap3A_245, %swap3A_246] {strides = array<i32>} : memref<80x128xi32, #tpu.memory_space<vmem>>, vector<1x16xi32>,
      %swap3A_248 = vector.shape_cast %swap3A_247 : vector<1x16xi32> to vector<16xi32>
      %swap3A_249 = vector.shape_cast %get3A_244 : vector<16xi32> to vector<1x16xi32>
      tpu.vector_store %arg10[%swap3A_245, %swap3A_246], %swap3A_249 {strides = array<i32>} : memref<80x128xi32, #tpu.memory_space<vmem>>, vector<1x16xi32>,
    }
    %while3A_20 = arith.constant 1 : i32
    scf.for %while3A_59 = %while3A_18 to %while3A_14 step %while3A_20  : i32 {
      %mul3A_60 = arith.constant 128 : i32
      %mul3A_61 = arith.muli %while3A_59, %mul3A_60 : i32
      %add3A_62 = arith.constant 0 : i32
      %add3A_63 = arith.addi %mul3A_61, %add3A_62 : i32
      %get3A = arith.constant 0 : i32
      %get3A_64 = arith.index_cast %get3A : i32 to index
      %get3A_65 = arith.index_cast %add3A_63 : i32 to index
      %get3A_66 = tpu.vector_load %arg8[%get3A_64, %get3A_65] {strides = array<i32>} : memref<2x10240xi32, #tpu.memory_space<vmem>>, vector<1x16xi32>,
      %get3A_67 = vector.shape_cast %get3A_66 : vector<1x16xi32> to vector<16xi32>
      %swap3A = arith.index_cast %while3A_59 : i32 to index
      %swap3A_68 = arith.constant 0 : index
      %swap3A_69 = tpu.vector_load %arg9[%swap3A, %swap3A_68] {strides = array<i32>} : memref<80x128xi32, #tpu.memory_space<vmem>>, vector<1x16xi32>,
      %swap3A_70 = vector.shape_cast %swap3A_69 : vector<1x16xi32> to vector<16xi32>
      %swap3A_71 = vector.shape_cast %get3A_67 : vector<16xi32> to vector<1x16xi32>
      tpu.vector_store %arg9[%swap3A, %swap3A_68], %swap3A_71 {strides = array<i32>} : memref<80x128xi32, #tpu.memory_space<vmem>>, vector<1x16xi32>,
      %get3A_72 = arith.constant 1 : i32
      %get3A_73 = arith.index_cast %get3A_72 : i32 to index
      %get3A_74 = arith.index_cast %add3A_63 : i32 to index
      %get3A_75 = tpu.vector_load %arg8[%get3A_73, %get3A_74] {strides = array<i32>} : memref<2x10240xi32, #tpu.memory_space<vmem>>, vector<1x16xi32>,
      %get3A_76 = vector.shape_cast %get3A_75 : vector<1x16xi32> to vector<16xi32>
      %swap3A_77 = arith.index_cast %while3A_59 : i32 to index
      %swap3A_78 = arith.constant 0 : index
      %swap3A_79 = tpu.vector_load %arg10[%swap3A_77, %swap3A_78] {strides = array<i32>} : memref<80x128xi32, #tpu.memory_space<vmem>>, vector<1x16xi32>,
      %swap3A_80 = vector.shape_cast %swap3A_79 : vector<1x16xi32> to vector<16xi32>
      %swap3A_81 = vector.shape_cast %get3A_76 : vector<16xi32> to vector<1x16xi32>
      tpu.vector_store %arg10[%swap3A_77, %swap3A_78], %swap3A_81 {strides = array<i32>} : memref<80x128xi32, #tpu.memory_space<vmem>>, vector<1x16xi32>,
      %mul3A_82 = arith.constant 128 : i32
      %mul3A_83 = arith.muli %while3A_59, %mul3A_82 : i32
      %add3A_84 = arith.constant 16 : i32
      %add3A_85 = arith.addi %mul3A_83, %add3A_84 : i32
      %get3A_86 = arith.constant 0 : i32
      %get3A_87 = arith.index_cast %get3A_86 : i32 to index
      %get3A_88 = arith.index_cast %add3A_85 : i32 to index
      %get3A_89 = tpu.vector_load %arg8[%get3A_87, %get3A_88] {strides = array<i32>} : memref<2x10240xi32, #tpu.memory_space<vmem>>, vector<1x16xi32>,
      %get3A_90 = vector.shape_cast %get3A_89 : vector<1x16xi32> to vector<16xi32>
      %swap3A_91 = arith.index_cast %while3A_59 : i32 to index
      %swap3A_92 = arith.constant 16 : index
      %swap3A_93 = tpu.vector_load %arg9[%swap3A_91, %swap3A_92] {strides = array<i32>} : memref<80x128xi32, #tpu.memory_space<vmem>>, vector<1x16xi32>,
      %swap3A_94 = vector.shape_cast %swap3A_93 : vector<1x16xi32> to vector<16xi32>
      %swap3A_95 = vector.shape_cast %get3A_90 : vector<16xi32> to vector<1x16xi32>
      tpu.vector_store %arg9[%swap3A_91, %swap3A_92], %swap3A_95 {strides = array<i32>} : memref<80x128xi32, #tpu.memory_space<vmem>>, vector<1x16xi32>,
      %get3A_96 = arith.constant 1 : i32
      %get3A_97 = arith.index_cast %get3A_96 : i32 to index
      %get3A_98 = arith.index_cast %add3A_85 : i32 to index
      %get3A_99 = tpu.vector_load %arg8[%get3A_97, %get3A_98] {strides = array<i32>} : memref<2x10240xi32, #tpu.memory_space<vmem>>, vector<1x16xi32>,
      %get3A_100 = vector.shape_cast %get3A_99 : vector<1x16xi32> to vector<16xi32>
      %swap3A_101 = arith.index_cast %while3A_59 : i32 to index
      %swap3A_102 = arith.constant 16 : index
      %swap3A_103 = tpu.vector_load %arg10[%swap3A_101, %swap3A_102] {strides = array<i32>} : memref<80x128xi32, #tpu.memory_space<vmem>>, vector<1x16xi32>,
      %swap3A_104 = vector.shape_cast %swap3A_103 : vector<1x16xi32> to vector<16xi32>
      %swap3A_105 = vector.shape_cast %get3A_100 : vector<16xi32> to vector<1x16xi32>
      tpu.vector_store %arg10[%swap3A_101, %swap3A_102], %swap3A_105 {strides = array<i32>} : memref<80x128xi32, #tpu.memory_space<vmem>>, vector<1x16xi32>,
      %mul3A_106 = arith.constant 128 : i32
      %mul3A_107 = arith.muli %while3A_59, %mul3A_106 : i32
      %add3A_108 = arith.constant 32 : i32
      %add3A_109 = arith.addi %mul3A_107, %add3A_108 : i32
      %get3A_110 = arith.constant 0 : i32
      %get3A_111 = arith.index_cast %get3A_110 : i32 to index
      %get3A_112 = arith.index_cast %add3A_109 : i32 to index
      %get3A_113 = tpu.vector_load %arg8[%get3A_111, %get3A_112] {strides = array<i32>} : memref<2x10240xi32, #tpu.memory_space<vmem>>, vector<1x16xi32>,
      %get3A_114 = vector.shape_cast %get3A_113 : vector<1x16xi32> to vector<16xi32>
      %swap3A_115 = arith.index_cast %while3A_59 : i32 to index
      %swap3A_116 = arith.constant 32 : index
      %swap3A_117 = tpu.vector_load %arg9[%swap3A_115, %swap3A_116] {strides = array<i32>} : memref<80x128xi32, #tpu.memory_space<vmem>>, vector<1x16xi32>,
      %swap3A_118 = vector.shape_cast %swap3A_117 : vector<1x16xi32> to vector<16xi32>
      %swap3A_119 = vector.shape_cast %get3A_114 : vector<16xi32> to vector<1x16xi32>
      tpu.vector_store %arg9[%swap3A_115, %swap3A_116], %swap3A_119 {strides = array<i32>} : memref<80x128xi32, #tpu.memory_space<vmem>>, vector<1x16xi32>,
      %get3A_120 = arith.constant 1 : i32
      %get3A_121 = arith.index_cast %get3A_120 : i32 to index
      %get3A_122 = arith.index_cast %add3A_109 : i32 to index
      %get3A_123 = tpu.vector_load %arg8[%get3A_121, %get3A_122] {strides = array<i32>} : memref<2x10240xi32, #tpu.memory_space<vmem>>, vector<1x16xi32>,
      %get3A_124 = vector.shape_cast %get3A_123 : vector<1x16xi32> to vector<16xi32>
      %swap3A_125 = arith.index_cast %while3A_59 : i32 to index
      %swap3A_126 = arith.constant 32 : index
      %swap3A_127 = tpu.vector_load %arg10[%swap3A_125, %swap3A_126] {strides = array<i32>} : memref<80x128xi32, #tpu.memory_space<vmem>>, vector<1x16xi32>,
      %swap3A_128 = vector.shape_cast %swap3A_127 : vector<1x16xi32> to vector<16xi32>
      %swap3A_129 = vector.shape_cast %get3A_124 : vector<16xi32> to vector<1x16xi32>
      tpu.vector_store %arg10[%swap3A_125, %swap3A_126], %swap3A_129 {strides = array<i32>} : memref<80x128xi32, #tpu.memory_space<vmem>>, vector<1x16xi32>,
      %mul3A_130 = arith.constant 128 : i32
      %mul3A_131 = arith.muli %while3A_59, %mul3A_130 : i32
      %add3A_132 = arith.constant 48 : i32
      %add3A_133 = arith.addi %mul3A_131, %add3A_132 : i32
      %get3A_134 = arith.constant 0 : i32
      %get3A_135 = arith.index_cast %get3A_134 : i32 to index
      %get3A_136 = arith.index_cast %add3A_133 : i32 to index
      %get3A_137 = tpu.vector_load %arg8[%get3A_135, %get3A_136] {strides = array<i32>} : memref<2x10240xi32, #tpu.memory_space<vmem>>, vector<1x16xi32>,
      %get3A_138 = vector.shape_cast %get3A_137 : vector<1x16xi32> to vector<16xi32>
      %swap3A_139 = arith.index_cast %while3A_59 : i32 to index
      %swap3A_140 = arith.constant 48 : index
      %swap3A_141 = tpu.vector_load %arg9[%swap3A_139, %swap3A_140] {strides = array<i32>} : memref<80x128xi32, #tpu.memory_space<vmem>>, vector<1x16xi32>,
      %swap3A_142 = vector.shape_cast %swap3A_141 : vector<1x16xi32> to vector<16xi32>
      %swap3A_143 = vector.shape_cast %get3A_138 : vector<16xi32> to vector<1x16xi32>
      tpu.vector_store %arg9[%swap3A_139, %swap3A_140], %swap3A_143 {strides = array<i32>} : memref<80x128xi32, #tpu.memory_space<vmem>>, vector<1x16xi32>,
      %get3A_144 = arith.constant 1 : i32
      %get3A_145 = arith.index_cast %get3A_144 : i32 to index
      %get3A_146 = arith.index_cast %add3A_133 : i32 to index
      %get3A_147 = tpu.vector_load %arg8[%get3A_145, %get3A_146] {strides = array<i32>} : memref<2x10240xi32, #tpu.memory_space<vmem>>, vector<1x16xi32>,
      %get3A_148 = vector.shape_cast %get3A_147 : vector<1x16xi32> to vector<16xi32>
      %swap3A_149 = arith.index_cast %while3A_59 : i32 to index
      %swap3A_150 = arith.constant 48 : index
      %swap3A_151 = tpu.vector_load %arg10[%swap3A_149, %swap3A_150] {strides = array<i32>} : memref<80x128xi32, #tpu.memory_space<vmem>>, vector<1x16xi32>,
      %swap3A_152 = vector.shape_cast %swap3A_151 : vector<1x16xi32> to vector<16xi32>
      %swap3A_153 = vector.shape_cast %get3A_148 : vector<16xi32> to vector<1x16xi32>
      tpu.vector_store %arg10[%swap3A_149, %swap3A_150], %swap3A_153 {strides = array<i32>} : memref<80x128xi32, #tpu.memory_space<vmem>>, vector<1x16xi32>,
      %mul3A_154 = arith.constant 128 : i32
      %mul3A_155 = arith.muli %while3A_59, %mul3A_154 : i32
      %add3A_156 = arith.constant 64 : i32
      %add3A_157 = arith.addi %mul3A_155, %add3A_156 : i32
      %get3A_158 = arith.constant 0 : i32
      %get3A_159 = arith.index_cast %get3A_158 : i32 to index
      %get3A_160 = arith.index_cast %add3A_157 : i32 to index
      %get3A_161 = tpu.vector_load %arg8[%get3A_159, %get3A_160] {strides = array<i32>} : memref<2x10240xi32, #tpu.memory_space<vmem>>, vector<1x16xi32>,
      %get3A_162 = vector.shape_cast %get3A_161 : vector<1x16xi32> to vector<16xi32>
      %swap3A_163 = arith.index_cast %while3A_59 : i32 to index
      %swap3A_164 = arith.constant 64 : index
      %swap3A_165 = tpu.vector_load %arg9[%swap3A_163, %swap3A_164] {strides = array<i32>} : memref<80x128xi32, #tpu.memory_space<vmem>>, vector<1x16xi32>,
      %swap3A_166 = vector.shape_cast %swap3A_165 : vector<1x16xi32> to vector<16xi32>
      %swap3A_167 = vector.shape_cast %get3A_162 : vector<16xi32> to vector<1x16xi32>
      tpu.vector_store %arg9[%swap3A_163, %swap3A_164], %swap3A_167 {strides = array<i32>} : memref<80x128xi32, #tpu.memory_space<vmem>>, vector<1x16xi32>,
      %get3A_168 = arith.constant 1 : i32
      %get3A_169 = arith.index_cast %get3A_168 : i32 to index
      %get3A_170 = arith.index_cast %add3A_157 : i32 to index
      %get3A_171 = tpu.vector_load %arg8[%get3A_169, %get3A_170] {strides = array<i32>} : memref<2x10240xi32, #tpu.memory_space<vmem>>, vector<1x16xi32>,
      %get3A_172 = vector.shape_cast %get3A_171 : vector<1x16xi32> to vector<16xi32>
      %swap3A_173 = arith.index_cast %while3A_59 : i32 to index
      %swap3A_174 = arith.constant 64 : index
      %swap3A_175 = tpu.vector_load %arg10[%swap3A_173, %swap3A_174] {strides = array<i32>} : memref<80x128xi32, #tpu.memory_space<vmem>>, vector<1x16xi32>,
      %swap3A_176 = vector.shape_cast %swap3A_175 : vector<1x16xi32> to vector<16xi32>
      %swap3A_177 = vector.shape_cast %get3A_172 : vector<16xi32> to vector<1x16xi32>
      tpu.vector_store %arg10[%swap3A_173, %swap3A_174], %swap3A_177 {strides = array<i32>} : memref<80x128xi32, #tpu.memory_space<vmem>>, vector<1x16xi32>,
      %mul3A_178 = arith.constant 128 : i32
      %mul3A_179 = arith.muli %while3A_59, %mul3A_178 : i32
      %add3A_180 = arith.constant 80 : i32
      %add3A_181 = arith.addi %mul3A_179, %add3A_180 : i32
      %get3A_182 = arith.constant 0 : i32
      %get3A_183 = arith.index_cast %get3A_182 : i32 to index
      %get3A_184 = arith.index_cast %add3A_181 : i32 to index
      %get3A_185 = tpu.vector_load %arg8[%get3A_183, %get3A_184] {strides = array<i32>} : memref<2x10240xi32, #tpu.memory_space<vmem>>, vector<1x16xi32>,
      %get3A_186 = vector.shape_cast %get3A_185 : vector<1x16xi32> to vector<16xi32>
      %swap3A_187 = arith.index_cast %while3A_59 : i32 to index
      %swap3A_188 = arith.constant 80 : index
      %swap3A_189 = tpu.vector_load %arg9[%swap3A_187, %swap3A_188] {strides = array<i32>} : memref<80x128xi32, #tpu.memory_space<vmem>>, vector<1x16xi32>,
      %swap3A_190 = vector.shape_cast %swap3A_189 : vector<1x16xi32> to vector<16xi32>
      %swap3A_191 = vector.shape_cast %get3A_186 : vector<16xi32> to vector<1x16xi32>
      tpu.vector_store %arg9[%swap3A_187, %swap3A_188], %swap3A_191 {strides = array<i32>} : memref<80x128xi32, #tpu.memory_space<vmem>>, vector<1x16xi32>,
      %get3A_192 = arith.constant 1 : i32
      %get3A_193 = arith.index_cast %get3A_192 : i32 to index
      %get3A_194 = arith.index_cast %add3A_181 : i32 to index
      %get3A_195 = tpu.vector_load %arg8[%get3A_193, %get3A_194] {strides = array<i32>} : memref<2x10240xi32, #tpu.memory_space<vmem>>, vector<1x16xi32>,
      %get3A_196 = vector.shape_cast %get3A_195 : vector<1x16xi32> to vector<16xi32>
      %swap3A_197 = arith.index_cast %while3A_59 : i32 to index
      %swap3A_198 = arith.constant 80 : index
      %swap3A_199 = tpu.vector_load %arg10[%swap3A_197, %swap3A_198] {strides = array<i32>} : memref<80x128xi32, #tpu.memory_space<vmem>>, vector<1x16xi32>,
      %swap3A_200 = vector.shape_cast %swap3A_199 : vector<1x16xi32> to vector<16xi32>
      %swap3A_201 = vector.shape_cast %get3A_196 : vector<16xi32> to vector<1x16xi32>
      tpu.vector_store %arg10[%swap3A_197, %swap3A_198], %swap3A_201 {strides = array<i32>} : memref<80x128xi32, #tpu.memory_space<vmem>>, vector<1x16xi32>,
      %mul3A_202 = arith.constant 128 : i32
      %mul3A_203 = arith.muli %while3A_59, %mul3A_202 : i32
      %add3A_204 = arith.constant 96 : i32
      %add3A_205 = arith.addi %mul3A_203, %add3A_204 : i32
      %get3A_206 = arith.constant 0 : i32
      %get3A_207 = arith.index_cast %get3A_206 : i32 to index
      %get3A_208 = arith.index_cast %add3A_205 : i32 to index
      %get3A_209 = tpu.vector_load %arg8[%get3A_207, %get3A_208] {strides = array<i32>} : memref<2x10240xi32, #tpu.memory_space<vmem>>, vector<1x16xi32>,
      %get3A_210 = vector.shape_cast %get3A_209 : vector<1x16xi32> to vector<16xi32>
      %swap3A_211 = arith.index_cast %while3A_59 : i32 to index
      %swap3A_212 = arith.constant 96 : index
      %swap3A_213 = tpu.vector_load %arg9[%swap3A_211, %swap3A_212] {strides = array<i32>} : memref<80x128xi32, #tpu.memory_space<vmem>>, vector<1x16xi32>,
      %swap3A_214 = vector.shape_cast %swap3A_213 : vector<1x16xi32> to vector<16xi32>
      %swap3A_215 = vector.shape_cast %get3A_210 : vector<16xi32> to vector<1x16xi32>
      tpu.vector_store %arg9[%swap3A_211, %swap3A_212], %swap3A_215 {strides = array<i32>} : memref<80x128xi32, #tpu.memory_space<vmem>>, vector<1x16xi32>,
      %get3A_216 = arith.constant 1 : i32
      %get3A_217 = arith.index_cast %get3A_216 : i32 to index
      %get3A_218 = arith.index_cast %add3A_205 : i32 to index
      %get3A_219 = tpu.vector_load %arg8[%get3A_217, %get3A_218] {strides = array<i32>} : memref<2x10240xi32, #tpu.memory_space<vmem>>, vector<1x16xi32>,
      %get3A_220 = vector.shape_cast %get3A_219 : vector<1x16xi32> to vector<16xi32>
      %swap3A_221 = arith.index_cast %while3A_59 : i32 to index
      %swap3A_222 = arith.constant 96 : index
      %swap3A_223 = tpu.vector_load %arg10[%swap3A_221, %swap3A_222] {strides = array<i32>} : memref<80x128xi32, #tpu.memory_space<vmem>>, vector<1x16xi32>,
      %swap3A_224 = vector.shape_cast %swap3A_223 : vector<1x16xi32> to vector<16xi32>
      %swap3A_225 = vector.shape_cast %get3A_220 : vector<16xi32> to vector<1x16xi32>
      tpu.vector_store %arg10[%swap3A_221, %swap3A_222], %swap3A_225 {strides = array<i32>} : memref<80x128xi32, #tpu.memory_space<vmem>>, vector<1x16xi32>,
      %mul3A_226 = arith.constant 128 : i32
      %mul3A_227 = arith.muli %while3A_59, %mul3A_226 : i32
      %add3A_228 = arith.constant 112 : i32
      %add3A_229 = arith.addi %mul3A_227, %add3A_228 : i32
      %get3A_230 = arith.constant 0 : i32
      %get3A_231 = arith.index_cast %get3A_230 : i32 to index
      %get3A_232 = arith.index_cast %add3A_229 : i32 to index
      %get3A_233 = tpu.vector_load %arg8[%get3A_231, %get3A_232] {strides = array<i32>} : memref<2x10240xi32, #tpu.memory_space<vmem>>, vector<1x16xi32>,
      %get3A_234 = vector.shape_cast %get3A_233 : vector<1x16xi32> to vector<16xi32>
      %swap3A_235 = arith.index_cast %while3A_59 : i32 to index
      %swap3A_236 = arith.constant 112 : index
      %swap3A_237 = tpu.vector_load %arg9[%swap3A_235, %swap3A_236] {strides = array<i32>} : memref<80x128xi32, #tpu.memory_space<vmem>>, vector<1x16xi32>,
      %swap3A_238 = vector.shape_cast %swap3A_237 : vector<1x16xi32> to vector<16xi32>
      %swap3A_239 = vector.shape_cast %get3A_234 : vector<16xi32> to vector<1x16xi32>
      tpu.vector_store %arg9[%swap3A_235, %swap3A_236], %swap3A_239 {strides = array<i32>} : memref<80x128xi32, #tpu.memory_space<vmem>>, vector<1x16xi32>,
      %get3A_240 = arith.constant 1 : i32
      %get3A_241 = arith.index_cast %get3A_240 : i32 to index
      %get3A_242 = arith.index_cast %add3A_229 : i32 to index
      %get3A_243 = tpu.vector_load %arg8[%get3A_241, %get3A_242] {strides = array<i32>} : memref<2x10240xi32, #tpu.memory_space<vmem>>, vector<1x16xi32>,
      %get3A_244 = vector.shape_cast %get3A_243 : vector<1x16xi32> to vector<16xi32>
      %swap3A_245 = arith.index_cast %while3A_59 : i32 to index
      %swap3A_246 = arith.constant 112 : index
      %swap3A_247 = tpu.vector_load %arg10[%swap3A_245, %swap3A_246] {strides = array<i32>} : memref<80x128xi32, #tpu.memory_space<vmem>>, vector<1x16xi32>,
      %swap3A_248 = vector.shape_cast %swap3A_247 : vector<1x16xi32> to vector<16xi32>
      %swap3A_249 = vector.shape_cast %get3A_244 : vector<16xi32> to vector<1x16xi32>
      tpu.vector_store %arg10[%swap3A_245, %swap3A_246], %swap3A_249 {strides = array<i32>} : memref<80x128xi32, #tpu.memory_space<vmem>>, vector<1x16xi32>,
    }
    %not3A_21 = arith.constant true
    %not3A_22 = arith.xori %eq3A_1, %not3A_21 : i1
    %convert_element_type3A_23 = arith.extui %not3A_22 : i1 to i32
    %cond3A_24 = arith.constant 0 : i32
    %cond3A_25 = arith.cmpi ne, %convert_element_type3A_23, %cond3A_24 : i32
    scf.if %cond3A_25 {
      %dma_start3A = arith.constant 0 : i32
      %dma_start3A_59 = arith.constant 0 : i32
      %dma_start3A_60 = tpu.memref_slice %arg9[%dma_start3A, %dma_start3A_59] : memref<80x128xi32, #tpu.memory_space<vmem>> -> memref<80x128xi32, #tpu.memory_space<vmem>>
      %dma_start3A_61 = arith.constant 0 : i32
      %dma_start3A_62 = tpu.memref_slice %arg6[%mul3A_4, %dma_start3A_61] : memref<2512x128xi32, #tpu.memory_space<hbm>> -> memref<80x128xi32, #tpu.memory_space<hbm>>
      %dma_start3A_63 = arith.constant 0 : i32
      %dma_start3A_64 = tpu.memref_slice %arg6[%mul3A_4, %dma_start3A_63] : memref<2512x128xi32, #tpu.memory_space<hbm>> -> memref<80x128xi32, #tpu.memory_space<hbm>>
      %dma_start3A_65 = arith.constant 0 : i32
      %dma_start3A_66 = arith.constant 0 : i32
      %dma_start3A_67 = tpu.memref_slice %arg9[%dma_start3A_65, %dma_start3A_66] : memref<80x128xi32, #tpu.memory_space<vmem>> -> memref<80x128xi32, #tpu.memory_space<vmem>>
      tpu.enqueue_dma source(%dma_start3A_67 : memref<80x128xi32, #tpu.memory_space<vmem>>) target(%dma_start3A_64 : memref<80x128xi32, #tpu.memory_space<hbm>>) target_semaphore(%arg14 : memref<!tpu.dma_semaphore, #tpu.memory_space<semaphore_mem>>)
      %dma_start3A_68 = arith.constant 0 : i32
      %dma_start3A_69 = arith.constant 0 : i32
      %dma_start3A_70 = tpu.memref_slice %arg10[%dma_start3A_68, %dma_start3A_69] : memref<80x128xi32, #tpu.memory_space<vmem>> -> memref<80x128xi32, #tpu.memory_space<vmem>>
      %dma_start3A_71 = arith.constant 0 : i32
      %dma_start3A_72 = tpu.memref_slice %arg7[%mul3A_4, %dma_start3A_71] : memref<2512x128xi32, #tpu.memory_space<hbm>> -> memref<80x128xi32, #tpu.memory_space<hbm>>
      %dma_start3A_73 = arith.constant 0 : i32
      %dma_start3A_74 = tpu.memref_slice %arg7[%mul3A_4, %dma_start3A_73] : memref<2512x128xi32, #tpu.memory_space<hbm>> -> memref<80x128xi32, #tpu.memory_space<hbm>>
      %dma_start3A_75 = arith.constant 0 : i32
      %dma_start3A_76 = arith.constant 0 : i32
      %dma_start3A_77 = tpu.memref_slice %arg10[%dma_start3A_75, %dma_start3A_76] : memref<80x128xi32, #tpu.memory_space<vmem>> -> memref<80x128xi32, #tpu.memory_space<vmem>>
      tpu.enqueue_dma source(%dma_start3A_77 : memref<80x128xi32, #tpu.memory_space<vmem>>) target(%dma_start3A_74 : memref<80x128xi32, #tpu.memory_space<hbm>>) target_semaphore(%arg14 : memref<!tpu.dma_semaphore, #tpu.memory_space<semaphore_mem>>)
    } else {
    }
    %convert_element_type3A_26 = arith.extui %eq3A_1 : i1 to i32
    %cond3A_27 = arith.constant 0 : i32
    %cond3A_28 = arith.cmpi ne, %convert_element_type3A_26, %cond3A_27 : i32
    scf.if %cond3A_28 {
      %dma_start3A = arith.constant 0 : i32
      %dma_start3A_59 = arith.constant 0 : i32
      %dma_start3A_60 = tpu.memref_slice %arg9[%dma_start3A, %dma_start3A_59] : memref<80x128xi32, #tpu.memory_space<vmem>> -> memref<24x128xi32, #tpu.memory_space<vmem>>
      %dma_start3A_61 = arith.constant 0 : i32
      %dma_start3A_62 = tpu.memref_slice %arg6[%mul3A_4, %dma_start3A_61] : memref<2512x128xi32, #tpu.memory_space<hbm>> -> memref<24x128xi32, #tpu.memory_space<hbm>>
      %dma_start3A_63 = arith.constant 0 : i32
      %dma_start3A_64 = tpu.memref_slice %arg6[%mul3A_4, %dma_start3A_63] : memref<2512x128xi32, #tpu.memory_space<hbm>> -> memref<24x128xi32, #tpu.memory_space<hbm>>
      %dma_start3A_65 = arith.constant 0 : i32
      %dma_start3A_66 = arith.constant 0 : i32
      %dma_start3A_67 = tpu.memref_slice %arg9[%dma_start3A_65, %dma_start3A_66] : memref<80x128xi32, #tpu.memory_space<vmem>> -> memref<24x128xi32, #tpu.memory_space<vmem>>
      tpu.enqueue_dma source(%dma_start3A_67 : memref<24x128xi32, #tpu.memory_space<vmem>>) target(%dma_start3A_64 : memref<24x128xi32, #tpu.memory_space<hbm>>) target_semaphore(%arg14 : memref<!tpu.dma_semaphore, #tpu.memory_space<semaphore_mem>>)
      %dma_start3A_68 = arith.constant 0 : i32
      %dma_start3A_69 = arith.constant 0 : i32
      %dma_start3A_70 = tpu.memref_slice %arg10[%dma_start3A_68, %dma_start3A_69] : memref<80x128xi32, #tpu.memory_space<vmem>> -> memref<24x128xi32, #tpu.memory_space<vmem>>
      %dma_start3A_71 = arith.constant 0 : i32
      %dma_start3A_72 = tpu.memref_slice %arg7[%mul3A_4, %dma_start3A_71] : memref<2512x128xi32, #tpu.memory_space<hbm>> -> memref<24x128xi32, #tpu.memory_space<hbm>>
      %dma_start3A_73 = arith.constant 0 : i32
      %dma_start3A_74 = tpu.memref_slice %arg7[%mul3A_4, %dma_start3A_73] : memref<2512x128xi32, #tpu.memory_space<hbm>> -> memref<24x128xi32, #tpu.memory_space<hbm>>
      %dma_start3A_75 = arith.constant 0 : i32
      %dma_start3A_76 = arith.constant 0 : i32
      %dma_start3A_77 = tpu.memref_slice %arg10[%dma_start3A_75, %dma_start3A_76] : memref<80x128xi32, #tpu.memory_space<vmem>> -> memref<24x128xi32, #tpu.memory_space<vmem>>
      tpu.enqueue_dma source(%dma_start3A_77 : memref<24x128xi32, #tpu.memory_space<vmem>>) target(%dma_start3A_74 : memref<24x128xi32, #tpu.memory_space<hbm>>) target_semaphore(%arg14 : memref<!tpu.dma_semaphore, #tpu.memory_space<semaphore_mem>>)
    } else {
    }
    %while3A_29 = arith.constant 0 : i32
    %while3A_30 = arith.constant 0 : i32
    %while3A_31 = arith.subi %select_n3A, %while3A_30 : i32
    %while3A_32 = arith.addi %while3A_30, %while3A_31 : i32
    %while3A_33 = arith.constant 1 : i32
    %while3A_34 = arith.divsi %while3A_31, %while3A_33 : i32
    %while3A_35 = arith.muli %while3A_34, %while3A_33 : i32
    %while3A_36 = arith.addi %while3A_30, %while3A_35 : i32
    %while3A_37 = arith.constant 1 : i32
    scf.for %while3A_59 = %while3A_30 to %while3A_36 step %while3A_37  : i32 {
      %dma_start3A = arith.constant 0 : i32
      %dma_start3A_60 = tpu.memref_slice %arg10[%while3A_59, %dma_start3A] : memref<80x128xi32, #tpu.memory_space<vmem>> -> memref<1x128xi32, #tpu.memory_space<vmem>>
      %dma_start3A_61 = tpu.memref_squeeze %dma_start3A_60 : memref<1x128xi32, #tpu.memory_space<vmem>> -> memref<128xi32, #tpu.memory_space<vmem>>
      %dma_start3A_62 = arith.constant 0 : i32
      %dma_start3A_63 = tpu.memref_slice %arg15[%dma_start3A_62] : memref<10112xf32, #tpu.memory_space<vmem_shared>> -> memref<10112xf32, #tpu.memory_space<vmem_shared>>
      tpu.enqueue_indirect_dma source(%arg11 : memref<128xf32, #tpu.memory_space<vmem>>) target(%dma_start3A_63 : memref<10112xf32, #tpu.memory_space<vmem_shared>>) offsets(%dma_start3A_61 : memref<128xi32, #tpu.memory_space<vmem>>) semaphore(%arg13 : memref<!tpu.dma_semaphore, #tpu.memory_space<semaphore_mem>>) {add = true}
      %ge3A = arith.constant 1 : i32
      %ge3A_64 = arith.cmpi sge, %while3A_59, %ge3A : i32
      %convert_element_type3A_65 = arith.extui %ge3A_64 : i1 to i32
      %cond3A_66 = arith.constant 0 : i32
      %cond3A_67 = arith.cmpi ne, %convert_element_type3A_65, %cond3A_66 : i32
      scf.if %cond3A_67 {
        %sub3A_68 = arith.constant 1 : i32
        %sub3A_69 = arith.subi %while3A_59, %sub3A_68 : i32
        %dma_wait3A_70 = arith.constant 0 : i32
        %dma_wait3A_71 = tpu.memref_slice %arg10[%sub3A_69, %dma_wait3A_70] : memref<80x128xi32, #tpu.memory_space<vmem>> -> memref<1x128xi32, #tpu.memory_space<vmem>>
        %dma_wait3A_72 = tpu.memref_squeeze %dma_wait3A_71 : memref<1x128xi32, #tpu.memory_space<vmem>> -> memref<128xi32, #tpu.memory_space<vmem>>
        %dma_wait3A_73 = arith.constant 0 : i32
        %dma_wait3A_74 = tpu.memref_slice %arg15[%dma_wait3A_73] : memref<10112xf32, #tpu.memory_space<vmem_shared>> -> memref<10112xf32, #tpu.memory_space<vmem_shared>>
        tpu.wait_indirect_dma semaphore(%arg13 : memref<!tpu.dma_semaphore, #tpu.memory_space<semaphore_mem>>) src(%arg11 : memref<128xf32, #tpu.memory_space<vmem>>) dst(%dma_wait3A_74 : memref<10112xf32, #tpu.memory_space<vmem_shared>>)
      } else {
      }
    }
    %while3A_38 = arith.constant 1 : i32
    scf.for %while3A_59 = %while3A_36 to %while3A_32 step %while3A_38  : i32 {
      %dma_start3A = arith.constant 0 : i32
      %dma_start3A_60 = tpu.memref_slice %arg10[%while3A_59, %dma_start3A] : memref<80x128xi32, #tpu.memory_space<vmem>> -> memref<1x128xi32, #tpu.memory_space<vmem>>
      %dma_start3A_61 = tpu.memref_squeeze %dma_start3A_60 : memref<1x128xi32, #tpu.memory_space<vmem>> -> memref<128xi32, #tpu.memory_space<vmem>>
      %dma_start3A_62 = arith.constant 0 : i32
      %dma_start3A_63 = tpu.memref_slice %arg15[%dma_start3A_62] : memref<10112xf32, #tpu.memory_space<vmem_shared>> -> memref<10112xf32, #tpu.memory_space<vmem_shared>>
      tpu.enqueue_indirect_dma source(%arg11 : memref<128xf32, #tpu.memory_space<vmem>>) target(%dma_start3A_63 : memref<10112xf32, #tpu.memory_space<vmem_shared>>) offsets(%dma_start3A_61 : memref<128xi32, #tpu.memory_space<vmem>>) semaphore(%arg13 : memref<!tpu.dma_semaphore, #tpu.memory_space<semaphore_mem>>) {add = true}
      %ge3A = arith.constant 1 : i32
      %ge3A_64 = arith.cmpi sge, %while3A_59, %ge3A : i32
      %convert_element_type3A_65 = arith.extui %ge3A_64 : i1 to i32
      %cond3A_66 = arith.constant 0 : i32
      %cond3A_67 = arith.cmpi ne, %convert_element_type3A_65, %cond3A_66 : i32
      scf.if %cond3A_67 {
        %sub3A_68 = arith.constant 1 : i32
        %sub3A_69 = arith.subi %while3A_59, %sub3A_68 : i32
        %dma_wait3A_70 = arith.constant 0 : i32
        %dma_wait3A_71 = tpu.memref_slice %arg10[%sub3A_69, %dma_wait3A_70] : memref<80x128xi32, #tpu.memory_space<vmem>> -> memref<1x128xi32, #tpu.memory_space<vmem>>
        %dma_wait3A_72 = tpu.memref_squeeze %dma_wait3A_71 : memref<1x128xi32, #tpu.memory_space<vmem>> -> memref<128xi32, #tpu.memory_space<vmem>>
        %dma_wait3A_73 = arith.constant 0 : i32
        %dma_wait3A_74 = tpu.memref_slice %arg15[%dma_wait3A_73] : memref<10112xf32, #tpu.memory_space<vmem_shared>> -> memref<10112xf32, #tpu.memory_space<vmem_shared>>
        tpu.wait_indirect_dma semaphore(%arg13 : memref<!tpu.dma_semaphore, #tpu.memory_space<semaphore_mem>>) src(%arg11 : memref<128xf32, #tpu.memory_space<vmem>>) dst(%dma_wait3A_74 : memref<10112xf32, #tpu.memory_space<vmem_shared>>)
      } else {
      }
    }
    %sub3A = arith.constant 1 : i32
    %sub3A_39 = arith.subi %select_n3A, %sub3A : i32
    %dma_wait3A = arith.constant 0 : i32
    %dma_wait3A_40 = tpu.memref_slice %arg10[%sub3A_39, %dma_wait3A] : memref<80x128xi32, #tpu.memory_space<vmem>> -> memref<1x128xi32, #tpu.memory_space<vmem>>
    %dma_wait3A_41 = tpu.memref_squeeze %dma_wait3A_40 : memref<1x128xi32, #tpu.memory_space<vmem>> -> memref<128xi32, #tpu.memory_space<vmem>>
    %dma_wait3A_42 = arith.constant 0 : i32
    %dma_wait3A_43 = tpu.memref_slice %arg15[%dma_wait3A_42] : memref<10112xf32, #tpu.memory_space<vmem_shared>> -> memref<10112xf32, #tpu.memory_space<vmem_shared>>
    tpu.wait_indirect_dma semaphore(%arg13 : memref<!tpu.dma_semaphore, #tpu.memory_space<semaphore_mem>>) src(%arg11 : memref<128xf32, #tpu.memory_space<vmem>>) dst(%dma_wait3A_43 : memref<10112xf32, #tpu.memory_space<vmem_shared>>)
    %not3A_44 = arith.constant true
    %not3A_45 = arith.xori %eq3A_1, %not3A_44 : i1
    %convert_element_type3A_46 = arith.extui %not3A_45 : i1 to i32
    %cond3A_47 = arith.constant 0 : i32
    %cond3A_48 = arith.cmpi ne, %convert_element_type3A_46, %cond3A_47 : i32
    scf.if %cond3A_48 {
      %dma_wait3A_59 = arith.constant 0 : i32
      %dma_wait3A_60 = arith.constant 0 : i32
      %dma_wait3A_61 = tpu.memref_slice %arg9[%dma_wait3A_59, %dma_wait3A_60] : memref<80x128xi32, #tpu.memory_space<vmem>> -> memref<80x128xi32, #tpu.memory_space<vmem>>
      %dma_wait3A_62 = arith.constant 0 : i32
      %dma_wait3A_63 = tpu.memref_slice %arg6[%mul3A_4, %dma_wait3A_62] : memref<2512x128xi32, #tpu.memory_space<hbm>> -> memref<80x128xi32, #tpu.memory_space<hbm>>
      %dma_wait3A_64 = arith.constant 0 : i32
      %dma_wait3A_65 = tpu.memref_slice %arg6[%mul3A_4, %dma_wait3A_64] : memref<2512x128xi32, #tpu.memory_space<hbm>> -> memref<80x128xi32, #tpu.memory_space<hbm>>
      %dma_wait3A_66 = arith.constant 0 : i32
      %dma_wait3A_67 = arith.constant 0 : i32
      %dma_wait3A_68 = tpu.memref_slice %arg9[%dma_wait3A_66, %dma_wait3A_67] : memref<80x128xi32, #tpu.memory_space<vmem>> -> memref<80x128xi32, #tpu.memory_space<vmem>>
      tpu.wait_dma2 semaphore(%arg14 : memref<!tpu.dma_semaphore, #tpu.memory_space<semaphore_mem>>) src(%dma_wait3A_68 : memref<80x128xi32, #tpu.memory_space<vmem>>) dst(%dma_wait3A_65 : memref<80x128xi32, #tpu.memory_space<hbm>>)
      %dma_wait3A_69 = arith.constant 0 : i32
      %dma_wait3A_70 = arith.constant 0 : i32
      %dma_wait3A_71 = tpu.memref_slice %arg10[%dma_wait3A_69, %dma_wait3A_70] : memref<80x128xi32, #tpu.memory_space<vmem>> -> memref<80x128xi32, #tpu.memory_space<vmem>>
      %dma_wait3A_72 = arith.constant 0 : i32
      %dma_wait3A_73 = tpu.memref_slice %arg7[%mul3A_4, %dma_wait3A_72] : memref<2512x128xi32, #tpu.memory_space<hbm>> -> memref<80x128xi32, #tpu.memory_space<hbm>>
      %dma_wait3A_74 = arith.constant 0 : i32
      %dma_wait3A_75 = tpu.memref_slice %arg7[%mul3A_4, %dma_wait3A_74] : memref<2512x128xi32, #tpu.memory_space<hbm>> -> memref<80x128xi32, #tpu.memory_space<hbm>>
      %dma_wait3A_76 = arith.constant 0 : i32
      %dma_wait3A_77 = arith.constant 0 : i32
      %dma_wait3A_78 = tpu.memref_slice %arg10[%dma_wait3A_76, %dma_wait3A_77] : memref<80x128xi32, #tpu.memory_space<vmem>> -> memref<80x128xi32, #tpu.memory_space<vmem>>
      tpu.wait_dma2 semaphore(%arg14 : memref<!tpu.dma_semaphore, #tpu.memory_space<semaphore_mem>>) src(%dma_wait3A_78 : memref<80x128xi32, #tpu.memory_space<vmem>>) dst(%dma_wait3A_75 : memref<80x128xi32, #tpu.memory_space<hbm>>)
    } else {
    }
    %convert_element_type3A_49 = arith.extui %eq3A_1 : i1 to i32
    %cond3A_50 = arith.constant 0 : i32
    %cond3A_51 = arith.cmpi ne, %convert_element_type3A_49, %cond3A_50 : i32
    scf.if %cond3A_51 {
      %dma_wait3A_59 = arith.constant 0 : i32
      %dma_wait3A_60 = arith.constant 0 : i32
      %dma_wait3A_61 = tpu.memref_slice %arg9[%dma_wait3A_59, %dma_wait3A_60] : memref<80x128xi32, #tpu.memory_space<vmem>> -> memref<24x128xi32, #tpu.memory_space<vmem>>
      %dma_wait3A_62 = arith.constant 0 : i32
      %dma_wait3A_63 = tpu.memref_slice %arg6[%mul3A_4, %dma_wait3A_62] : memref<2512x128xi32, #tpu.memory_space<hbm>> -> memref<24x128xi32, #tpu.memory_space<hbm>>
      %dma_wait3A_64 = arith.constant 0 : i32
      %dma_wait3A_65 = tpu.memref_slice %arg6[%mul3A_4, %dma_wait3A_64] : memref<2512x128xi32, #tpu.memory_space<hbm>> -> memref<24x128xi32, #tpu.memory_space<hbm>>
      %dma_wait3A_66 = arith.constant 0 : i32
      %dma_wait3A_67 = arith.constant 0 : i32
      %dma_wait3A_68 = tpu.memref_slice %arg9[%dma_wait3A_66, %dma_wait3A_67] : memref<80x128xi32, #tpu.memory_space<vmem>> -> memref<24x128xi32, #tpu.memory_space<vmem>>
      tpu.wait_dma2 semaphore(%arg14 : memref<!tpu.dma_semaphore, #tpu.memory_space<semaphore_mem>>) src(%dma_wait3A_68 : memref<24x128xi32, #tpu.memory_space<vmem>>) dst(%dma_wait3A_65 : memref<24x128xi32, #tpu.memory_space<hbm>>)
      %dma_wait3A_69 = arith.constant 0 : i32
      %dma_wait3A_70 = arith.constant 0 : i32
      %dma_wait3A_71 = tpu.memref_slice %arg10[%dma_wait3A_69, %dma_wait3A_70] : memref<80x128xi32, #tpu.memory_space<vmem>> -> memref<24x128xi32, #tpu.memory_space<vmem>>
      %dma_wait3A_72 = arith.constant 0 : i32
      %dma_wait3A_73 = tpu.memref_slice %arg7[%mul3A_4, %dma_wait3A_72] : memref<2512x128xi32, #tpu.memory_space<hbm>> -> memref<24x128xi32, #tpu.memory_space<hbm>>
      %dma_wait3A_74 = arith.constant 0 : i32
      %dma_wait3A_75 = tpu.memref_slice %arg7[%mul3A_4, %dma_wait3A_74] : memref<2512x128xi32, #tpu.memory_space<hbm>> -> memref<24x128xi32, #tpu.memory_space<hbm>>
      %dma_wait3A_76 = arith.constant 0 : i32
      %dma_wait3A_77 = arith.constant 0 : i32
      %dma_wait3A_78 = tpu.memref_slice %arg10[%dma_wait3A_76, %dma_wait3A_77] : memref<80x128xi32, #tpu.memory_space<vmem>> -> memref<24x128xi32, #tpu.memory_space<vmem>>
      tpu.wait_dma2 semaphore(%arg14 : memref<!tpu.dma_semaphore, #tpu.memory_space<semaphore_mem>>) src(%dma_wait3A_78 : memref<24x128xi32, #tpu.memory_space<vmem>>) dst(%dma_wait3A_75 : memref<24x128xi32, #tpu.memory_space<hbm>>)
    } else {
    }
    %barrier3A = arith.constant 0 : index
    tpu.barrier barrier_id(%barrier3A)
    %mul3A_52 = arith.constant 632 : i32
    %mul3A_53 = arith.muli %arg1, %mul3A_52 : i32
    "tpu.region"() ({
      %run_scoped3A = tpu.sem_alloc : memref<!tpu.dma_semaphore, #tpu.memory_space<semaphore_mem>>
      %dma_start3A = tpu.memref_slice %arg15[%mul3A_53] : memref<10112xf32, #tpu.memory_space<vmem_shared>> -> memref<632xf32, #tpu.memory_space<vmem_shared>>
      %dma_start3A_59 = tpu.memref_slice %arg15[%mul3A_53] : memref<10112xf32, #tpu.memory_space<vmem_shared>> -> memref<632xf32, #tpu.memory_space<vmem_shared>>
      tpu.enqueue_dma source(%dma_start3A_59 : memref<632xf32, #tpu.memory_space<vmem_shared>>) target(%arg12 : memref<632xf32, #tpu.memory_space<vmem>>) target_semaphore(%run_scoped3A : memref<!tpu.dma_semaphore, #tpu.memory_space<semaphore_mem>>)
      %dma_wait3A_60 = tpu.memref_slice %arg15[%mul3A_53] : memref<10112xf32, #tpu.memory_space<vmem_shared>> -> memref<632xf32, #tpu.memory_space<vmem_shared>>
      %dma_wait3A_61 = tpu.memref_slice %arg15[%mul3A_53] : memref<10112xf32, #tpu.memory_space<vmem_shared>> -> memref<632xf32, #tpu.memory_space<vmem_shared>>
      tpu.wait_dma2 semaphore(%run_scoped3A : memref<!tpu.dma_semaphore, #tpu.memory_space<semaphore_mem>>) src(%dma_wait3A_61 : memref<632xf32, #tpu.memory_space<vmem_shared>>) dst(%arg12 : memref<632xf32, #tpu.memory_space<vmem>>)
      tpu.yield
    }) : () -> ()
    %mul3A_54 = arith.constant 10112 : i32
    %mul3A_55 = arith.muli %arg0, %mul3A_54 : i32
    %mul3A_56 = arith.constant 632 : i32
    %mul3A_57 = arith.muli %arg1, %mul3A_56 : i32
    %add3A_58 = arith.addi %mul3A_55, %mul3A_57 : i32
    "tpu.region"() ({
      %run_scoped3A = tpu.sem_alloc : memref<!tpu.dma_semaphore, #tpu.memory_space<semaphore_mem>>
      %dma_start3A = tpu.memref_slice %arg5[%add3A_58] : memref<20224xf32, #tpu.memory_space<hbm>> -> memref<632xf32, #tpu.memory_space<hbm>>
      %dma_start3A_59 = tpu.memref_slice %arg5[%add3A_58] : memref<20224xf32, #tpu.memory_space<hbm>> -> memref<632xf32, #tpu.memory_space<hbm>>
      tpu.enqueue_dma source(%arg12 : memref<632xf32, #tpu.memory_space<vmem>>) target(%dma_start3A_59 : memref<632xf32, #tpu.memory_space<hbm>>) target_semaphore(%run_scoped3A : memref<!tpu.dma_semaphore, #tpu.memory_space<semaphore_mem>>)
      %dma_wait3A_60 = tpu.memref_slice %arg5[%add3A_58] : memref<20224xf32, #tpu.memory_space<hbm>> -> memref<632xf32, #tpu.memory_space<hbm>>
      %dma_wait3A_61 = tpu.memref_slice %arg5[%add3A_58] : memref<20224xf32, #tpu.memory_space<hbm>> -> memref<632xf32, #tpu.memory_space<hbm>>
      tpu.wait_dma2 semaphore(%run_scoped3A : memref<!tpu.dma_semaphore, #tpu.memory_space<semaphore_mem>>) src(%arg12 : memref<632xf32, #tpu.memory_space<vmem>>) dst(%dma_wait3A_61 : memref<632xf32, #tpu.memory_space<hbm>>)
      tpu.yield
    }) : () -> ()
    return
  }
}

module attributes {stable_mosaic.version = 14 : i64} {
  func.func @_mm_body(%arg0: i32, %arg1: memref<1024x128xf32, #tpu.memory_space<vmem>>, %arg2: memref<128x128xf32, #tpu.memory_space<vmem>>, %arg3: memref<1024x128xf32, #tpu.memory_space<vmem>>) attributes {dimension_semantics = [#tpu.dimension_semantics<arbitrary>], iteration_bounds = array<i64: 10>, scalar_prefetch = 0 : i64, scratch_operands = 0 : i64, tpu.core_type = #tpu.core_type<tc>, window_params = [{transform_indices = @transform_0, window_bounds = array<i64: 1024, 128>}, {pipeline_mode = #tpu.pipeline_mode<synchronous>, transform_indices = @transform_1, window_bounds = array<i64: 128, 128>}, {transform_indices = @transform_2, window_bounds = array<i64: 1024, 128>}]} {
    %get3A = arith.constant 0 : index
    %get3A_0 = arith.constant 0 : index
    %get3A_1 = vector.load %arg1[%get3A, %get3A_0] : memref<1024x128xf32, #tpu.memory_space<vmem>>, vector<1024x128xf32>
    %get3A_2 = arith.constant 0 : index
    %get3A_3 = arith.constant 0 : index
    %get3A_4 = vector.load %arg2[%get3A_2, %get3A_3] : memref<128x128xf32, #tpu.memory_space<vmem>>, vector<128x128xf32>
    %dot_general3A = arith.constant dense<0.000000e+00> : vector<1024x128xf32>
    %dot_general3A_5 = tpu.matmul %get3A_1, %get3A_4, %dot_general3A {dimension_numbers = #tpu.dot_dimension_numbers<[1], [0], [0], [1], [0, 0, 1, 1], [], []>, transpose_lhs_hint = false} : vector<1024x128xf32>, vector<128x128xf32>, vector<1024x128xf32> -> vector<1024x128xf32>
    %swap3A = arith.constant 0 : index
    %swap3A_6 = arith.constant 0 : index
    %swap3A_7 = vector.load %arg3[%swap3A, %swap3A_6] : memref<1024x128xf32, #tpu.memory_space<vmem>>, vector<1024x128xf32>
    tpu.vector_store %arg3[%swap3A, %swap3A_6], %dot_general3A_5 {strides = array<i32>} : memref<1024x128xf32, #tpu.memory_space<vmem>>, vector<1024x128xf32>,
    return
  }
  func.func @transform_0(%arg0: i32) -> (i32, i32) {
    %c0_i32 = arith.constant 0 : i32
    %c0_i32_0 = arith.constant 0 : i32
    return %arg0, %c0_i32 : i32, i32
  }
  func.func @transform_1(%arg0: i32) -> (i32, i32) {
    %c0_i32 = arith.constant 0 : i32
    %c0_i32_0 = arith.constant 0 : i32
    %c0_i32_1 = arith.constant 0 : i32
    return %c0_i32, %c0_i32_0 : i32, i32
  }
  func.func @transform_2(%arg0: i32) -> (i32, i32) {
    %c0_i32 = arith.constant 0 : i32
    %c0_i32_0 = arith.constant 0 : i32
    return %arg0, %c0_i32 : i32, i32
  }
}

module attributes {stable_mosaic.version = 14 : i64} {
  func.func @_tc1_body(%arg0: i32, %arg1: memref<1024x128xf32, #tpu.memory_space<vmem>>, %arg2: memref<2x1024xf32, #tpu.memory_space<vmem>>, %arg3: memref<1024x64xf32, #tpu.memory_space<vmem>>, %arg4: memref<1024x64xf32, #tpu.memory_space<vmem>>, %arg5: memref<1024x1xf32, #tpu.memory_space<vmem>>) attributes {dimension_semantics = [#tpu.dimension_semantics<arbitrary>], iteration_bounds = array<i64: 10>, scalar_prefetch = 0 : i64, scratch_operands = 0 : i64, tpu.core_type = #tpu.core_type<tc>, window_params = [{transform_indices = @transform_0, window_bounds = array<i64: 1024, 128>}, {transform_indices = @transform_1, window_bounds = array<i64: 2, 1024>}, {transform_indices = @transform_2, window_bounds = array<i64: 1024, 64>}, {transform_indices = @transform_3, window_bounds = array<i64: 1024, 64>}, {transform_indices = @transform_4, window_bounds = array<i64: 1024, 1>}]} {
    %get3A = arith.constant 0 : index
    %get3A_0 = arith.constant 0 : index
    %get3A_1 = vector.load %arg2[%get3A, %get3A_0] : memref<2x1024xf32, #tpu.memory_space<vmem>>, vector<1x1024xf32>
    %get3A_2 = vector.shape_cast %get3A_1 : vector<1x1024xf32> to vector<1024xf32>
    %get3A_3 = arith.constant 1 : index
    %get3A_4 = arith.constant 0 : index
    %get3A_5 = vector.load %arg2[%get3A_3, %get3A_4] : memref<2x1024xf32, #tpu.memory_space<vmem>>, vector<1x1024xf32>
    %get3A_6 = vector.shape_cast %get3A_5 : vector<1x1024xf32> to vector<1024xf32>
    %add3A = arith.addf %get3A_2, %get3A_6 : vector<1024xf32>
    %add3A_7 = arith.constant 1.000000e+00 : f32
    %add3A_8 = vector.broadcast %add3A_7 : f32 to vector<1024xf32>
    %add3A_9 = arith.addf %add3A, %add3A_8 : vector<1024xf32>
    %rsqrt3A = math.rsqrt %add3A_9 : vector<1024xf32>
    %get3A_10 = arith.constant 0 : index
    %get3A_11 = arith.constant 0 : index
    %get3A_12 = vector.load %arg1[%get3A_10, %get3A_11] : memref<1024x128xf32, #tpu.memory_space<vmem>>, vector<1024x128xf32>
    %broadcast_in_dim3A = vector.shape_cast %rsqrt3A : vector<1024xf32> to vector<1024x1xf32>
    %mul3A = vector.broadcast %broadcast_in_dim3A : vector<1024x1xf32> to vector<1024x128xf32>
    %mul3A_13 = arith.mulf %get3A_12, %mul3A : vector<1024x128xf32>
    %slice3A = vector.extract_strided_slice %mul3A_13 {offsets = [0, 0], sizes = [1024, 64], strides = [1, 1]} : vector<1024x128xf32> to vector<1024x64xf32>
    %swap3A = arith.constant 0 : index
    %swap3A_14 = arith.constant 0 : index
    %swap3A_15 = vector.load %arg3[%swap3A, %swap3A_14] : memref<1024x64xf32, #tpu.memory_space<vmem>>, vector<1024x64xf32>
    tpu.vector_store %arg3[%swap3A, %swap3A_14], %slice3A {strides = array<i32>} : memref<1024x64xf32, #tpu.memory_space<vmem>>, vector<1024x64xf32>,
    %slice3A_16 = vector.extract_strided_slice %mul3A_13 {offsets = [0, 64], sizes = [1024, 64], strides = [1, 1]} : vector<1024x128xf32> to vector<1024x64xf32>
    %swap3A_17 = arith.constant 0 : index
    %swap3A_18 = arith.constant 0 : index
    %swap3A_19 = vector.load %arg4[%swap3A_17, %swap3A_18] : memref<1024x64xf32, #tpu.memory_space<vmem>>, vector<1024x64xf32>
    tpu.vector_store %arg4[%swap3A_17, %swap3A_18], %slice3A_16 {strides = array<i32>} : memref<1024x64xf32, #tpu.memory_space<vmem>>, vector<1024x64xf32>,
    %broadcast_in_dim3A_20 = vector.shape_cast %rsqrt3A : vector<1024xf32> to vector<1024x1xf32>
    %swap3A_21 = arith.constant 0 : index
    %swap3A_22 = arith.constant 0 : index
    %swap3A_23 = vector.load %arg5[%swap3A_21, %swap3A_22] : memref<1024x1xf32, #tpu.memory_space<vmem>>, vector<1024x1xf32>
    tpu.vector_store %arg5[%swap3A_21, %swap3A_22], %broadcast_in_dim3A_20 {strides = array<i32>} : memref<1024x1xf32, #tpu.memory_space<vmem>>, vector<1024x1xf32>,
    return
  }
  func.func @transform_0(%arg0: i32) -> (i32, i32) {
    %c0_i32 = arith.constant 0 : i32
    %c0_i32_0 = arith.constant 0 : i32
    return %arg0, %c0_i32 : i32, i32
  }
  func.func @transform_1(%arg0: i32) -> (i32, i32) {
    %c0_i32 = arith.constant 0 : i32
    %c0_i32_0 = arith.constant 0 : i32
    return %c0_i32, %arg0 : i32, i32
  }
  func.func @transform_2(%arg0: i32) -> (i32, i32) {
    %c0_i32 = arith.constant 0 : i32
    %c0_i32_0 = arith.constant 0 : i32
    return %arg0, %c0_i32 : i32, i32
  }
  func.func @transform_3(%arg0: i32) -> (i32, i32) {
    %c0_i32 = arith.constant 0 : i32
    %c0_i32_0 = arith.constant 0 : i32
    return %arg0, %c0_i32 : i32, i32
  }
  func.func @transform_4(%arg0: i32) -> (i32, i32) {
    %c0_i32 = arith.constant 0 : i32
    %c0_i32_0 = arith.constant 0 : i32
    return %arg0, %c0_i32 : i32, i32
  }
}

module attributes {stable_mosaic.version = 14 : i64} {
  func.func @_tc2_body(%arg0: i32, %arg1: memref<2x1024x64xf32, #tpu.memory_space<vmem>>, %arg2: memref<1024x64xf32, #tpu.memory_space<vmem>>, %arg3: memref<1024x64xf32, #tpu.memory_space<vmem>>, %arg4: memref<1024x1xf32, #tpu.memory_space<vmem>>, %arg5: memref<1024xi32, #tpu.memory_space<vmem>>, %arg6: memref<1x128xf32, #tpu.memory_space<vmem>>, %arg7: memref<128x128xf32, #tpu.memory_space<vmem>>, %arg8: memref<1x128xf32, #tpu.memory_space<vmem>>, %arg9: memref<128x128xf32, #tpu.memory_space<vmem>>, %arg10: memref<1x128xf32, #tpu.memory_space<vmem>>, %arg11: memref<1x128xf32, #tpu.memory_space<vmem>>, %arg12: memref<1x1xf32, #tpu.memory_space<vmem>>, %arg13: memref<1x128xf32, #tpu.memory_space<vmem>>, %arg14: memref<1x1xf32, #tpu.memory_space<vmem>>, %arg15: memref<1x128xf32, #tpu.memory_space<vmem>>, %arg16: memref<1x1xf32, #tpu.memory_space<vmem>>, %arg17: memref<1024xf32, #tpu.memory_space<vmem>>, %arg18: memref<1024x128xf32, #tpu.memory_space<vmem>>, %arg19: memref<1024xf32, #tpu.memory_space<vmem>>) attributes {dimension_semantics = [#tpu.dimension_semantics<arbitrary>], iteration_bounds = array<i64: 10>, scalar_prefetch = 0 : i64, scratch_operands = 0 : i64, tpu.core_type = #tpu.core_type<tc>, window_params = [{transform_indices = @transform_0, window_bounds = array<i64: 2, 1024, 64>}, {transform_indices = @transform_1, window_bounds = array<i64: 1024, 64>}, {transform_indices = @transform_2, window_bounds = array<i64: 1024, 64>}, {transform_indices = @transform_3, window_bounds = array<i64: 1024, 1>}, {transform_indices = @transform_4, window_bounds = array<i64: 1024>}, {pipeline_mode = #tpu.pipeline_mode<synchronous>, transform_indices = @transform_5, window_bounds = array<i64: 1, 128>}, {pipeline_mode = #tpu.pipeline_mode<synchronous>, transform_indices = @transform_6, window_bounds = array<i64: 128, 128>}, {pipeline_mode = #tpu.pipeline_mode<synchronous>, transform_indices = @transform_7, window_bounds = array<i64: 1, 128>}, {pipeline_mode = #tpu.pipeline_mode<synchronous>, transform_indices = @transform_8, window_bounds = array<i64: 128, 128>}, {pipeline_mode = #tpu.pipeline_mode<synchronous>, transform_indices = @transform_9, window_bounds = array<i64: 1, 128>}, {pipeline_mode = #tpu.pipeline_mode<synchronous>, transform_indices = @transform_10, window_bounds = array<i64: 1, 128>}, {pipeline_mode = #tpu.pipeline_mode<synchronous>, transform_indices = @transform_11, window_bounds = array<i64: 1, 1>}, {pipeline_mode = #tpu.pipeline_mode<synchronous>, transform_indices = @transform_12, window_bounds = array<i64: 1, 128>}, {pipeline_mode = #tpu.pipeline_mode<synchronous>, transform_indices = @transform_13, window_bounds = array<i64: 1, 1>}, {pipeline_mode = #tpu.pipeline_mode<synchronous>, transform_indices = @transform_14, window_bounds = array<i64: 1, 128>}, {pipeline_mode = #tpu.pipeline_mode<synchronous>, transform_indices = @transform_15, window_bounds = array<i64: 1, 1>}, {transform_indices = @transform_16, window_bounds = array<i64: 1024>}, {transform_indices = @transform_17, window_bounds = array<i64: 1024, 128>}, {transform_indices = @transform_18, window_bounds = array<i64: 1024>}]} {
    %get3A = arith.constant 0 : index
    %get3A_0 = arith.constant 0 : index
    %get3A_1 = arith.constant 0 : index
    %get3A_2 = vector.load %arg1[%get3A, %get3A_0, %get3A_1] : memref<2x1024x64xf32, #tpu.memory_space<vmem>>, vector<1x1024x64xf32>
    %get3A_3 = vector.shape_cast %get3A_2 : vector<1x1024x64xf32> to vector<1024x64xf32>
    %get3A_4 = arith.constant 0 : index
    %get3A_5 = arith.constant 0 : index
    %get3A_6 = vector.load %arg2[%get3A_4, %get3A_5] : memref<1024x64xf32, #tpu.memory_space<vmem>>, vector<1024x64xf32>
    %add3A = arith.addf %get3A_3, %get3A_6 : vector<1024x64xf32>
    %get3A_7 = arith.constant 1 : index
    %get3A_8 = arith.constant 0 : index
    %get3A_9 = arith.constant 0 : index
    %get3A_10 = vector.load %arg1[%get3A_7, %get3A_8, %get3A_9] : memref<2x1024x64xf32, #tpu.memory_space<vmem>>, vector<1x1024x64xf32>
    %get3A_11 = vector.shape_cast %get3A_10 : vector<1x1024x64xf32> to vector<1024x64xf32>
    %get3A_12 = arith.constant 0 : index
    %get3A_13 = arith.constant 0 : index
    %get3A_14 = vector.load %arg3[%get3A_12, %get3A_13] : memref<1024x64xf32, #tpu.memory_space<vmem>>, vector<1024x64xf32>
    %add3A_15 = arith.addf %get3A_11, %get3A_14 : vector<1024x64xf32>
    %concatenate3A = tpu.concatenate %add3A, %add3A_15 in 1 : vector<1024x64xf32>, vector<1024x64xf32> -> vector<1024x128xf32>
    %get3A_16 = arith.constant 0 : index
    %get3A_17 = arith.constant 0 : index
    %get3A_18 = vector.load %arg4[%get3A_16, %get3A_17] : memref<1024x1xf32, #tpu.memory_space<vmem>>, vector<1024x1xf32>
    %mul3A = vector.broadcast %get3A_18 : vector<1024x1xf32> to vector<1024x128xf32>
    %mul3A_19 = arith.mulf %concatenate3A, %mul3A : vector<1024x128xf32>
    %get3A_20 = arith.constant 0 : index
    %get3A_21 = arith.constant 0 : index
    %get3A_22 = vector.load %arg6[%get3A_20, %get3A_21] : memref<1x128xf32, #tpu.memory_space<vmem>>, vector<1x128xf32>
    %add3A_23 = vector.broadcast %get3A_22 : vector<1x128xf32> to vector<1024x128xf32>
    %add3A_24 = arith.addf %mul3A_19, %add3A_23 : vector<1024x128xf32>
    %max3A = arith.constant 0.000000e+00 : f32
    %max3A_25 = vector.broadcast %max3A : f32 to vector<1024x128xf32>
    %max3A_26 = arith.maximumf %add3A_24, %max3A_25 : vector<1024x128xf32>
    %swap3A = arith.constant 0 : index
    %swap3A_27 = arith.constant 0 : index
    %swap3A_28 = vector.load %arg18[%swap3A, %swap3A_27] : memref<1024x128xf32, #tpu.memory_space<vmem>>, vector<1024x128xf32>
    tpu.vector_store %arg18[%swap3A, %swap3A_27], %max3A_26 {strides = array<i32>} : memref<1024x128xf32, #tpu.memory_space<vmem>>, vector<1024x128xf32>,
    %get3A_29 = arith.constant 0 : index
    %get3A_30 = arith.constant 0 : index
    %get3A_31 = vector.load %arg7[%get3A_29, %get3A_30] : memref<128x128xf32, #tpu.memory_space<vmem>>, vector<128x128xf32>
    %dot_general3A = arith.constant dense<0.000000e+00> : vector<1024x128xf32>
    %dot_general3A_32 = tpu.matmul %max3A_26, %get3A_31, %dot_general3A {dimension_numbers = #tpu.dot_dimension_numbers<[1], [0], [0], [1], [0, 0, 1, 1], [], []>, transpose_lhs_hint = false} : vector<1024x128xf32>, vector<128x128xf32>, vector<1024x128xf32> -> vector<1024x128xf32>
    %get3A_33 = arith.constant 0 : index
    %get3A_34 = arith.constant 0 : index
    %get3A_35 = vector.load %arg8[%get3A_33, %get3A_34] : memref<1x128xf32, #tpu.memory_space<vmem>>, vector<1x128xf32>
    %add3A_36 = vector.broadcast %get3A_35 : vector<1x128xf32> to vector<1024x128xf32>
    %add3A_37 = arith.addf %dot_general3A_32, %add3A_36 : vector<1024x128xf32>
    %max3A_38 = arith.constant 0.000000e+00 : f32
    %max3A_39 = vector.broadcast %max3A_38 : f32 to vector<1024x128xf32>
    %max3A_40 = arith.maximumf %add3A_37, %max3A_39 : vector<1024x128xf32>
    %get3A_41 = arith.constant 0 : index
    %get3A_42 = arith.constant 0 : index
    %get3A_43 = vector.load %arg11[%get3A_41, %get3A_42] : memref<1x128xf32, #tpu.memory_space<vmem>>, vector<1x128xf32>
    %mul3A_44 = vector.broadcast %get3A_43 : vector<1x128xf32> to vector<1024x128xf32>
    %mul3A_45 = arith.mulf %max3A_40, %mul3A_44 : vector<1024x128xf32>
    %reduce_sum3A = arith.constant dense<0.000000e+00> : vector<1024xf32>
    %reduce_sum3A_46 = vector.multi_reduction <add>, %mul3A_45, %reduce_sum3A [1] : vector<1024x128xf32> to vector<1024xf32>
    %get3A_47 = arith.constant 0 : index
    %get3A_48 = arith.constant 0 : index
    %get3A_49 = vector.load %arg12[%get3A_47, %get3A_48] : memref<1x1xf32, #tpu.memory_space<vmem>>, vector<1x1xf32>
    %get3A_50 = vector.extract %get3A_49[0, 0] : f32 from vector<1x1xf32>
    %add3A_51 = vector.broadcast %get3A_50 : f32 to vector<1024xf32>
    %add3A_52 = arith.addf %reduce_sum3A_46, %add3A_51 : vector<1024xf32>
    %get3A_53 = arith.constant 0 : index
    %get3A_54 = arith.constant 0 : index
    %get3A_55 = vector.load %arg9[%get3A_53, %get3A_54] : memref<128x128xf32, #tpu.memory_space<vmem>>, vector<128x128xf32>
    %dot_general3A_56 = arith.constant dense<0.000000e+00> : vector<1024x128xf32>
    %dot_general3A_57 = tpu.matmul %max3A_26, %get3A_55, %dot_general3A_56 {dimension_numbers = #tpu.dot_dimension_numbers<[1], [0], [0], [1], [0, 0, 1, 1], [], []>, transpose_lhs_hint = false} : vector<1024x128xf32>, vector<128x128xf32>, vector<1024x128xf32> -> vector<1024x128xf32>
    %get3A_58 = arith.constant 0 : index
    %get3A_59 = arith.constant 0 : index
    %get3A_60 = vector.load %arg10[%get3A_58, %get3A_59] : memref<1x128xf32, #tpu.memory_space<vmem>>, vector<1x128xf32>
    %add3A_61 = vector.broadcast %get3A_60 : vector<1x128xf32> to vector<1024x128xf32>
    %add3A_62 = arith.addf %dot_general3A_57, %add3A_61 : vector<1024x128xf32>
    %max3A_63 = arith.constant 0.000000e+00 : f32
    %max3A_64 = vector.broadcast %max3A_63 : f32 to vector<1024x128xf32>
    %max3A_65 = arith.maximumf %add3A_62, %max3A_64 : vector<1024x128xf32>
    %get3A_66 = arith.constant 0 : index
    %get3A_67 = arith.constant 0 : index
    %get3A_68 = vector.load %arg13[%get3A_66, %get3A_67] : memref<1x128xf32, #tpu.memory_space<vmem>>, vector<1x128xf32>
    %mul3A_69 = vector.broadcast %get3A_68 : vector<1x128xf32> to vector<1024x128xf32>
    %mul3A_70 = arith.mulf %max3A_65, %mul3A_69 : vector<1024x128xf32>
    %reduce_sum3A_71 = arith.constant dense<0.000000e+00> : vector<1024xf32>
    %reduce_sum3A_72 = vector.multi_reduction <add>, %mul3A_70, %reduce_sum3A_71 [1] : vector<1024x128xf32> to vector<1024xf32>
    %get3A_73 = arith.constant 0 : index
    %get3A_74 = arith.constant 0 : index
    %get3A_75 = vector.load %arg14[%get3A_73, %get3A_74] : memref<1x1xf32, #tpu.memory_space<vmem>>, vector<1x1xf32>
    %get3A_76 = vector.extract %get3A_75[0, 0] : f32 from vector<1x1xf32>
    %add3A_77 = vector.broadcast %get3A_76 : f32 to vector<1024xf32>
    %add3A_78 = arith.addf %reduce_sum3A_72, %add3A_77 : vector<1024xf32>
    %get3A_79 = arith.constant 0 : index
    %get3A_80 = vector.load %arg5[%get3A_79] : memref<1024xi32, #tpu.memory_space<vmem>>, vector<1024xi32>
    %gt3A = arith.constant 0 : i32
    %gt3A_81 = vector.broadcast %gt3A : i32 to vector<1024xi32>
    %gt3A_82 = arith.cmpi sgt, %get3A_80, %gt3A_81 : vector<1024xi32>
    %select_n3A = arith.select %gt3A_82, %add3A_78, %add3A_52 : vector<1024xi1>, vector<1024xf32>
    %swap3A_83 = arith.constant 0 : index
    %swap3A_84 = vector.load %arg17[%swap3A_83] : memref<1024xf32, #tpu.memory_space<vmem>>, vector<1024xf32>
    tpu.vector_store %arg17[%swap3A_83], %select_n3A {strides = array<i32>} : memref<1024xf32, #tpu.memory_space<vmem>>, vector<1024xf32>,
    %get3A_85 = arith.constant 0 : index
    %get3A_86 = arith.constant 0 : index
    %get3A_87 = vector.load %arg15[%get3A_85, %get3A_86] : memref<1x128xf32, #tpu.memory_space<vmem>>, vector<1x128xf32>
    %mul3A_88 = vector.broadcast %get3A_87 : vector<1x128xf32> to vector<1024x128xf32>
    %mul3A_89 = arith.mulf %max3A_26, %mul3A_88 : vector<1024x128xf32>
    %reduce_sum3A_90 = arith.constant dense<0.000000e+00> : vector<1024xf32>
    %reduce_sum3A_91 = vector.multi_reduction <add>, %mul3A_89, %reduce_sum3A_90 [1] : vector<1024x128xf32> to vector<1024xf32>
    %get3A_92 = arith.constant 0 : index
    %get3A_93 = arith.constant 0 : index
    %get3A_94 = vector.load %arg16[%get3A_92, %get3A_93] : memref<1x1xf32, #tpu.memory_space<vmem>>, vector<1x1xf32>
    %get3A_95 = vector.extract %get3A_94[0, 0] : f32 from vector<1x1xf32>
    %add3A_96 = vector.broadcast %get3A_95 : f32 to vector<1024xf32>
    %add3A_97 = arith.addf %reduce_sum3A_91, %add3A_96 : vector<1024xf32>
    %logistic3A = arith.negf %add3A_97 : vector<1024xf32>
    %logistic3A_98 = math.exp %logistic3A : vector<1024xf32>
    %logistic3A_99 = arith.constant 1.000000e+00 : f32
    %logistic3A_100 = vector.broadcast %logistic3A_99 : f32 to vector<1024xf32>
    %logistic3A_101 = arith.addf %logistic3A_100, %logistic3A_98 : vector<1024xf32>
    %logistic3A_102 = arith.divf %logistic3A_100, %logistic3A_101 : vector<1024xf32>
    %swap3A_103 = arith.constant 0 : index
    %swap3A_104 = vector.load %arg19[%swap3A_103] : memref<1024xf32, #tpu.memory_space<vmem>>, vector<1024xf32>
    tpu.vector_store %arg19[%swap3A_103], %logistic3A_102 {strides = array<i32>} : memref<1024xf32, #tpu.memory_space<vmem>>, vector<1024xf32>,
    return
  }
  func.func @transform_0(%arg0: i32) -> (i32, i32, i32) {
    %c0_i32 = arith.constant 0 : i32
    %c0_i32_0 = arith.constant 0 : i32
    %c0_i32_1 = arith.constant 0 : i32
    return %c0_i32, %arg0, %c0_i32_0 : i32, i32, i32
  }
  func.func @transform_1(%arg0: i32) -> (i32, i32) {
    %c0_i32 = arith.constant 0 : i32
    %c0_i32_0 = arith.constant 0 : i32
    return %arg0, %c0_i32 : i32, i32
  }
  func.func @transform_2(%arg0: i32) -> (i32, i32) {
    %c0_i32 = arith.constant 0 : i32
    %c0_i32_0 = arith.constant 0 : i32
    return %arg0, %c0_i32 : i32, i32
  }
  func.func @transform_3(%arg0: i32) -> (i32, i32) {
    %c0_i32 = arith.constant 0 : i32
    %c0_i32_0 = arith.constant 0 : i32
    return %arg0, %c0_i32 : i32, i32
  }
  func.func @transform_4(%arg0: i32) -> i32 {
    %c0_i32 = arith.constant 0 : i32
    return %arg0 : i32
  }
  func.func @transform_5(%arg0: i32) -> (i32, i32) {
    %c0_i32 = arith.constant 0 : i32
    %c0_i32_0 = arith.constant 0 : i32
    %c0_i32_1 = arith.constant 0 : i32
    return %c0_i32, %c0_i32_0 : i32, i32
  }
  func.func @transform_6(%arg0: i32) -> (i32, i32) {
    %c0_i32 = arith.constant 0 : i32
    %c0_i32_0 = arith.constant 0 : i32
    %c0_i32_1 = arith.constant 0 : i32
    return %c0_i32, %c0_i32_0 : i32, i32
  }
  func.func @transform_7(%arg0: i32) -> (i32, i32) {
    %c0_i32 = arith.constant 0 : i32
    %c0_i32_0 = arith.constant 0 : i32
    %c0_i32_1 = arith.constant 0 : i32
    return %c0_i32, %c0_i32_0 : i32, i32
  }
  func.func @transform_8(%arg0: i32) -> (i32, i32) {
    %c0_i32 = arith.constant 0 : i32
    %c0_i32_0 = arith.constant 0 : i32
    %c0_i32_1 = arith.constant 0 : i32
    return %c0_i32, %c0_i32_0 : i32, i32
  }
  func.func @transform_9(%arg0: i32) -> (i32, i32) {
    %c0_i32 = arith.constant 0 : i32
    %c0_i32_0 = arith.constant 0 : i32
    %c0_i32_1 = arith.constant 0 : i32
    return %c0_i32, %c0_i32_0 : i32, i32
  }
  func.func @transform_10(%arg0: i32) -> (i32, i32) {
    %c0_i32 = arith.constant 0 : i32
    %c0_i32_0 = arith.constant 0 : i32
    %c0_i32_1 = arith.constant 0 : i32
    return %c0_i32, %c0_i32_0 : i32, i32
  }
  func.func @transform_11(%arg0: i32) -> (i32, i32) {
    %c0_i32 = arith.constant 0 : i32
    %c0_i32_0 = arith.constant 0 : i32
    %c0_i32_1 = arith.constant 0 : i32
    return %c0_i32, %c0_i32_0 : i32, i32
  }
  func.func @transform_12(%arg0: i32) -> (i32, i32) {
    %c0_i32 = arith.constant 0 : i32
    %c0_i32_0 = arith.constant 0 : i32
    %c0_i32_1 = arith.constant 0 : i32
    return %c0_i32, %c0_i32_0 : i32, i32
  }
  func.func @transform_13(%arg0: i32) -> (i32, i32) {
    %c0_i32 = arith.constant 0 : i32
    %c0_i32_0 = arith.constant 0 : i32
    %c0_i32_1 = arith.constant 0 : i32
    return %c0_i32, %c0_i32_0 : i32, i32
  }
  func.func @transform_14(%arg0: i32) -> (i32, i32) {
    %c0_i32 = arith.constant 0 : i32
    %c0_i32_0 = arith.constant 0 : i32
    %c0_i32_1 = arith.constant 0 : i32
    return %c0_i32, %c0_i32_0 : i32, i32
  }
  func.func @transform_15(%arg0: i32) -> (i32, i32) {
    %c0_i32 = arith.constant 0 : i32
    %c0_i32_0 = arith.constant 0 : i32
    %c0_i32_1 = arith.constant 0 : i32
    return %c0_i32, %c0_i32_0 : i32, i32
  }
  func.func @transform_16(%arg0: i32) -> i32 {
    %c0_i32 = arith.constant 0 : i32
    return %arg0 : i32
  }
  func.func @transform_17(%arg0: i32) -> (i32, i32) {
    %c0_i32 = arith.constant 0 : i32
    %c0_i32_0 = arith.constant 0 : i32
    return %arg0, %c0_i32 : i32, i32
  }
  func.func @transform_18(%arg0: i32) -> i32 {
    %c0_i32 = arith.constant 0 : i32
    return %arg0 : i32
  }
}

</mosaic_0001>

<sc_bundles>
// kernel: kernel.10.cloned.1.call-start
scs
__scs_entry_jumppad:
0x0: {  	(pc) =	sbr.rel $0x88, $3  }
0x1: {  	(tag) =	ssettag $0x0;
	lr =	simm.s32 $0x1  }
0x2: {  	[smem:$0x3F92] =	sst lr;
	_ =	strace $0xD0000000  }
0x3: {  	_ = 	snop  }
0x4: {  	_ = 	snop  }
0x5: {  	_ = 	snop  }
0x6: {  	_ = 	snop  }
0x7: {  	_ = 	snop  }
__scs_overlays_trampoline_lowered:
0x8: {  	[smem:$0x3FA1] =	sst s0  }
0x9: {  	[smem:$0x3FA2] =	sst s1  }
0xa: {  	[smem:$0x3FA3] =	sst s2  }
0xb: {  	[smem:$0x3FA4] =	sst s3  }
0xc: {  	[smem:$0x3FA5] =	sst s4  }
0xd: {  	[smem:$0x3FA6] =	sst s5  }
0xe: {  	[smem:$0x3FA7] =	sst s6  }
0xf: {  	[smem:$0x3FA8] =	sst s7  }
0x10: {  	[smem:$0x3FA9] =	sst s8  }
0x11: {  	[smem:$0x3FAA] =	sst s9;
	s0 =	simm.s32 @!p0 $0x0  }
0x12: {  	s1 =	sld [smem:$0x3F90];
	s0 =	simm.s32 @p0 $0x1  }
0x13: {  	[smem:$0x3FAB] =	sst s0;
	s0 =	simm.s32 @!p1 $0x0  }
0x14: {  	s2 =	sld [smem:$0x3F8F];
	s0 =	simm.s32 @p1 $0x1  }
0x15: {  	[smem:$0x3FAC] =	sst s0;
	s0 =	simm.s32 @!p2 $0x0  }
0x16: {  	s3 =	sld [smem:$0x3FDB];
	s0 =	simm.s32 @p2 $0x1  }
0x17: {  	s4 =	simm.s32 $0x1BF5;
	[smem:$0x3FAE] =	sst s0  }
0x18: {  	s0 =	sld [smem:$0x3F91];
	_ =	swait.ge [sflag:s4], $0x0  }
0x19: {  	s7 =	sld [smem:$0x3F92]  }
0x1a: {  	s8 =	sadd.s32 $0xFFFFE003, lr  }
0x1b: {  	s9 =	sadd.s32 $0xFFFFFEF7, lr;
	s5 =	simm.s32 $0xFFFFFFFF;
	p2 =	slt.u32 s8, $0xFFFFF086  }
0x1c: {  	p1 =	slt.u32 s9, $0xF7A;
	s5 =	simm.s32 @!p2 $0x0  }
0x1d: {  	s5 =	simm.s32 @p1 $0x1;
	p0 =	seq.s32 s7, s2  }
0x1e: {  	s7 =	smul.u32 @!p0 $0xF7A, s2;
	p2 =	seq.s32 @!p0 s5, $0x0  }
0x1f: {  	s9 =	smul.u32 $0xF7A, s1;
	s8 =	simm.s32 @!p0 $0x1BF5;
	p2 =	por !p2, p0  }
0x20: {  	[sflag:s8] =	ssyncset.s32 @!p0 $0xFFFFF086;
	s6 =	sadd.s32 @!p0 s3, s7;
	s7 =	simm.s32 @!p0 $0x108  }
0x21: {  	s3 =	sadd.s32 s3, s9;
	s6 =	sadd.s32 @!p0 $0x88, s6;
	s7 =	simm.s32 @p2 $0x1082  }
0x22: {  	[simem:s7], [sflag:s8] =	dma.local @!p0 [hbm:s6], $0xF7A  }
0x23: {  	s9 =	sor.u32 $0xD0000000, s2;
	s6 =	simm.s32 $0x108;
	_ =	swait.ge @!p0 [sflag:s8], $0x0  }
0x24: {  	s3 =	sadd.s32 $0x88, s3;
	s6 =	simm.s32 @!p1 $0x1082;
	[sflag:s4] =	ssyncset.s32 $0xFFFFF086  }
0x25: {  	[simem:s6], [sflag:s4] =	dma.local [hbm:s3], $0xF7A  }
0x26: {  	[smem:$0x3F92] =	sst s1;
	(tag) =	ssettag s2;
	_ =	strace s9  }
0x27: {  	s1 =	sld [smem:$0x3FA2]  }
0x28: {  	s2 =	sld [smem:$0x3FA3]  }
0x29: {  	s4 =	sld [smem:$0x3FA5]  }
0x2a: {  	p0 =	seq.s32 s5, $0x0;
	s5 =	sld [smem:$0x3FA6]  }
0x2b: {  	s6 =	sld [smem:$0x3FA7]  }
0x2c: {  	s7 =	sld [smem:$0x3FA8]  }
0x2d: {  	s3 =	simm.s32 $0x108;
	s8 =	sld [smem:$0x3FA9]  }
0x2e: {  	s3 =	simm.s32 @!p0 $0x1082;
	s9 =	sld [smem:$0x3FAA]  }
0x2f: {  	lr =	sadd.s32 s0, s3;
	s0 =	sld [smem:$0x3FA1]  }
0x30: {  	s3 =	sld [smem:$0x3FA4]  }
0x31: {  	[smem:$0x3FAD] =	sst s10  }
0x32: {  	s10 =	sld [smem:$0x3FAB];
	_ =	sdelay $0x3  }
0x33: {  	p0 =	seq.s32 s10, $0x1;
	s10 =	sld [smem:$0x3FAD];
	_ =	sdelay $0x3  }
0x34: {  	[smem:$0x3FAD] =	sst s10  }
0x35: {  	s10 =	sld [smem:$0x3FAC];
	_ =	sdelay $0x3  }
0x36: {  	p1 =	seq.s32 s10, $0x1;
	s10 =	sld [smem:$0x3FAD];
	_ =	sdelay $0x3  }
0x37: {  	[smem:$0x3FAD] =	sst s10  }
0x38: {  	s10 =	sld [smem:$0x3FAE]  }
0x39: {  	_ = 	snop;
	(pc) =	sbr.ind lr, $3  }
0x3a: {  	_ = 	snop  }
0x3b: {  	_ = 	snop  }
0x3c: {  	p2 =	seq.s32 s10, $0x1;
	s10 =	sld [smem:$0x3FAD]  }
0x3d: {  	_ =	shalt  }
0x3e: {  	_ =	shalt  }
0x3f: {  	_ =	shalt  }
0x40: {  	_ =	shalt  }
0x41: {  	_ =	shalt  }
0x42: {  	_ =	shalt  }
0x43: {  	_ =	shalt  }
0x44: {  	_ =	shalt  }
0x45: {  	_ =	shalt  }
0x46: {  	_ =	shalt  }
0x47: {  	_ =	shalt  }
0x48: {  	_ =	shalt  }
0x49: {  	_ =	shalt  }
0x4a: {  	_ =	shalt  }
0x4b: {  	_ =	shalt  }
0x4c: {  	_ =	shalt  }
0x4d: {  	_ =	shalt  }
0x4e: {  	_ =	shalt  }
0x4f: {  	_ =	shalt  }
0x50: {  	_ =	shalt  }
0x51: {  	_ =	shalt  }
0x52: {  	_ =	shalt  }
0x53: {  	_ =	shalt  }
0x54: {  	_ =	shalt  }
0x55: {  	_ =	shalt  }
0x56: {  	_ =	shalt  }
0x57: {  	_ =	shalt  }
0x58: {  	_ =	shalt  }
0x59: {  	_ =	shalt  }
0x5a: {  	_ =	shalt  }
0x5b: {  	_ =	shalt  }
0x5c: {  	_ =	shalt  }
0x5d: {  	_ =	shalt  }
0x5e: {  	_ =	shalt  }
0x5f: {  	_ =	shalt  }
0x60: {  	_ =	shalt  }
0x61: {  	_ =	shalt  }
0x62: {  	_ =	shalt  }
0x63: {  	_ =	shalt  }
0x64: {  	_ =	shalt  }
0x65: {  	_ =	shalt  }
0x66: {  	_ =	shalt  }
0x67: {  	_ =	shalt  }
0x68: {  	_ =	shalt  }
0x69: {  	_ =	shalt  }
0x6a: {  	_ =	shalt  }
0x6b: {  	_ =	shalt  }
0x6c: {  	_ =	shalt  }
0x6d: {  	_ =	shalt  }
0x6e: {  	_ =	shalt  }
0x6f: {  	_ =	shalt  }
0x70: {  	_ =	shalt  }
0x71: {  	_ =	shalt  }
0x72: {  	_ =	shalt  }
0x73: {  	_ =	shalt  }
0x74: {  	_ =	shalt  }
0x75: {  	_ =	shalt  }
0x76: {  	_ =	shalt  }
0x77: {  	_ =	shalt  }
0x78: {  	_ =	shalt  }
0x79: {  	_ =	shalt  }
0x7a: {  	_ =	shalt  }
0x7b: {  	_ =	shalt  }
0x7c: {  	_ =	shalt  }
0x7d: {  	_ =	shalt  }
0x7e: {  	_ =	shalt  }
0x7f: {  	_ =	shalt  }
0x80: {  	_ =	shalt  }
0x81: {  	_ =	shalt  }
0x82: {  	_ =	shalt  }
0x83: {  	_ =	shalt  }
0x84: {  	_ =	shalt  }
0x85: {  	_ =	shalt  }
0x86: {  	_ =	shalt  }
0x87: {  	_ =	shalt  }
.Lfunc_end0:
.L_simem_size_0:
called_computation.1_lowered:
.L_overlay_start_0:
0x88: {  	s2 =	sld [smem:$0x3FD9]  }
0x89: {  	s3 =	sld [smem:$0x3FFE];
	_ =	sdelay $0x1  }
0x8a: {  	s1 =	srdreg.scid  }
0x8b: {  	s0 =	sand.u32 $0x1, s1  }
0x8c: {  	s14 =	sshll.u32 s0, $0xA;
	s2 =	sadd.s32 s3, s2  }
0x8d: {  	s2 =	sadd.s32 s2, s14  }
0x8e: {  	[smem:$0x3FB9] =	sst s2  }
0x8f: {  	_ = 	snop  }
0x90: {  	s2 =	sld [smem:$0x3FD0];
	_ =	sdelay $0x2  }
0x91: {  	s15 =	simm.s32 $0xA;
	s4 =	simm.s32 $0x10  }
0x92: {  	[smem:s4], [sflag:s15] =	dma.local [hbm:s2], $0x1  }
0x93: {  	_ =	swait.eq [sflag:s15], $0x1  }
0x94: {  	[sflag:s15] =	ssyncset.done $0x0  }
0x95: {  	s16 =	sld [smem:$0x11];
	[sflag:s15] =	ssyncadd.s32 $0xFFFFFFFF  }
0x96: {  	s17 =	sld [smem:$0x12];
	(tm) =	ssettm $0x1  }
0x97: {  	s18 =	sld [smem:$0x3FFB];
	_ =	sdelay $0x3  }
0x98: {  	_ =	strace s18  }
0x99: {  	s4 =	sld [smem:$0x3FFC];
	_ =	sdelay $0x3  }
0x9a: {  	_ =	strace s4  }
0x9b: {  	s4 =	sld [smem:$0x3FFD];
	_ =	sdelay $0x3  }
0x9c: {  	_ =	strace s4  }
0x9d: {  	_ =	strace $0x8FFFFFFF  }
0x9e: {  	s19 =	sld [smem:$0x3FDB];
	_ =	sdelay $0x1  }
0x9f: {  	s5 =	simm.s32 $_scs_section_size  }
0xa0: {  	s6 =	simm.s32 $_size__tile_overlayer_lowered;
	s7 =	simm.s32 $_tile_overlayer_lowered  }
0xa1: {  	s22 =	simm.s32 $0x1BFF;
	s21 =	sshll.u32 s7, $0x1;
	s4 =	sadd.s32 s5, s19  }
0xa2: {  	s8 =	simm.s32 $0x0;
	s20 =	sshll.u32 s6, $0x1;
	s6 =	sadd.s32 s21, s4  }
0xa3: {  	[timem:s8], [sflag:s22] =	dma.local [hbm:s6], s20  }
0xa4: {  	_ =	swait.ge [sflag:s22], s20  }
0xa5: {  	s5 =	ssub.s32 $0x0, s20;
	[sflag:s22] =	ssyncset.done $0x0  }
0xa6: {  	[sflag:s22] =	ssyncadd.s32 s5;
	_ =	sdelay $0x1  }
0xa7: {  	s23 =	simm.s32 $0x1B8B  }
0xa8: {  	_ =	swait.ge [sflag:s23], $0x1  }
0xa9: {  	[sflag:s23] =	ssyncset.done $0x0  }
0xaa: {  	s25 =	simm.s32 $0x1B8E;
	s24 =	sld [smem:$0x3FFE];
	[sflag:s23] =	ssyncadd.s32 $0xFFFFFFFF  }
0xab: {  	s26 =	simm.s32 $execute0_lowered;
	[smem:$0x3FD2] =	sst s25  }
0xac: {  	s6 =	sshll.u32 s26, $0x1;
	_ =	strace $0x80000049;
	[dreg:$0x1] =	wrdreg $0xFFFFFFFF  }
0xad: {  	s28 =	simm.s32 $_size_execute0_lowered;
	s4 =	sadd.s32 s4, s6;
	[dreg:$0x0] =	wrdreg $0x0  }
0xae: {  	s6 =	sshll.u32 s28, $0x1;
	[dreg:$0x2] =	wrdreg s4  }
0xaf: {  	[dreg:$0x3] =	wrdreg s6  }
0xb0: {  	[dreg:$0x4] =	wrdreg $0xC0  }
0xb1: {  	_ =	task [dreg:s8], $0x5FFFF  }
0xb2: {  	[dreg:$0x1] =	wrdreg $0xFFFFFFFF  }
0xb3: {  	[dreg:$0x0] =	wrdreg $0x60  }
0xb4: {  	[dreg:$0x2] =	wrdreg s16  }
0xb5: {  	[dreg:$0x3] =	wrdreg s24  }
0xb6: {  	[dreg:$0x4] =	wrdreg s17  }
0xb7: {  	[dreg:$0x5] =	wrdreg $0x160000  }
0xb8: {  	[dreg:$0x6] =	wrdreg $0x9  }
0xb9: {  	_ =	task.clear_ibuf [dreg:s8], $0x7FFFF;
	_ =	strace $0x90000049  }
0xba: {  	s29 =	simm.s32 $0x9;
	_ =	strace $0x8000004B  }
0xbb: {  	_ =	swait.ge [sflag:s29], $0x1  }
0xbc: {  	[sflag:s29] =	ssyncadd.s32 $0xFFFFFFFF  }
0xbd: {  	_ =	strace $0x9000004B  }
0xbe: {  	_ =	sfence  }
0xbf: {  	s30 =	sld [smem:$0x0];
	_ =	sdelay $0x2  }
0xc0: {  	s31 =	sshll.u32 s1, $0xD;
	s1 =	sshrl.u32 s1, $0x2  }
0xc1: {  	s3 =	sand.u32 $0x4000, s31;
	s1 =	sadd.s32 s1, s30  }
0xc2: {  	s0 =	sor.u32 s3, s0;
	s1 =	sshll.u32 s1, $0x11  }
0xc3: {  	s0 =	sor.u32 s1, s0  }
0xc4: {  	s0 =	sadd.s32 $0x8F2B, s0  }
0xc5: {  	[sflag:s0] =	ssyncadd.remote.s32 $0x1  }
0xc6: {  	_ =	sfence.sel $0xFFFF  }
0xc7: {  	[dreg:$0x0] =	wrdreg $0xFFFFFFFF;
	(pc) =	sbr.abs _section_cstart, $3  }
0xc8: {  	[dreg:$0x1] =	wrdreg $0xFFFFFFFF  }
0xc9: {  	_ =	task.clear_ibuf [dreg:s8], $0x2FFFF;
	_ =	strace $0x9FFFFFFF  }
0xca: {  	(tm) =	ssettm $0x7FFFFFFF  }
0xcb: {  	_ =	shalt  }
tec
execute0_lowered:
.L_overlay_start_1:
0x0: {  	(tag) =	ssettag $0x1  }
0x1: {  	s1 =	rddreg [dreg:$0x0]  }
0x2: {  	s0 =	rddreg [dreg:$0x1]  }
0x3: {  	s4 =	rddreg [dreg:$0x3];
	s5 =	simm.s32 $0x0;
	s11 =	stileid.u32  }
0x4: {  	s6 =	srdreg.scid;
	s31 =	simm.s32 $0x1;
	s2 =	smul.u32 $0x98, s11  }
0x5: {  	[smem:$0x7FF] =	sst s5;
	s3 =	smul.u32 $0xA0, s11;
	p0 =	slt.u32 s11, $0x8  }
0x6: {  	s13 =	sand.u32 $0x1, s6;
	s6 =	sadd.s32 $0x16000, s0;
	s15 =	smul.u32 $0xA000, s11  }
0x7: {  	p1 =	seq.s32 s11, $0xF;
	s11 =	simm.s32 $0x4E;
	_ =	strace $0x8000004A  }
0x8: {  	s20 =	ssub.s32 $0x2, s13;
	s11 =	simm.s32 @!p1 $0x4C;
	s2 =	sadd.s32 $0x40, s2  }
0x9: {  	s7 =	sshrl.u32 s20, $0x1;
	s16 =	sadd.s32 $0x2000, s15;
	s17 =	sadd.s32 $0x4000, s15  }
0xa: {  	s18 =	sadd.s32 $0x6000, s15;
	s19 =	sadd.s32 $0x8000, s15;
	s11 =	simm.s32 @p0 $0x50  }
0xb: {  	s2 =	smov.u32 @p0 s3;
	s3 =	ssub.s32 s20, s7;
	s7 =	sadd.s32 s15, s4  }
0xc: {  	s8 =	sadd.s32 s16, s4;
	s9 =	sadd.s32 s17, s4;
	s10 =	sadd.s32 s18, s4  }
0xd: {  	s20 =	smul.u32 $0xA0000, s13;
	s12 =	sadd.s32 s19, s4;
	s2 =	sshll.u32 s2, $0x4  }
0xe: {  	p0 =	seq.s32 s13, $0x1;
	s2 =	sadd.s32 s2, s0;
	s0 =	sadd.s32 $0x29A00, s0  }
0xf: {  	s21 =	sadd.s32 s15, s20;
	s22 =	sadd.s32 s20, s16;
	s25 =	sadd.s32 s20, s17  }
0x10: {  	s26 =	sadd.s32 s20, s18;
	s28 =	sadd.s32 s20, s19;
	s20 =	smax.u32 s3, $0x1  }
0x11: {  	s14 =	sadd.s32 $0x2400, s2;
	s2 =	sadd.s32 $0xC200, s2;
	s23 =	sshrl.u32 s22, $0x3  }
0x12: {  	s29 =	sshrl.u32 s26, $0x3;
	s30 =	sshrl.u32 s28, $0x3;
	[dreg:$0x5] =	wrdreg s14  }
0x13: {  	s22 =	simm.s32 $0x3;
	[dreg:$0x6] =	wrdreg s2;
	s2 =	sshrl.u32 s21, $0x3  }
.Ltmp0:
0x14: {  	s24 =	sadd.s32 s0, s23;
	s18 =	sadd.s32 s0, s29;
	(pc) =	sbr.rel .LBB2_1-.Ltmp0, $4  }
0x15: {  	s19 =	sadd.s32 s0, s30;
	s2 =	sadd.s32 s0, s2;
	[dreg:$0x8] =	wrdreg s24  }
0x16: {  	s21 =	simm.s32 $0xA000;
	[dreg:$0x7] =	wrdreg s2;
	s2 =	sshrl.u32 s25, $0x3  }
0x17: {  	s24 =	simm.s32 $0x80;
	s25 =	simm.s32 $0xC000;
	s2 =	sadd.s32 s0, s2  }
0x18: {  	s0 =	simm.s32 $0x2;
	[dreg:$0x9] =	wrdreg s2;
	s2 =	simm.s32 $0x0  }
.LBB2_4:
0x19: {  	[spmem:s4] =	stream.indirect.scatter.add.f32 [tilespmem:s29], [sflag:$0x2], $0x40, s13, s24, $0xb8;
	v63 =	vld [tilespmem:$0x0]  }
0x1a: {  	s3 =	sadd.s32 $0x5080, s30;
	s30 =	sadd.s32 $0x2000, s29  }
0x1b: {  	[spmem:s4] =	stream.indirect.scatter.add.f32 [tilespmem:s30], [sflag:$0x2], $0x40, s3, s24, $0xb8;
	v63 =	vld [tilespmem:$0x0]  }
.LBB2_8:
0x1c: {  	_ =	swait.ge [sflag:s0], $0x2000  }
0x1d: {  	[sflag:s0] =	ssyncset.done $0x0  }
0x1e: {  	[sflag:s0] =	ssyncadd.s32 $0xFFFFE000  }
0x1f: {  	_ =	swait.ge [sflag:s0], $0x2000  }
0x20: {  	[sflag:s0] =	ssyncset.done $0x0  }
0x21: {  	[sflag:s0] =	ssyncadd.s32 $0xFFFFE000  }
0x22: {  	[bflag:$0x0] =	sbarrier.arrive $0xFFFF  }
0x23: {  	[tilespmem:s21], [sflag:$0x3] =	stream.linear.gather [spmem:s7], $0x2000, $0x38;
	v63 =	vld [tilespmem:$0x0]  }
0x24: {  	_ =	swait.ge [sflag:s22], $0x2000  }
0x25: {  	[sflag:s22] =	ssyncset.done $0x0  }
0x26: {  	s3 =	rddreg [dreg:$0x7];
	[sflag:s22] =	ssyncadd.s32 $0xFFFFE000  }
0x27: {  	[hbm4b:s3+s5] =	stream.linear.scatter [tilespmem:s21], [sflag:$0x1], $0x2000, $0x38;
	v63 =	vld [tilespmem:$0x0]  }
0x28: {  	_ = 	snop  }
0x29: {  	[tilespmem:s25], [sflag:$0x3] =	stream.linear.gather [spmem:s8], $0x2000, $0x38;
	v63 =	vld [tilespmem:$0x0]  }
0x2a: {  	_ =	swait.ge [sflag:s22], $0x2000  }
0x2b: {  	[sflag:s22] =	ssyncset.done $0x0  }
0x2c: {  	s29 =	rddreg [dreg:$0x8];
	[sflag:s22] =	ssyncadd.s32 $0xFFFFE000  }
0x2d: {  	[hbm4b:s29+s5] =	stream.linear.scatter [tilespmem:s25], [sflag:$0x1], $0x2000, $0x38;
	v63 =	vld [tilespmem:$0x0]  }
0x2e: {  	_ =	swait.ge [sflag:s31], $0x2000  }
0x2f: {  	[sflag:s31] =	ssyncset.done $0x0  }
0x30: {  	[sflag:s31] =	ssyncadd.s32 $0xFFFFE000  }
0x31: {  	[tilespmem:s21], [sflag:$0x3] =	stream.linear.gather [spmem:s9], $0x2000, $0x38;
	v63 =	vld [tilespmem:$0x0]  }
0x32: {  	_ =	swait.ge [sflag:s22], $0x2000  }
0x33: {  	[sflag:s22] =	ssyncset.done $0x0  }
0x34: {  	s30 =	rddreg [dreg:$0x9];
	[sflag:s22] =	ssyncadd.s32 $0xFFFFE000  }
0x35: {  	[hbm4b:s30+s5] =	stream.linear.scatter [tilespmem:s21], [sflag:$0x1], $0x2000, $0x38;
	v63 =	vld [tilespmem:$0x0]  }
0x36: {  	_ =	swait.ge [sflag:s31], $0x2000  }
0x37: {  	[sflag:s31] =	ssyncset.done $0x0  }
0x38: {  	[sflag:s31] =	ssyncadd.s32 $0xFFFFE000  }
0x39: {  	[tilespmem:s25], [sflag:$0x3] =	stream.linear.gather [spmem:s10], $0x2000, $0x38;
	v63 =	vld [tilespmem:$0x0]  }
0x3a: {  	_ =	swait.ge [sflag:s22], $0x2000  }
0x3b: {  	[sflag:s22] =	ssyncset.done $0x0  }
0x3c: {  	[sflag:s22] =	ssyncadd.s32 $0xFFFFE000  }
0x3d: {  	[hbm4b:s18+s5] =	stream.linear.scatter [tilespmem:s25], [sflag:$0x1], $0x2000, $0x38;
	v63 =	vld [tilespmem:$0x0]  }
0x3e: {  	_ =	swait.ge [sflag:s31], $0x2000  }
0x3f: {  	[sflag:s31] =	ssyncset.done $0x0  }
0x40: {  	[sflag:s31] =	ssyncadd.s32 $0xFFFFE000  }
0x41: {  	[tilespmem:s21], [sflag:$0x3] =	stream.linear.gather [spmem:s12], $0x2000, $0x38;
	v63 =	vld [tilespmem:$0x0]  }
0x42: {  	_ =	swait.ge [sflag:s22], $0x2000  }
0x43: {  	[sflag:s22] =	ssyncset.done $0x0  }
0x44: {  	s2 =	sadd.s32 $0x1, s2;
	[sflag:s22] =	ssyncadd.s32 $0xFFFFE000  }
0x45: {  	[hbm4b:s19+s5] =	stream.linear.scatter [tilespmem:s21], [sflag:$0x1], $0x2000, $0x38;
	v63 =	vld [tilespmem:$0x0]  }
0x46: {  	p1 =	sne.s32 s2, s20;
	_ =	swait.ge [sflag:s31], $0x2000  }
.Ltmp1:
0x47: {  	[sflag:s31] =	ssyncset.done $0x0;
	(pc) =	sbr.rel @!p1 .LBB2_9-.Ltmp1, $4  }
0x48: {  	[sflag:s31] =	ssyncadd.s32 $0xFFFFE000  }
0x49: {  	_ =	swait.ge [sflag:s31], $0x2000  }
0x4a: {  	[sflag:s31] =	ssyncset.done $0x0  }
0x4b: {  	[sflag:s31] =	ssyncadd.s32 $0xFFFFE000  }
.LBB2_1:
0x4c: {  	s3 =	rddreg [dreg:$0x2]  }
0x4d: {  	[tilespmem:s21], [sflag:$0x3] =	stream.linear.gather [hbm4b:s3+s5], $0x2000, $0x38;
	v63 =	vld [tilespmem:$0x0]  }
0x4e: {  	_ =	swait.ge [sflag:s22], $0x2000  }
0x4f: {  	[sflag:s22] =	ssyncset.done $0x0  }
0x50: {  	[sflag:s22] =	ssyncadd.s32 $0xFFFFE000  }
0x51: {  	[spmem:s7] =	stream.linear.scatter [tilespmem:s21], [sflag:$0x3], $0x2000, $0x38;
	v63 =	vld [tilespmem:$0x0]  }
0x52: {  	_ =	swait.ge [sflag:s22], $0x2000  }
0x53: {  	[sflag:s22] =	ssyncset.done $0x0  }
0x54: {  	[sflag:s22] =	ssyncadd.s32 $0xFFFFE000  }
0x55: {  	[spmem:s8] =	stream.linear.scatter [tilespmem:s21], [sflag:$0x3], $0x2000, $0x38;
	v63 =	vld [tilespmem:$0x0]  }
0x56: {  	_ =	swait.ge [sflag:s22], $0x2000  }
0x57: {  	[sflag:s22] =	ssyncset.done $0x0  }
0x58: {  	[sflag:s22] =	ssyncadd.s32 $0xFFFFE000  }
0x59: {  	[spmem:s9] =	stream.linear.scatter [tilespmem:s21], [sflag:$0x3], $0x2000, $0x38;
	v63 =	vld [tilespmem:$0x0]  }
0x5a: {  	_ =	swait.ge [sflag:s22], $0x2000  }
0x5b: {  	[sflag:s22] =	ssyncset.done $0x0  }
0x5c: {  	[sflag:s22] =	ssyncadd.s32 $0xFFFFE000  }
0x5d: {  	[spmem:s10] =	stream.linear.scatter [tilespmem:s21], [sflag:$0x3], $0x2000, $0x38;
	v63 =	vld [tilespmem:$0x0]  }
0x5e: {  	_ =	swait.ge [sflag:s22], $0x2000  }
0x5f: {  	[sflag:s22] =	ssyncset.done $0x0  }
0x60: {  	[sflag:s22] =	ssyncadd.s32 $0xFFFFE000  }
0x61: {  	[spmem:s12] =	stream.linear.scatter [tilespmem:s21], [sflag:$0x3], $0x2000, $0x38;
	v63 =	vld [tilespmem:$0x0]  }
0x62: {  	_ =	swait.ge [sflag:s22], $0x2000  }
0x63: {  	[sflag:s22] =	ssyncset.done $0x0  }
0x64: {  	s29 =	rddreg [dreg:$0x5];
	[sflag:s22] =	ssyncadd.s32 $0xFFFFE000  }
0x65: {  	[tilespmem:s5], [sflag:$0x3] =	stream.linear.gather [hbm4b:s29+s5], $0x5000, $0x38;
	v63 =	vld [tilespmem:$0x0]  }
0x66: {  	_ =	swait.ge [sflag:s22], $0x5000  }
0x67: {  	[sflag:s22] =	ssyncset.done $0x0  }
0x68: {  	s13 =	simm.s32 $0x5000;
	s30 =	rddreg [dreg:$0x6];
	[sflag:s22] =	ssyncadd.s32 $0xFFFFB000  }
0x69: {  	[tilespmem:s13], [sflag:$0x3] =	stream.linear.gather [hbm4b:s30+s5], $0x5000, $0x38;
	v63 =	vld [tilespmem:$0x0]  }
.Ltmp2:
0x6a: {  	_ =	swait.ge [sflag:s22], $0x5000;
	(pc) =	sbr.rel @!p0 .LBB2_2-.Ltmp2, $4  }
0x6b: {  	[sflag:s22] =	ssyncset.done $0x0  }
0x6c: {  	[sflag:s22] =	ssyncadd.s32 $0xFFFFB000  }
0x6d: {  	[bflag:$0x0] =	sbarrier.arrive $0xFFFF  }
0x6e: {  	s3 =	simm.s32 $0x0;
	s13 =	simm.s32 $0xA000  }
0x6f: {  	[tilespmem:s13], [sflag:$0x1] =	stream.indirect.gather [hbm4b:s6+s24], $0x40, s3, s24, $0xb8;
	v63 =	vld [tilespmem:$0x0]  }
0x70: {  	_ = 	snop  }
0x71: {  	[tilespmem:s25], [sflag:$0x1] =	stream.indirect.gather [hbm4b:s6+s24], $0x40, s24, s24, $0xb8;
	v63 =	vld [tilespmem:$0x0]  }
0x72: {  	s26 =	simm.s32 $0x100;
	s14 =	simm.s32 $0xE000  }
0x73: {  	[tilespmem:s14], [sflag:$0x1] =	stream.indirect.gather [hbm4b:s6+s24], $0x40, s26, s24, $0xb8;
	v63 =	vld [tilespmem:$0x0]  }
0x74: {  	s15 =	simm.s32 $0x10000;
	s14 =	simm.s32 $0x180  }
0x75: {  	[tilespmem:s15], [sflag:$0x1] =	stream.indirect.gather [hbm4b:s6+s24], $0x40, s14, s24, $0xb8;
	v63 =	vld [tilespmem:$0x0]  }
0x76: {  	_ =	swait.ge [sflag:s31], $0x2000  }
0x77: {  	[sflag:s31] =	ssyncset.done $0x0  }
0x78: {  	s16 =	simm.s32 $0x2;
	p2 =	por $0x1, $0x1;
	[sflag:s31] =	ssyncadd.s32 $0xFFFFE000  }
0x79: {  	s23 =	simm.s32 $0x1;
	s13 =	smulhi.u32 $0xAAAAAAAB, s16;
	_ =	swait.ge [sflag:s31], $0x2000  }
0x7a: {  	p1 =	sne.s32 s11, $0x1;
	p3 =	sle.u32 s11, $0x2;
	[sflag:s31] =	ssyncset.done $0x0  }
0x7b: {  	s13 =	sshrl.u32 s13, $0x1;
	s14 =	simm.s32 @!p2 $0x2;
	[sflag:s31] =	ssyncadd.s32 $0xFFFFE000  }
0x7c: {  	s30 =	simm.s32 $0x0;
	s13 =	smul.u32 $0xFFFD0000, s13;
	_ =	swait.ge @!p2 [sflag:s14], $0x2000  }
0x7d: {  	s28 =	simm.s32 $0xE000;
	s15 =	smulhi.u32 $0xAAAAAAAB, s3;
	[sflag:s14] =	ssyncset.done @!p2 $0x0  }
0x7e: {  	s17 =	simm.s32 @!p3 $0x200;
	s13 =	sshra.s32 s13, $0x2;
	[sflag:s14] =	ssyncadd.s32 @!p2 $0xFFFFE000  }
0x7f: {  	s13 =	sadd.s32 $0xA000, s13;
	s15 =	sshrl.u32 s15, $0x1;
	_ =	swait.ge @!p2 [sflag:s14], $0x2000  }
0x80: {  	s16 =	sadd.s32 @!p3 $0x8000, s13;
	s15 =	smul.u32 $0xFFFD0000, s15;
	[sflag:s14] =	ssyncset.done @!p2 $0x0  }
.Ltmp3:
0x81: {  	[sflag:s14] =	ssyncadd.s32 @!p2 $0xFFFFE000;
	s14 =	simm.s32 @!p3 $0x80;
	(pc) =	sbr.rel @!p1 .LBB2_7-.Ltmp3, $4  }
0x82: {  	[tilespmem:s16], [sflag:$0x1] =	stream.indirect.gather @!p3 [hbm4b:s6+s14], $0x40, s17, s14, $0xb8;
	v63 =	vld [tilespmem:$0x0]  }
0x83: {  	s13 =	sadd.s32 @!p3 $0xA000, s13;
	s16 =	simm.s32 @!p3 $0x280;
	s17 =	sshra.s32 s15, $0x2  }
0x84: {  	[tilespmem:s13], [sflag:$0x1] =	stream.indirect.gather @!p3 [hbm4b:s6+s14], $0x40, s16, s14, $0xb8;
	v63 =	vld [tilespmem:$0x0]  }
0x85: {  	s26 =	simm.s32 $0x3;
	s29 =	sadd.s32 $0xA000, s17;
	s13 =	simm.s32 $0x5000  }
.LBB2_6:
0x86: {  	s14 =	sadd.s32 $0x5080, s30  }
0x87: {  	s3 =	sadd.s32 $0x400, s3;
	s15 =	smov.u32 s23;
	s23 =	sadd.s32 $0x1, s23  }
0x88: {  	[spmem:s4] =	stream.indirect.scatter.add.f32 [tilespmem:s29], [sflag:$0x2], $0x40, s13, s24, $0xb8;
	v63 =	vld [tilespmem:$0x0]  }
0x89: {  	p1 =	sne.s32 s23, s11;
	s13 =	sadd.s32 $0x2000, s29  }
0x8a: {  	[spmem:s4] =	stream.indirect.scatter.add.f32 [tilespmem:s13], [sflag:$0x2], $0x40, s14, s24, $0xb8;
	v63 =	vld [tilespmem:$0x0]  }
0x8b: {  	_ =	swait.ge [sflag:s31], $0x2000  }
0x8c: {  	[sflag:s31] =	ssyncset.done $0x0  }
0x8d: {  	p2 =	seq.s32 s3, $0x0;
	s13 =	smulhi.u32 $0xAAAAAAAB, s26;
	[sflag:s31] =	ssyncadd.s32 $0xFFFFE000  }
0x8e: {  	s16 =	smulhi.u32 $0xAAAAAAAB, s15;
	s14 =	simm.s32 @!p2 $0x2;
	_ =	swait.ge [sflag:s31], $0x2000  }
0x8f: {  	s15 =	sadd.s32 $0x2, s15;
	s13 =	sshrl.u32 s13, $0x1;
	[sflag:s31] =	ssyncset.done $0x0  }
0x90: {  	s26 =	sadd.s32 $0x1, s26;
	s13 =	smul.u32 $0xFFFD0000, s13;
	[sflag:s31] =	ssyncadd.s32 $0xFFFFE000  }
0x91: {  	p3 =	sge.u32 s15, s11;
	_ =	swait.ge @!p2 [sflag:s14], $0x2000  }
0x92: {  	s15 =	sshrl.u32 s16, $0x1;
	s13 =	sshra.s32 s13, $0x2;
	[sflag:s14] =	ssyncset.done @!p2 $0x0  }
0x93: {  	s17 =	sshra.s32 @!p3 s3, $0x2;
	s13 =	sadd.s32 s13, s28;
	[sflag:s14] =	ssyncadd.s32 @!p2 $0xFFFFE000  }
0x94: {  	s29 =	sadd.s32 @!p3 $0x200, s17;
	s16 =	sadd.s32 @!p3 $0x8000, s13;
	_ =	swait.ge @!p2 [sflag:s14], $0x2000  }
0x95: {  	s17 =	sadd.s32 @!p3 $0x280, s17;
	s15 =	smul.u32 $0xFFFD0000, s15;
	[sflag:s14] =	ssyncset.done @!p2 $0x0  }
.Ltmp4:
0x96: {  	[sflag:s14] =	ssyncadd.s32 @!p2 $0xFFFFE000;
	s14 =	simm.s32 @!p3 $0x80;
	(pc) =	sbr.rel @p1 .LBB2_6-.Ltmp4, $4  }
0x97: {  	[tilespmem:s16], [sflag:$0x1] =	stream.indirect.gather @!p3 [hbm4b:s6+s14], $0x40, s29, s14, $0xb8;
	v63 =	vld [tilespmem:$0x0]  }
0x98: {  	s30 =	sshra.s32 s3, $0x2;
	s15 =	sshra.s32 s15, $0x2;
	s16 =	sadd.s32 @!p3 $0xA000, s13  }
0x99: {  	s29 =	sadd.s32 s15, s28;
	s13 =	sadd.s32 $0x5000, s30;
	s28 =	sadd.s32 $0x4000, s28  }
0x9a: {  	[tilespmem:s16], [sflag:$0x1] =	stream.indirect.gather @!p3 [hbm4b:s6+s14], $0x40, s17, s14, $0xb8;
	v63 =	vld [tilespmem:$0x0]  }
.LBB2_7:
.Ltmp5:
0x9b: {  	(pc) =	sbr.rel .LBB2_8-.Ltmp5, $4  }
0x9c: {  	_ = 	snop  }
0x9d: {  	[spmem:s4] =	stream.indirect.scatter.add.f32 [tilespmem:s29], [sflag:$0x2], $0x40, s13, s24, $0xb8;
	v63 =	vld [tilespmem:$0x0]  }
0x9e: {  	s3 =	sadd.s32 $0x5080, s30;
	s30 =	sadd.s32 $0x2000, s29  }
0x9f: {  	[spmem:s4] =	stream.indirect.scatter.add.f32 [tilespmem:s30], [sflag:$0x2], $0x40, s3, s24, $0xb8;
	v63 =	vld [tilespmem:$0x0]  }
.LBB2_2:
0xa0: {  	[tilespmem:s13], [sflag:$0x1] =	stream.indirect.gather [hbm4b:s1+s24], $0x40, s3, s24, $0xb8;
	v63 =	vld [tilespmem:$0x0]  }
0xa1: {  	_ = 	snop  }
0xa2: {  	[tilespmem:s25], [sflag:$0x1] =	stream.indirect.gather [hbm4b:s1+s24], $0x40, s24, s24, $0xb8;
	v63 =	vld [tilespmem:$0x0]  }
0xa3: {  	s26 =	simm.s32 $0x100;
	s14 =	simm.s32 $0xE000  }
0xa4: {  	[tilespmem:s14], [sflag:$0x1] =	stream.indirect.gather [hbm4b:s1+s24], $0x40, s26, s24, $0xb8;
	v63 =	vld [tilespmem:$0x0]  }
0xa5: {  	s15 =	simm.s32 $0x10000;
	s14 =	simm.s32 $0x180  }
0xa6: {  	[tilespmem:s15], [sflag:$0x1] =	stream.indirect.gather [hbm4b:s1+s24], $0x40, s14, s24, $0xb8;
	v63 =	vld [tilespmem:$0x0]  }
0xa7: {  	_ =	swait.ge [sflag:s31], $0x2000  }
0xa8: {  	[sflag:s31] =	ssyncset.done $0x0  }
0xa9: {  	s16 =	simm.s32 $0x2;
	p2 =	por $0x1, $0x1;
	[sflag:s31] =	ssyncadd.s32 $0xFFFFE000  }
0xaa: {  	s23 =	simm.s32 $0x1;
	s13 =	smulhi.u32 $0xAAAAAAAB, s16;
	_ =	swait.ge [sflag:s31], $0x2000  }
0xab: {  	p1 =	seq.s32 s11, $0x1;
	s28 =	smulhi.u32 $0xAAAAAAAB, s3;
	[sflag:s31] =	ssyncset.done $0x0  }
0xac: {  	s13 =	sshrl.u32 s13, $0x1;
	s26 =	simm.s32 @!p2 $0x2;
	[sflag:s31] =	ssyncadd.s32 $0xFFFFE000  }
0xad: {  	s28 =	sshrl.u32 s28, $0x1;
	s13 =	smul.u32 $0xFFFD0000, s13;
	_ =	swait.ge @!p2 [sflag:s26], $0x2000  }
0xae: {  	p3 =	sle.u32 s11, $0x2;
	s28 =	smul.u32 $0xFFFD0000, s28;
	[sflag:s26] =	ssyncset.done @!p2 $0x0  }
0xaf: {  	s30 =	simm.s32 @!p3 $0x200;
	s13 =	sshra.s32 s13, $0x2;
	[sflag:s26] =	ssyncadd.s32 @!p2 $0xFFFFE000  }
0xb0: {  	s17 =	sshra.s32 s28, $0x2;
	s13 =	sadd.s32 $0xA000, s13;
	_ =	swait.ge @!p2 [sflag:s26], $0x2000  }
0xb1: {  	s28 =	simm.s32 $0xE000;
	s29 =	sadd.s32 @!p3 $0x8000, s13;
	[sflag:s26] =	ssyncset.done @!p2 $0x0  }
.Ltmp6:
0xb2: {  	[sflag:s26] =	ssyncadd.s32 @!p2 $0xFFFFE000;
	s26 =	simm.s32 @!p3 $0x80;
	(pc) =	sbr.rel @p1 .LBB2_4-.Ltmp6, $4  }
0xb3: {  	[tilespmem:s29], [sflag:$0x1] =	stream.indirect.gather @!p3 [hbm4b:s1+s26], $0x40, s30, s26, $0xb8;
	v63 =	vld [tilespmem:$0x0]  }
0xb4: {  	s13 =	sadd.s32 @!p3 $0xA000, s13;
	s29 =	simm.s32 @!p3 $0x280;
	s30 =	simm.s32 $0x0  }
0xb5: {  	[tilespmem:s13], [sflag:$0x1] =	stream.indirect.gather @!p3 [hbm4b:s1+s26], $0x40, s29, s26, $0xb8;
	v63 =	vld [tilespmem:$0x0]  }
0xb6: {  	s26 =	simm.s32 $0x3;
	s29 =	sadd.s32 $0xA000, s17;
	s13 =	simm.s32 $0x5000  }
.LBB2_3:
0xb7: {  	s30 =	sadd.s32 $0x5080, s30  }
0xb8: {  	s3 =	sadd.s32 $0x400, s3;
	s14 =	smov.u32 s23;
	s23 =	sadd.s32 $0x1, s23  }
0xb9: {  	[spmem:s4] =	stream.indirect.scatter.add.f32 [tilespmem:s29], [sflag:$0x2], $0x40, s13, s24, $0xb8;
	v63 =	vld [tilespmem:$0x0]  }
0xba: {  	p1 =	seq.s32 s23, s11;
	s13 =	sadd.s32 $0x2000, s29  }
0xbb: {  	[spmem:s4] =	stream.indirect.scatter.add.f32 [tilespmem:s13], [sflag:$0x2], $0x40, s30, s24, $0xb8;
	v63 =	vld [tilespmem:$0x0]  }
0xbc: {  	_ =	swait.ge [sflag:s31], $0x2000  }
0xbd: {  	[sflag:s31] =	ssyncset.done $0x0  }
0xbe: {  	p2 =	seq.s32 s3, $0x0;
	s13 =	smulhi.u32 $0xAAAAAAAB, s26;
	[sflag:s31] =	ssyncadd.s32 $0xFFFFE000  }
0xbf: {  	s29 =	simm.s32 @!p2 $0x2;
	s26 =	sadd.s32 $0x1, s26;
	_ =	swait.ge [sflag:s31], $0x2000  }
0xc0: {  	s30 =	smulhi.u32 $0xAAAAAAAB, s14;
	s13 =	sshrl.u32 s13, $0x1;
	[sflag:s31] =	ssyncset.done $0x0  }
0xc1: {  	s14 =	sadd.s32 $0x2, s14;
	s13 =	smul.u32 $0xFFFD0000, s13;
	[sflag:s31] =	ssyncadd.s32 $0xFFFFE000  }
0xc2: {  	p3 =	sge.u32 s14, s11;
	_ =	swait.ge @!p2 [sflag:s29], $0x2000  }
0xc3: {  	s14 =	sshrl.u32 s30, $0x1;
	s13 =	sshra.s32 s13, $0x2;
	[sflag:s29] =	ssyncset.done @!p2 $0x0  }
0xc4: {  	s15 =	sshra.s32 @!p3 s3, $0x2;
	s13 =	sadd.s32 s13, s28;
	[sflag:s29] =	ssyncadd.s32 @!p2 $0xFFFFE000  }
0xc5: {  	s16 =	sadd.s32 @!p3 $0x200, s15;
	s30 =	sadd.s32 @!p3 $0x8000, s13;
	_ =	swait.ge @!p2 [sflag:s29], $0x2000  }
0xc6: {  	s15 =	sadd.s32 @!p3 $0x280, s15;
	s14 =	smul.u32 $0xFFFD0000, s14;
	[sflag:s29] =	ssyncset.done @!p2 $0x0  }
.Ltmp7:
0xc7: {  	s17 =	simm.s32 @!p3 $0x80;
	[sflag:s29] =	ssyncadd.s32 @!p2 $0xFFFFE000;
	(pc) =	sbr.rel @!p1 .LBB2_3-.Ltmp7, $4  }
0xc8: {  	[tilespmem:s30], [sflag:$0x1] =	stream.indirect.gather @!p3 [hbm4b:s1+s17], $0x40, s16, s17, $0xb8;
	v63 =	vld [tilespmem:$0x0]  }
0xc9: {  	s14 =	sshra.s32 s14, $0x2;
	s16 =	sadd.s32 @!p3 $0xA000, s13;
	s30 =	sshra.s32 s3, $0x2  }
0xca: {  	s29 =	sadd.s32 s14, s28;
	s28 =	sadd.s32 $0x4000, s28;
	s13 =	sadd.s32 $0x5000, s30  }
0xcb: {  	[tilespmem:s16], [sflag:$0x1] =	stream.indirect.gather @!p3 [hbm4b:s1+s17], $0x40, s15, s17, $0xb8;
	v63 =	vld [tilespmem:$0x0]  }
.Ltmp8:
0xcc: {  	_ = 	snop;
	(pc) =	sbr.rel .LBB2_4-.Ltmp8, $1  }
0xcd: {  	_ =	sdelay $0x3  }
.LBB2_9:
0xce: {  	_ =	sfence.sel $0x180000  }
0xcf: {  	[bflag:$0x0] =	sbarrier.arrive $0xFFFF  }
0xd0: {  	_ =	strace $0x9000004A  }
0xd1: {  	s0 =	stileid.u32;
	[bflag:$0x2] =	sbarrier.arrive $0xFFFF  }
0xd2: {  	p0 =	sne.s32 s0, $0x0;
	s0 =	rddreg [dreg:$0x4]  }
0xd3: {  	s0 =	sadd.s32 @!p0 $0x100000, s0  }
0xd4: {  	[sflag:s0] =	ssyncadd.tile.s32 @!p0 $0x1;
	_ =	shalt  }
.Lfunc_end2:
_tile_overlayer_lowered:
.L_overlay_start_2:
0xd5: {  	(tag) =	ssettag $0x2  }
0xd6: {  	s0 =	rddreg [dreg:$0x0];
	s2 =	stileid.u32  }
0xd7: {  	s1 =	rddreg [dreg:$0x1];
	p0 =	sne.s32 s2, $0x0  }
0xd8: {  	s3 =	rddreg [dreg:$0x2];
	[bflag:$0x3] =	sbarrier.arrive $0xFFFF;
	s2 =	simm.s32 @!p0 $0x1C03  }
0xd9: {  	[timem:s3], [sflag:s2] =	dma.local @!p0 [hbm:s0], s1  }
0xda: {  	s0 =	simm.s32 @!p0 $0x3  }
0xdb: {  	_ =	swait.ge @!p0 [sflag:s0], s1  }
0xdc: {  	s1 =	ssub.s32 @!p0 $0x0, s1;
	[sflag:s0] =	ssyncset.done @!p0 $0x0  }
0xdd: {  	[sflag:s0] =	ssyncadd.s32 @!p0 s1  }
0xde: {  	[bflag:$0x3] =	sbarrier.arrive $0xFFFF  }
0xdf: {  	_ =	shalt  }

// kernel: kernel.7.cloned.1.call-start
scs
__scs_entry_jumppad:
0x0: {  	(pc) =	sbr.rel $0x88, $3  }
0x1: {  	(tag) =	ssettag $0x0;
	lr =	simm.s32 $0x1  }
0x2: {  	[smem:$0x3F92] =	sst lr;
	_ =	strace $0xD0000000  }
0x3: {  	_ = 	snop  }
0x4: {  	_ = 	snop  }
0x5: {  	_ = 	snop  }
0x6: {  	_ = 	snop  }
0x7: {  	_ = 	snop  }
__scs_overlays_trampoline_lowered:
0x8: {  	[smem:$0x3FA1] =	sst s0  }
0x9: {  	[smem:$0x3FA2] =	sst s1  }
0xa: {  	[smem:$0x3FA3] =	sst s2  }
0xb: {  	[smem:$0x3FA4] =	sst s3  }
0xc: {  	[smem:$0x3FA5] =	sst s4  }
0xd: {  	[smem:$0x3FA6] =	sst s5  }
0xe: {  	[smem:$0x3FA7] =	sst s6  }
0xf: {  	[smem:$0x3FA8] =	sst s7  }
0x10: {  	[smem:$0x3FA9] =	sst s8  }
0x11: {  	[smem:$0x3FAA] =	sst s9;
	s0 =	simm.s32 @!p0 $0x0  }
0x12: {  	s1 =	sld [smem:$0x3F90];
	s0 =	simm.s32 @p0 $0x1  }
0x13: {  	[smem:$0x3FAB] =	sst s0;
	s0 =	simm.s32 @!p1 $0x0  }
0x14: {  	s2 =	sld [smem:$0x3F8F];
	s0 =	simm.s32 @p1 $0x1  }
0x15: {  	[smem:$0x3FAC] =	sst s0;
	s0 =	simm.s32 @!p2 $0x0  }
0x16: {  	s3 =	sld [smem:$0x3FDB];
	s0 =	simm.s32 @p2 $0x1  }
0x17: {  	s4 =	simm.s32 $0x1BF5;
	[smem:$0x3FAE] =	sst s0  }
0x18: {  	s0 =	sld [smem:$0x3F91];
	_ =	swait.ge [sflag:s4], $0x0  }
0x19: {  	s7 =	sld [smem:$0x3F92]  }
0x1a: {  	s8 =	sadd.s32 $0xFFFFE003, lr  }
0x1b: {  	s9 =	sadd.s32 $0xFFFFFEF7, lr;
	s5 =	simm.s32 $0xFFFFFFFF;
	p2 =	slt.u32 s8, $0xFFFFF086  }
0x1c: {  	p1 =	slt.u32 s9, $0xF7A;
	s5 =	simm.s32 @!p2 $0x0  }
0x1d: {  	s5 =	simm.s32 @p1 $0x1;
	p0 =	seq.s32 s7, s2  }
0x1e: {  	s7 =	smul.u32 @!p0 $0xF7A, s2;
	p2 =	seq.s32 @!p0 s5, $0x0  }
0x1f: {  	s9 =	smul.u32 $0xF7A, s1;
	s8 =	simm.s32 @!p0 $0x1BF5;
	p2 =	por !p2, p0  }
0x20: {  	[sflag:s8] =	ssyncset.s32 @!p0 $0xFFFFF086;
	s6 =	sadd.s32 @!p0 s3, s7;
	s7 =	simm.s32 @!p0 $0x108  }
0x21: {  	s3 =	sadd.s32 s3, s9;
	s6 =	sadd.s32 @!p0 $0x88, s6;
	s7 =	simm.s32 @p2 $0x1082  }
0x22: {  	[simem:s7], [sflag:s8] =	dma.local @!p0 [hbm:s6], $0xF7A  }
0x23: {  	s9 =	sor.u32 $0xD0000000, s2;
	s6 =	simm.s32 $0x108;
	_ =	swait.ge @!p0 [sflag:s8], $0x0  }
0x24: {  	s3 =	sadd.s32 $0x88, s3;
	s6 =	simm.s32 @!p1 $0x1082;
	[sflag:s4] =	ssyncset.s32 $0xFFFFF086  }
0x25: {  	[simem:s6], [sflag:s4] =	dma.local [hbm:s3], $0xF7A  }
0x26: {  	[smem:$0x3F92] =	sst s1;
	(tag) =	ssettag s2;
	_ =	strace s9  }
0x27: {  	s1 =	sld [smem:$0x3FA2]  }
0x28: {  	s2 =	sld [smem:$0x3FA3]  }
0x29: {  	s4 =	sld [smem:$0x3FA5]  }
0x2a: {  	p0 =	seq.s32 s5, $0x0;
	s5 =	sld [smem:$0x3FA6]  }
0x2b: {  	s6 =	sld [smem:$0x3FA7]  }
0x2c: {  	s7 =	sld [smem:$0x3FA8]  }
0x2d: {  	s3 =	simm.s32 $0x108;
	s8 =	sld [smem:$0x3FA9]  }
0x2e: {  	s3 =	simm.s32 @!p0 $0x1082;
	s9 =	sld [smem:$0x3FAA]  }
0x2f: {  	lr =	sadd.s32 s0, s3;
	s0 =	sld [smem:$0x3FA1]  }
0x30: {  	s3 =	sld [smem:$0x3FA4]  }
0x31: {  	[smem:$0x3FAD] =	sst s10  }
0x32: {  	s10 =	sld [smem:$0x3FAB];
	_ =	sdelay $0x3  }
0x33: {  	p0 =	seq.s32 s10, $0x1;
	s10 =	sld [smem:$0x3FAD];
	_ =	sdelay $0x3  }
0x34: {  	[smem:$0x3FAD] =	sst s10  }
0x35: {  	s10 =	sld [smem:$0x3FAC];
	_ =	sdelay $0x3  }
0x36: {  	p1 =	seq.s32 s10, $0x1;
	s10 =	sld [smem:$0x3FAD];
	_ =	sdelay $0x3  }
0x37: {  	[smem:$0x3FAD] =	sst s10  }
0x38: {  	s10 =	sld [smem:$0x3FAE]  }
0x39: {  	_ = 	snop;
	(pc) =	sbr.ind lr, $3  }
0x3a: {  	_ = 	snop  }
0x3b: {  	_ = 	snop  }
0x3c: {  	p2 =	seq.s32 s10, $0x1;
	s10 =	sld [smem:$0x3FAD]  }
0x3d: {  	_ =	shalt  }
0x3e: {  	_ =	shalt  }
0x3f: {  	_ =	shalt  }
0x40: {  	_ =	shalt  }
0x41: {  	_ =	shalt  }
0x42: {  	_ =	shalt  }
0x43: {  	_ =	shalt  }
0x44: {  	_ =	shalt  }
0x45: {  	_ =	shalt  }
0x46: {  	_ =	shalt  }
0x47: {  	_ =	shalt  }
0x48: {  	_ =	shalt  }
0x49: {  	_ =	shalt  }
0x4a: {  	_ =	shalt  }
0x4b: {  	_ =	shalt  }
0x4c: {  	_ =	shalt  }
0x4d: {  	_ =	shalt  }
0x4e: {  	_ =	shalt  }
0x4f: {  	_ =	shalt  }
0x50: {  	_ =	shalt  }
0x51: {  	_ =	shalt  }
0x52: {  	_ =	shalt  }
0x53: {  	_ =	shalt  }
0x54: {  	_ =	shalt  }
0x55: {  	_ =	shalt  }
0x56: {  	_ =	shalt  }
0x57: {  	_ =	shalt  }
0x58: {  	_ =	shalt  }
0x59: {  	_ =	shalt  }
0x5a: {  	_ =	shalt  }
0x5b: {  	_ =	shalt  }
0x5c: {  	_ =	shalt  }
0x5d: {  	_ =	shalt  }
0x5e: {  	_ =	shalt  }
0x5f: {  	_ =	shalt  }
0x60: {  	_ =	shalt  }
0x61: {  	_ =	shalt  }
0x62: {  	_ =	shalt  }
0x63: {  	_ =	shalt  }
0x64: {  	_ =	shalt  }
0x65: {  	_ =	shalt  }
0x66: {  	_ =	shalt  }
0x67: {  	_ =	shalt  }
0x68: {  	_ =	shalt  }
0x69: {  	_ =	shalt  }
0x6a: {  	_ =	shalt  }
0x6b: {  	_ =	shalt  }
0x6c: {  	_ =	shalt  }
0x6d: {  	_ =	shalt  }
0x6e: {  	_ =	shalt  }
0x6f: {  	_ =	shalt  }
0x70: {  	_ =	shalt  }
0x71: {  	_ =	shalt  }
0x72: {  	_ =	shalt  }
0x73: {  	_ =	shalt  }
0x74: {  	_ =	shalt  }
0x75: {  	_ =	shalt  }
0x76: {  	_ =	shalt  }
0x77: {  	_ =	shalt  }
0x78: {  	_ =	shalt  }
0x79: {  	_ =	shalt  }
0x7a: {  	_ =	shalt  }
0x7b: {  	_ =	shalt  }
0x7c: {  	_ =	shalt  }
0x7d: {  	_ =	shalt  }
0x7e: {  	_ =	shalt  }
0x7f: {  	_ =	shalt  }
0x80: {  	_ =	shalt  }
0x81: {  	_ =	shalt  }
0x82: {  	_ =	shalt  }
0x83: {  	_ =	shalt  }
0x84: {  	_ =	shalt  }
0x85: {  	_ =	shalt  }
0x86: {  	_ =	shalt  }
0x87: {  	_ =	shalt  }
.Lfunc_end0:
.L_simem_size_0:
called_computation_lowered:
.L_overlay_start_0:
0x88: {  	s2 =	sld [smem:$0x3FD9]  }
0x89: {  	s3 =	sld [smem:$0x3FFE];
	_ =	sdelay $0x1  }
0x8a: {  	s1 =	srdreg.scid  }
0x8b: {  	s0 =	sand.u32 $0x1, s1  }
0x8c: {  	s14 =	sshll.u32 s0, $0xA;
	s2 =	sadd.s32 s3, s2  }
0x8d: {  	s2 =	sadd.s32 s2, s14  }
0x8e: {  	[smem:$0x3FB9] =	sst s2  }
0x8f: {  	_ = 	snop  }
0x90: {  	s2 =	sld [smem:$0x3FD0];
	_ =	sdelay $0x2  }
0x91: {  	s4 =	simm.s32 $0xA;
	s5 =	simm.s32 $0x10;
	s15 =	sld [smem:$0x3FC8]  }
0x92: {  	[smem:s5], [sflag:s4] =	dma.local [hbm:s2], $0x1  }
0x93: {  	_ =	swait.eq [sflag:s4], $0x1  }
0x94: {  	s16 =	sld [smem:$0x10];
	[sflag:s4] =	ssyncset.done $0x0  }
0x95: {  	s17 =	sld [smem:$0x11];
	[sflag:s4] =	ssyncadd.s32 $0xFFFFFFFF  }
0x96: {  	s18 =	sld [smem:$0x12];
	(tm) =	ssettm $0x1  }
0x97: {  	s6 =	sld [smem:$0x3FFB];
	_ =	sdelay $0x3  }
0x98: {  	_ =	strace s6  }
0x99: {  	s6 =	sld [smem:$0x3FFC];
	_ =	sdelay $0x3  }
0x9a: {  	_ =	strace s6  }
0x9b: {  	s6 =	sld [smem:$0x3FFD];
	_ =	sdelay $0x3  }
0x9c: {  	_ =	strace s6  }
0x9d: {  	_ =	strace $0x8FFFFFFF  }
0x9e: {  	s19 =	sld [smem:$0x3FDB];
	_ =	sdelay $0x1  }
0x9f: {  	s7 =	simm.s32 $_scs_section_size  }
0xa0: {  	s8 =	simm.s32 $_size__tile_overlayer_lowered;
	s9 =	simm.s32 $_tile_overlayer_lowered  }
0xa1: {  	s22 =	simm.s32 $0x1BFF;
	s21 =	sshll.u32 s9, $0x1;
	s6 =	sadd.s32 s7, s19  }
0xa2: {  	s10 =	simm.s32 $0x0;
	s20 =	sshll.u32 s8, $0x1;
	s8 =	sadd.s32 s21, s6  }
0xa3: {  	[timem:s10], [sflag:s22] =	dma.local [hbm:s8], s20  }
0xa4: {  	_ =	swait.ge [sflag:s22], s20  }
0xa5: {  	s7 =	ssub.s32 $0x0, s20;
	[sflag:s22] =	ssyncset.done $0x0  }
0xa6: {  	[sflag:s22] =	ssyncadd.s32 s7;
	_ =	sdelay $0x1  }
0xa7: {  	s23 =	simm.s32 $0x1B8B  }
0xa8: {  	_ =	swait.ge [sflag:s23], $0x1  }
0xa9: {  	[sflag:s23] =	ssyncset.done $0x0  }
0xaa: {  	s25 =	simm.s32 $0x1B8E;
	s24 =	sld [smem:$0x3FFE];
	[sflag:s23] =	ssyncadd.s32 $0xFFFFFFFF  }
0xab: {  	s26 =	simm.s32 $execute0_lowered;
	[smem:$0x3FD2] =	sst s25  }
0xac: {  	s8 =	sshll.u32 s26, $0x1;
	_ =	strace $0x80000046;
	[dreg:$0x1] =	wrdreg $0xFFFFFFFF  }
0xad: {  	s28 =	simm.s32 $_size_execute0_lowered;
	s6 =	sadd.s32 s6, s8;
	[dreg:$0x0] =	wrdreg $0x0  }
0xae: {  	s8 =	sshll.u32 s28, $0x1;
	[dreg:$0x2] =	wrdreg s6  }
0xaf: {  	[dreg:$0x3] =	wrdreg s8  }
0xb0: {  	[dreg:$0x4] =	wrdreg $0xC0  }
0xb1: {  	_ =	task [dreg:s10], $0x5FFFF  }
0xb2: {  	[dreg:$0x1] =	wrdreg $0xFFFFFFFF  }
0xb3: {  	[dreg:$0x0] =	wrdreg $0x60  }
0xb4: {  	[dreg:$0x2] =	wrdreg s15  }
0xb5: {  	[dreg:$0x3] =	wrdreg s16  }
0xb6: {  	[dreg:$0x4] =	wrdreg s18  }
0xb7: {  	[dreg:$0x5] =	wrdreg s17  }
0xb8: {  	[dreg:$0x6] =	wrdreg s24  }
0xb9: {  	[dreg:$0x7] =	wrdreg $0xA3000  }
0xba: {  	[dreg:$0x8] =	wrdreg $0x9  }
0xbb: {  	_ =	task.clear_ibuf [dreg:s10], $0x9FFFF;
	_ =	strace $0x90000046  }
0xbc: {  	s29 =	simm.s32 $0x9;
	_ =	strace $0x80000048  }
0xbd: {  	_ =	swait.ge [sflag:s29], $0x1  }
0xbe: {  	[sflag:s29] =	ssyncadd.s32 $0xFFFFFFFF  }
0xbf: {  	_ =	strace $0x90000048  }
0xc0: {  	_ =	sfence  }
0xc1: {  	s30 =	sld [smem:$0x0];
	_ =	sdelay $0x2  }
0xc2: {  	s31 =	sshll.u32 s1, $0xD;
	s1 =	sshrl.u32 s1, $0x2  }
0xc3: {  	s3 =	sand.u32 $0x4000, s31;
	s1 =	sadd.s32 s1, s30  }
0xc4: {  	s0 =	sor.u32 s3, s0;
	s1 =	sshll.u32 s1, $0x11  }
0xc5: {  	s0 =	sor.u32 s1, s0  }
0xc6: {  	s0 =	sadd.s32 $0x8F2B, s0  }
0xc7: {  	[sflag:s0] =	ssyncadd.remote.s32 $0x1  }
0xc8: {  	_ =	sfence.sel $0xFFFF  }
0xc9: {  	[dreg:$0x0] =	wrdreg $0xFFFFFFFF;
	(pc) =	sbr.abs _section_cstart, $3  }
0xca: {  	[dreg:$0x1] =	wrdreg $0xFFFFFFFF  }
0xcb: {  	_ =	task.clear_ibuf [dreg:s10], $0x2FFFF;
	_ =	strace $0x9FFFFFFF  }
0xcc: {  	(tm) =	ssettm $0x7FFFFFFF  }
0xcd: {  	_ =	shalt  }
tec
execute0_lowered:
.L_overlay_start_1:
0x0: {  	(tag) =	ssettag $0x1  }
0x1: {  	s3 =	rddreg [dreg:$0x0]  }
0x2: {  	s0 =	rddreg [dreg:$0x1]  }
0x3: {  	s2 =	rddreg [dreg:$0x2]  }
0x4: {  	s14 =	rddreg [dreg:$0x3]  }
0x5: {  	s13 =	rddreg [dreg:$0x4];
	s5 =	srdreg.scid  }
0x6: {  	s1 =	stileid.u32;
	s4 =	rddreg [dreg:$0x5]  }
0x7: {  	s17 =	simm.s32 $0xA080;
	s18 =	simm.s32 $0x3;
	s19 =	simm.s32 $0xA000  }
0x8: {  	s20 =	simm.s32 $0x80;
	s21 =	simm.s32 $0x7800;
	s22 =	simm.s32 $0x1  }
0x9: {  	s23 =	simm.s32 $0x0;
	s7 =	sand.u32 $0x1, s5;
	s6 =	sshll.u32 s1, $0x1  }
0xa: {  	s5 =	simm.s32 $0x0;
	s10 =	smul.u32 $0x278, s1;
	s6 =	sor.u32 s7, s6  }
0xb: {  	[smem:$0x7FF] =	sst s5;
	s9 =	ssub.s32 $0x2, s7;
	s15 =	smul.u32 $0x2780, s7  }
0xc: {  	s8 =	smul.u32 $0x500, s6;
	_ =	strace $0x80000047;
	s30 =	sshrl.u32 s9, $0x1  }
0xd: {  	s12 =	smul.u32 $0xA00, s6;
	p0 =	seq.s32 s6, $0x1F;
	s6 =	simm.s32 $0x14  }
0xe: {  	s7 =	sadd.s32 s10, s4;
	s16 =	ssub.s32 s9, s30;
	s6 =	simm.s32 @!p0 $0x50  }
0xf: {  	s9 =	sadd.s32 $0x13600, s3;
	s31 =	sadd.s32 s10, s15;
	s11 =	sadd.s32 s8, s13  }
0x10: {  	s8 =	sadd.s32 s3, s12;
	s3 =	sshrl.u32 s31, $0x3;
	s12 =	sadd.s32 $0xBF00, s13  }
0x11: {  	s13 =	sadd.s32 $0x15D00, s13;
	s15 =	smax.u32 s16, $0x1;
	s16 =	sadd.s32 $0xFFFFFFFF, s6  }
0x12: {  	s10 =	sadd.s32 $0x2400, s11;
	s11 =	sadd.s32 $0xC200, s11;
	s14 =	sadd.s32 s14, s3  }
.LBB2_1:
0x13: {  	[tilespmem:s17], [sflag:$0x3] =	stream.linear.gather [hbm4b:s2+s5], $0x280, $0x38;
	[tilespmem:$0xA578] =	vst v63  }
0x14: {  	_ =	swait.ge [sflag:s18], $0x280  }
0x15: {  	[sflag:s18] =	ssyncset.done $0x0  }
0x16: {  	[sflag:s18] =	ssyncadd.s32 $0xFFFFFD80  }
0x17: {  	[spmem:s7] =	stream.linear.scatter [tilespmem:s17], [sflag:$0x3], $0x278, $0x38;
	[tilespmem:$0xA578] =	vst v63  }
0x18: {  	_ =	swait.ge [sflag:s18], $0x278  }
0x19: {  	[sflag:s18] =	ssyncset.done $0x0  }
0x1a: {  	[sflag:s18] =	ssyncadd.s32 $0xFFFFFD88  }
0x1b: {  	[tilespmem:s19], [sflag:$0x3] =	stream.linear.gather [hbm4b:s0+s5], $0x80, $0x38;
	[tilespmem:$0xA578] =	vst v63  }
0x1c: {  	_ =	swait.ge [sflag:s18], $0x80  }
0x1d: {  	[sflag:s18] =	ssyncset.done $0x0  }
0x1e: {  	s24 =	simm.s32 @p0 $0x0;
	s3 =	simm.s32 @p0 $0x3;
	[sflag:s18] =	ssyncadd.s32 $0xFFFFFF80  }
0x1f: {  	[tilespmem:s24], [sflag:$0x3] =	stream.linear.gather @p0 [hbm4b:s9+s24], $0x1400, $0x38;
	[tilespmem:$0xA578] =	vst v63  }
0x20: {  	_ =	swait.ge @p0 [sflag:s3], $0x1400  }
0x21: {  	[sflag:s3] =	ssyncset.done @p0 $0x0  }
0x22: {  	s25 =	simm.s32 @!p0 $0x0;
	p2 =	sne.s32 s6, $0x1;
	[sflag:s3] =	ssyncadd.s32 @p0 $0xFFFFEC00  }
0x23: {  	[tilespmem:s25], [sflag:$0x3] =	stream.linear.gather @!p0 [hbm4b:s8+s25], $0x5000, $0x38;
	[tilespmem:$0xA578] =	vst v63  }
.Ltmp0:
0x24: {  	s3 =	simm.s32 @!p0 $0x3;
	(pc) =	sbr.rel @!p2 .LBB2_2-.Ltmp0, $4  }
0x25: {  	_ =	swait.ge @!p0 [sflag:s3], $0x5000  }
0x26: {  	[sflag:s3] =	ssyncset.done @!p0 $0x0  }
0x27: {  	[sflag:s3] =	ssyncadd.s32 @!p0 $0xFFFFB000  }
0x28: {  	s26 =	simm.s32 $0x7840;
	s28 =	simm.s32 $0x5040;
	p1 =	por $0x0, $0x0;
	v0 =	vld [tilespmem:s20+$0xFFFFFF80]  }
0x29: {  	_ =	sdelay $0x3  }
0x2a: {  	[tilespmem:s28+$0xFFFFFFC0] =	vst v0  }
0x2b: {  	v0 =	vld [tilespmem:s20+$0x0];
	_ =	sdelay $0x4  }
0x2c: {  	[tilespmem:s26+$0xFFFFFFC0] =	vst v0  }
0x2d: {  	v0 =	vld [tilespmem:s20+$0xFFFFFF90];
	_ =	sdelay $0x4  }
0x2e: {  	[tilespmem:s28+$0xFFFFFFD0] =	vst v0  }
0x2f: {  	v0 =	vld [tilespmem:s20+$0x10];
	_ =	sdelay $0x4  }
0x30: {  	[tilespmem:s26+$0xFFFFFFD0] =	vst v0  }
0x31: {  	v0 =	vld [tilespmem:s20+$0xFFFFFFA0];
	_ =	sdelay $0x4  }
0x32: {  	[tilespmem:s28+$0xFFFFFFE0] =	vst v0  }
0x33: {  	v0 =	vld [tilespmem:s20+$0x20];
	_ =	sdelay $0x4  }
0x34: {  	[tilespmem:s26+$0xFFFFFFE0] =	vst v0  }
0x35: {  	v0 =	vld [tilespmem:s20+$0xFFFFFFB0];
	_ =	sdelay $0x4  }
0x36: {  	[tilespmem:s28+$0xFFFFFFF0] =	vst v0  }
0x37: {  	v0 =	vld [tilespmem:s20+$0x30];
	_ =	sdelay $0x4  }
0x38: {  	[tilespmem:s26+$0xFFFFFFF0] =	vst v0  }
0x39: {  	v0 =	vld [tilespmem:s20+$0xFFFFFFC0];
	_ =	sdelay $0x4  }
0x3a: {  	[tilespmem:s28+$0x0] =	vst v0  }
0x3b: {  	v0 =	vld [tilespmem:s20+$0x40];
	_ =	sdelay $0x4  }
0x3c: {  	[tilespmem:s26+$0x0] =	vst v0  }
0x3d: {  	v0 =	vld [tilespmem:s20+$0xFFFFFFD0];
	_ =	sdelay $0x4  }
0x3e: {  	[tilespmem:s28+$0x10] =	vst v0  }
0x3f: {  	v0 =	vld [tilespmem:s20+$0x50];
	_ =	sdelay $0x4  }
0x40: {  	[tilespmem:s26+$0x10] =	vst v0  }
0x41: {  	v0 =	vld [tilespmem:s20+$0xFFFFFFE0];
	_ =	sdelay $0x4  }
0x42: {  	[tilespmem:s28+$0x20] =	vst v0  }
0x43: {  	v0 =	vld [tilespmem:s20+$0x60];
	_ =	sdelay $0x4  }
0x44: {  	[tilespmem:s26+$0x20] =	vst v0  }
0x45: {  	v0 =	vld [tilespmem:s20+$0xFFFFFFF0];
	_ =	sdelay $0x4  }
0x46: {  	[tilespmem:s28+$0x30] =	vst v0  }
0x47: {  	v0 =	vld [tilespmem:s20+$0x70]  }
0x48: {  	p2 =	sne.s32 s16, $0x1  }
.Ltmp1:
0x49: {  	_ = 	snop;
	(pc) =	sbr.rel @!p2 .LBB2_4-.Ltmp1, $3  }
0x4a: {  	_ =	sdelay $0x1  }
0x4b: {  	s29 =	simm.s32 $0x180;
	s3 =	sadd.s32 $0xFFFFFFFF, s16;
	[tilespmem:s26+$0x30] =	vst v0  }
0x4c: {  	p1 =	por $0x1, $0x1;
	s30 =	simm.s32 $0x5040;
	s31 =	simm.s32 $0x7840;
	v0 =	vld [tilespmem:s29+$0xFFFFFF80]  }
.LBB2_5:
0x4d: {  	p2 =	sne.s32 s3, $0x1;
	_ =	sdelay $0x2  }
0x4e: {  	s30 =	sadd.s32 $0x80, s30  }
0x4f: {  	[tilespmem:s30+$0xFFFFFFC0] =	vst v0  }
0x50: {  	v0 =	vld [tilespmem:s29+$0x0];
	_ =	sdelay $0x3  }
0x51: {  	s31 =	sadd.s32 $0x80, s31  }
0x52: {  	[tilespmem:s31+$0xFFFFFFC0] =	vst v0  }
0x53: {  	v0 =	vld [tilespmem:s29+$0xFFFFFF90];
	_ =	sdelay $0x4  }
0x54: {  	[tilespmem:s30+$0xFFFFFFD0] =	vst v0  }
0x55: {  	v0 =	vld [tilespmem:s29+$0x10];
	_ =	sdelay $0x4  }
0x56: {  	[tilespmem:s31+$0xFFFFFFD0] =	vst v0  }
0x57: {  	v0 =	vld [tilespmem:s29+$0xFFFFFFA0];
	_ =	sdelay $0x4  }
0x58: {  	[tilespmem:s30+$0xFFFFFFE0] =	vst v0  }
0x59: {  	v0 =	vld [tilespmem:s29+$0x20];
	_ =	sdelay $0x4  }
0x5a: {  	[tilespmem:s31+$0xFFFFFFE0] =	vst v0  }
0x5b: {  	v0 =	vld [tilespmem:s29+$0xFFFFFFB0];
	_ =	sdelay $0x4  }
0x5c: {  	[tilespmem:s30+$0xFFFFFFF0] =	vst v0  }
0x5d: {  	v0 =	vld [tilespmem:s29+$0x30];
	_ =	sdelay $0x4  }
0x5e: {  	[tilespmem:s31+$0xFFFFFFF0] =	vst v0  }
0x5f: {  	v0 =	vld [tilespmem:s29+$0xFFFFFFC0];
	_ =	sdelay $0x4  }
0x60: {  	[tilespmem:s30+$0x0] =	vst v0  }
0x61: {  	v0 =	vld [tilespmem:s29+$0x40];
	_ =	sdelay $0x4  }
0x62: {  	[tilespmem:s31+$0x0] =	vst v0  }
0x63: {  	v0 =	vld [tilespmem:s29+$0xFFFFFFD0];
	_ =	sdelay $0x4  }
0x64: {  	[tilespmem:s30+$0x10] =	vst v0  }
0x65: {  	v0 =	vld [tilespmem:s29+$0x50];
	_ =	sdelay $0x4  }
0x66: {  	[tilespmem:s31+$0x10] =	vst v0  }
0x67: {  	v0 =	vld [tilespmem:s29+$0xFFFFFFE0];
	_ =	sdelay $0x4  }
0x68: {  	[tilespmem:s30+$0x20] =	vst v0  }
0x69: {  	v0 =	vld [tilespmem:s29+$0x60];
	_ =	sdelay $0x4  }
0x6a: {  	[tilespmem:s31+$0x20] =	vst v0  }
0x6b: {  	v0 =	vld [tilespmem:s29+$0xFFFFFFF0];
	_ =	sdelay $0x4  }
0x6c: {  	[tilespmem:s30+$0x30] =	vst v0  }
0x6d: {  	v0 =	vld [tilespmem:s29+$0x70];
	_ =	sdelay $0x1  }
.Ltmp2:
0x6e: {  	(pc) =	sbr.rel @p2 .LBB2_5-.Ltmp2, $3  }
0x6f: {  	_ =	sdelay $0x1  }
0x70: {  	s29 =	sadd.s32 $0x100, s29;
	[tilespmem:s31+$0x30] =	vst v0  }
0x71: {  	s3 =	sadd.s32 $0xFFFFFFFF, s3;
	v0 =	vld [tilespmem:s29+$0xFFFFFF80]  }
.LBB2_6:
0x72: {  	_ =	sdelay $0x1  }
0x73: {  	s3 =	sadd.s32 @p1 $0x80, s30  }
0x74: {  	s28 =	smov.u32 @p1 s3  }
0x75: {  	[tilespmem:s28+$0xFFFFFFC0] =	vst v0  }
0x76: {  	v0 =	vld [tilespmem:s29+$0x0];
	_ =	sdelay $0x2  }
0x77: {  	s3 =	sadd.s32 @p1 $0x80, s31  }
0x78: {  	s26 =	smov.u32 @p1 s3  }
0x79: {  	[tilespmem:s26+$0xFFFFFFC0] =	vst v0  }
0x7a: {  	v0 =	vld [tilespmem:s29+$0xFFFFFF90];
	_ =	sdelay $0x4  }
0x7b: {  	[tilespmem:s28+$0xFFFFFFD0] =	vst v0  }
0x7c: {  	v0 =	vld [tilespmem:s29+$0x10];
	_ =	sdelay $0x4  }
0x7d: {  	[tilespmem:s26+$0xFFFFFFD0] =	vst v0  }
0x7e: {  	v0 =	vld [tilespmem:s29+$0xFFFFFFA0];
	_ =	sdelay $0x4  }
0x7f: {  	[tilespmem:s28+$0xFFFFFFE0] =	vst v0  }
0x80: {  	v0 =	vld [tilespmem:s29+$0x20];
	_ =	sdelay $0x4  }
0x81: {  	[tilespmem:s26+$0xFFFFFFE0] =	vst v0  }
0x82: {  	v0 =	vld [tilespmem:s29+$0xFFFFFFB0];
	_ =	sdelay $0x4  }
0x83: {  	[tilespmem:s28+$0xFFFFFFF0] =	vst v0  }
0x84: {  	v0 =	vld [tilespmem:s29+$0x30];
	_ =	sdelay $0x4  }
0x85: {  	[tilespmem:s26+$0xFFFFFFF0] =	vst v0  }
0x86: {  	v0 =	vld [tilespmem:s29+$0xFFFFFFC0];
	_ =	sdelay $0x4  }
0x87: {  	[tilespmem:s28+$0x0] =	vst v0  }
0x88: {  	v0 =	vld [tilespmem:s29+$0x40];
	_ =	sdelay $0x4  }
0x89: {  	[tilespmem:s26+$0x0] =	vst v0  }
0x8a: {  	v0 =	vld [tilespmem:s29+$0xFFFFFFD0];
	_ =	sdelay $0x4  }
0x8b: {  	[tilespmem:s28+$0x10] =	vst v0  }
0x8c: {  	v0 =	vld [tilespmem:s29+$0x50];
	_ =	sdelay $0x4  }
0x8d: {  	[tilespmem:s26+$0x10] =	vst v0  }
0x8e: {  	v0 =	vld [tilespmem:s29+$0xFFFFFFE0];
	_ =	sdelay $0x4  }
0x8f: {  	[tilespmem:s28+$0x20] =	vst v0  }
0x90: {  	v0 =	vld [tilespmem:s29+$0x60];
	_ =	sdelay $0x4  }
0x91: {  	[tilespmem:s26+$0x20] =	vst v0  }
0x92: {  	v0 =	vld [tilespmem:s29+$0xFFFFFFF0];
	_ =	sdelay $0x4  }
0x93: {  	[tilespmem:s28+$0x30] =	vst v0  }
0x94: {  	v0 =	vld [tilespmem:s29+$0x70];
	_ =	sdelay $0x4  }
0x95: {  	s3 =	simm.s32 @p0 $0x5000;
	[tilespmem:s26+$0x30] =	vst v0  }
0x96: {  	[hbm4b:s12+s24] =	stream.linear.scatter @p0 [tilespmem:s3], [sflag:$0x2], $0xC00, $0x38;
	[tilespmem:$0xA578] =	vst v63  }
0x97: {  	s3 =	simm.s32 @p0 $0x7800  }
0x98: {  	[hbm4b:s13+s24] =	stream.linear.scatter @p0 [tilespmem:s3], [sflag:$0x2], $0xC00, $0x38;
	[tilespmem:$0xA578] =	vst v63  }
0x99: {  	s3 =	simm.s32 @!p0 $0x5000  }
0x9a: {  	[hbm4b:s10+s25] =	stream.linear.scatter @!p0 [tilespmem:s3], [sflag:$0x2], $0x2800, $0x38;
	[tilespmem:$0xA578] =	vst v63  }
0x9b: {  	s3 =	simm.s32 @!p0 $0x7800  }
0x9c: {  	[hbm4b:s11+s25] =	stream.linear.scatter @!p0 [tilespmem:s3], [sflag:$0x2], $0x2800, $0x38;
	[tilespmem:$0xA578] =	vst v63  }
0x9d: {  	p1 =	sne.s32 s16, $0x1  }
0x9e: {  	[spmem:s4] =	stream.indirect.scatter.add.f32 [tilespmem:s19], [sflag:$0x1], $0x1, s21, s20, $0xb8;
	[tilespmem:$0xA578] =	vst v63  }
.Ltmp3:
0x9f: {  	_ = 	snop;
	(pc) =	sbr.rel @!p1 .LBB2_8-.Ltmp3, $4  }
0xa0: {  	s3 =	simm.s32 $0x7880  }
0xa1: {  	[spmem:s4] =	stream.indirect.scatter.add.f32 [tilespmem:s19], [sflag:$0x1], $0x1, s3, s20, $0xb8;
	[tilespmem:$0xA578] =	vst v63  }
0xa2: {  	_ =	swait.ge [sflag:s22], $0x80  }
0xa3: {  	s24 =	sadd.s32 $0xFFFFFFFF, s16;
	[sflag:s22] =	ssyncset.done $0x0  }
.LBB2_7:
0xa4: {  	p1 =	sne.s32 s24, $0x1;
	[sflag:s22] =	ssyncadd.s32 $0xFFFFFF80;
	s3 =	sadd.s32 $0x80, s3  }
.Ltmp4:
0xa5: {  	s24 =	sadd.s32 $0xFFFFFFFF, s24;
	(pc) =	sbr.rel @p1 .LBB2_7-.Ltmp4, $4  }
0xa6: {  	_ = 	snop  }
0xa7: {  	[spmem:s4] =	stream.indirect.scatter.add.f32 [tilespmem:s19], [sflag:$0x1], $0x1, s3, s20, $0xb8;
	[tilespmem:$0xA578] =	vst v63  }
0xa8: {  	_ =	swait.ge [sflag:s22], $0x80  }
0xa9: {  	[sflag:s22] =	ssyncset.done $0x0  }
.LBB2_8:
0xaa: {  	[sflag:s22] =	ssyncadd.s32 $0xFFFFFF80  }
0xab: {  	_ =	swait.ge [sflag:s22], $0x80  }
0xac: {  	[sflag:s22] =	ssyncset.done $0x0  }
0xad: {  	s3 =	simm.s32 @p0 $0x2;
	[sflag:s22] =	ssyncadd.s32 $0xFFFFFF80  }
0xae: {  	_ =	swait.ge @p0 [sflag:s3], $0xC00  }
0xaf: {  	[sflag:s3] =	ssyncset.done @p0 $0x0  }
0xb0: {  	[sflag:s3] =	ssyncadd.s32 @p0 $0xFFFFF400  }
0xb1: {  	_ =	swait.ge @p0 [sflag:s3], $0xC00  }
0xb2: {  	[sflag:s3] =	ssyncset.done @p0 $0x0  }
0xb3: {  	[sflag:s3] =	ssyncadd.s32 @p0 $0xFFFFF400;
	s3 =	simm.s32 @!p0 $0x2  }
0xb4: {  	_ =	swait.ge @!p0 [sflag:s3], $0x2800  }
0xb5: {  	[sflag:s3] =	ssyncset.done @!p0 $0x0  }
0xb6: {  	[sflag:s3] =	ssyncadd.s32 @!p0 $0xFFFFD800  }
0xb7: {  	_ =	swait.ge @!p0 [sflag:s3], $0x2800  }
0xb8: {  	[sflag:s3] =	ssyncset.done @!p0 $0x0  }
0xb9: {  	[sflag:s3] =	ssyncadd.s32 @!p0 $0xFFFFD800  }
0xba: {  	[bflag:$0x0] =	sbarrier.arrive $0xFFFF  }
0xbb: {  	[tilespmem:s17], [sflag:$0x3] =	stream.linear.gather [spmem:s7], $0x278, $0x38;
	[tilespmem:$0xA578] =	vst v63  }
0xbc: {  	_ =	swait.ge [sflag:s18], $0x278  }
0xbd: {  	s23 =	sadd.s32 $0x1, s23;
	[sflag:s18] =	ssyncset.done $0x0  }
0xbe: {  	p1 =	sne.s32 s23, s15;
	[sflag:s18] =	ssyncadd.s32 $0xFFFFFD88  }
0xbf: {  	[hbm4b:s14+s5] =	stream.linear.scatter [tilespmem:s17], [sflag:$0x3], $0x278, $0x38;
	[tilespmem:$0xA578] =	vst v63  }
.Ltmp5:
0xc0: {  	_ = 	snop;
	(pc) =	sbr.rel @p1 .LBB2_1-.Ltmp5, $4  }
.Ltmp6:
0xc1: {  	_ = 	snop;
	(pc) =	sbr.rel @!p1 .LBB2_9-.Ltmp6, $4  }
0xc2: {  	_ =	swait.ge [sflag:s18], $0x278  }
0xc3: {  	[sflag:s18] =	ssyncset.done $0x0  }
0xc4: {  	[sflag:s18] =	ssyncadd.s32 $0xFFFFFD88  }
0xc5: {  	_ = 	snop  }
.LBB2_2:
.Ltmp7:
0xc6: {  	(pc) =	sbr.rel .LBB2_6-.Ltmp7, $2  }
0xc7: {  	_ =	sdelay $0x2  }
0xc8: {  	s30 =	simm.s32 $0x5040;
	s29 =	simm.s32 $0x80;
	s31 =	simm.s32 $0x7840  }
.LBB2_4:
.Ltmp8:
0xc9: {  	(pc) =	sbr.rel .LBB2_6-.Ltmp8, $2  }
0xca: {  	_ =	sdelay $0x2  }
0xcb: {  	s30 =	simm.s32 $0x5040;
	s31 =	simm.s32 $0x7840  }
.LBB2_9:
0xcc: {  	_ =	sfence.sel $0x180000  }
0xcd: {  	[bflag:$0x0] =	sbarrier.arrive $0xFFFF  }
0xce: {  	_ =	strace $0x90000047  }
0xcf: {  	[bflag:$0x2] =	sbarrier.arrive $0xFFFF  }
0xd0: {  	p0 =	sne.s32 s1, $0x0;
	s0 =	rddreg [dreg:$0x6]  }
0xd1: {  	s0 =	sadd.s32 @!p0 $0x100000, s0  }
0xd2: {  	[sflag:s0] =	ssyncadd.tile.s32 @!p0 $0x1;
	_ =	shalt  }
.Lfunc_end2:
_tile_overlayer_lowered:
.L_overlay_start_2:
0xd3: {  	(tag) =	ssettag $0x2  }
0xd4: {  	s0 =	rddreg [dreg:$0x0];
	s2 =	stileid.u32  }
0xd5: {  	s1 =	rddreg [dreg:$0x1];
	p0 =	sne.s32 s2, $0x0  }
0xd6: {  	s3 =	rddreg [dreg:$0x2];
	[bflag:$0x3] =	sbarrier.arrive $0xFFFF;
	s2 =	simm.s32 @!p0 $0x1C03  }
0xd7: {  	[timem:s3], [sflag:s2] =	dma.local @!p0 [hbm:s0], s1  }
0xd8: {  	s0 =	simm.s32 @!p0 $0x3  }
0xd9: {  	_ =	swait.ge @!p0 [sflag:s0], s1  }
0xda: {  	s1 =	ssub.s32 @!p0 $0x0, s1;
	[sflag:s0] =	ssyncset.done @!p0 $0x0  }
0xdb: {  	[sflag:s0] =	ssyncadd.s32 @!p0 s1  }
0xdc: {  	[bflag:$0x3] =	sbarrier.arrive $0xFFFF  }
0xdd: {  	_ =	shalt  }

</sc_bundles>
